<compile_context>
chip_gen: v7x
topology: tpu7x:2x2x1
jax: 0.10.2.dev20260603
libtpu: 0.0.44.dev20260713+nightly
codegen_flags: <defaults>
</compile_context>

<pallas_src>
import jax
import jax.numpy as jnp
from jax import lax
from jax.experimental import pallas as pl
from jax.experimental.pallas import tpu as pltpu
from jax.experimental.pallas import tpu_sc as plsc

_B, _T, _D = 1024, 200, 128
_NW = 32
_RPW = _B // _NW
_NSLOT = 4
_L = 16


def _emb_body(ids_hbm, tok_hbm, pos_hbm, out_hbm, idxs, pos_v, bufs, gsem, osem, isem):
    wid = lax.axis_index("s") * 2 + lax.axis_index("c")
    base = wid * _RPW * _T

    def idx_load(r, slot):
        return pltpu.make_async_copy(
            ids_hbm.at[pl.ds(base + r * _T, _T)],
            idxs.at[pl.ds(slot * _T, _T)],
            isem.at[slot],
        )

    def gather(r, slot):
        return pltpu.make_async_copy(
            tok_hbm.at[idxs.at[pl.ds(slot * _T, _T)]],
            bufs.at[pl.ds(slot * _T, _T)],
            gsem.at[slot],
        )

    def store(r, slot):
        return pltpu.make_async_copy(
            bufs.at[pl.ds(slot * _T, _T)],
            out_hbm.at[pl.ds(base + r * _T, _T)],
            osem.at[slot],
        )

    def add_pos(slot):
        @plsc.parallel_loop(0, _T, step=1, unroll=2)
        def _(i):
            for j in range(_D // _L):
                plsc.addupdate(
                    bufs.at[slot * _T + i, pl.ds(j * _L, _L)],
                    pos_v[i, pl.ds(j * _L, _L)])

    for r in range(_NSLOT):
        idx_load(r, r).start()
    for r in range(_NSLOT - 1):
        idx_load(r, r).wait()
        gather(r, r).start()
    pltpu.sync_copy(pos_hbm.at[pl.ds(0, _T)], pos_v)

    gather(0, 0).wait()
    idx_load(4, 0).start()
    add_pos(0)
    store(0, 0).start()
    idx_load(3, 3).wait()
    gather(3, 3).start()

    @pl.loop(0, 7)
    def _(k):
        for j in range(_NSLOT):
            r = k * _NSLOT + 1 + j
            s = (1 + j) % _NSLOT
            gather(r, s).wait()
            idx_load(jnp.minimum(r + 4, _RPW - 1), s).start()
            add_pos(s)
            store(r, s).start()
            nslot = (1 + j + 3) % _NSLOT
            store(r - 1, nslot).wait()
            idx_load(r + 3, nslot).wait()
            gather(r + 3, nslot).start()

    for r in (29, 30, 31):
        slot = r % _NSLOT
        gather(r, slot).wait()
        add_pos(slot)
        store(r, slot).start()
    for r in (28, 29, 30, 31):
        store(r, r % _NSLOT).wait()
    idx_load(_RPW - 1, 0).wait()


def kernel(input_ids, token_table, pos_table):
    ids = input_ids.reshape(_B * _T).astype(jnp.int32)
    mesh = plsc.VectorSubcoreMesh(core_axis_name="c", subcore_axis_name="s")
    out = pl.kernel(
        _emb_body,
        out_type=jax.ShapeDtypeStruct((_B * _T, _D), jnp.float32),
        mesh=mesh,
        compiler_params=pltpu.CompilerParams(
            disable_bounds_checks=True, disable_semaphore_checks=True,
            skip_device_barrier=True),
        scratch_types=[
            pltpu.VMEM((_NSLOT * _T,), jnp.int32),
            pltpu.VMEM((_T, _D), jnp.float32),
            pltpu.VMEM((_NSLOT * _T, _D), jnp.float32),
            pltpu.SemaphoreType.DMA((_NSLOT,)),
            pltpu.SemaphoreType.DMA((_NSLOT,)),
            pltpu.SemaphoreType.DMA((_NSLOT,)),
        ],
    )(ids, token_table, pos_table)
    return out.reshape(_B, _T, _D)

# --- scband reference (transcript-rebuilt; emitter-appended) ---
"""Pipeline reference for scband-token-positional-embedding-67671504715937 (READ-ONLY COPY).

The authoritative reference and input builder live on the scoring server;
editing this copy changes nothing except your own understanding.
"""

import jax, jax.numpy as jnp
import numpy as np

VOCAB = 100000
D_MODEL = 128
MAX_LEN = 512
PAD_IDX = 0
B = 1024
T = 200


def setup_inputs(seed: int = 0) -> dict:
    key = jax.random.key(seed)
    k1, k2, k3 = jax.random.split(key, 3)
    input_ids = jax.random.randint(k1, (B, T), 0, VOCAB, dtype=jnp.int64) if jax.config.read('jax_enable_x64') else jax.random.randint(k1, (B, T), 0, VOCAB, dtype=jnp.int32)
    token_table = jax.random.normal(k2, (VOCAB, D_MODEL), dtype=jnp.float32)
    # torch nn.Embedding with padding_idx zeroes that row at init
    token_table = token_table.at[PAD_IDX].set(0.0)
    pos_table = jax.random.normal(k3, (MAX_LEN, D_MODEL), dtype=jnp.float32)
    return {"input_ids": input_ids, "token_table": token_table, "pos_table": pos_table}


def reference(input_ids, token_table, pos_table):
    batch_size, seq_len = input_ids.shape
    positions = jnp.arange(seq_len, dtype=input_ids.dtype)[None, :]
    # token embedding gather; padding_idx row contributes a zero vector
    tok_emb = jnp.take(token_table, input_ids, axis=0)
    pad_mask = (input_ids != PAD_IDX)[..., None].astype(tok_emb.dtype)
    tok_emb = tok_emb * pad_mask
    # positional embedding gather, broadcast over batch
    pos_emb = jnp.take(pos_table, positions, axis=0)  # [1, T, D]
    return tok_emb + pos_emb

if __name__ == "__main__":
    import jax
    _d = setup_inputs()
    print(jax.jit(kernel)(*tuple(_d.values())))

</pallas_src>

<mosaic_0001>
#map = affine_map<(d0, d1) -> (0)>
#map1 = affine_map<(d0, d1) -> (0, 0)>
module attributes {stable_mosaic.version = 14 : i64} {
  func.func @_emb_body(%arg0: i32, %arg1: i32, %arg2: memref<204800xi32, #tpu.memory_space<hbm>>, %arg3: memref<100000x128xf32, #tpu.memory_space<hbm>>, %arg4: memref<512x128xf32, #tpu.memory_space<hbm>>, %arg5: memref<204800x128xf32, #tpu.memory_space<hbm>>, %arg6: memref<800xi32, #tpu.memory_space<vmem>>, %arg7: memref<200x128xf32, #tpu.memory_space<vmem>>, %arg8: memref<800x128xf32, #tpu.memory_space<vmem>>, %arg9: memref<4x!tpu.dma_semaphore, #tpu.memory_space<semaphore_mem>>, %arg10: memref<4x!tpu.dma_semaphore, #tpu.memory_space<semaphore_mem>>, %arg11: memref<4x!tpu.dma_semaphore, #tpu.memory_space<semaphore_mem>>) attributes {dimension_semantics = [#tpu.dimension_semantics<core_parallel>, #tpu.dimension_semantics<subcore_parallel>], iteration_bounds = array<i64: 2, 16>, scalar_prefetch = 0 : i64, scratch_operands = 6 : i64, tpu.core_type = #tpu.core_type<sc_vector_subcore>, window_params = [{transform_indices = #map}, {transform_indices = #map1}, {transform_indices = #map1}, {transform_indices = #map1}]} {
    %mul3A = arith.constant 2 : i32
    %mul3A_0 = arith.muli %arg1, %mul3A : i32
    %add3A = arith.addi %mul3A_0, %arg0 : i32
    %mul3A_1 = arith.constant 32 : i32
    %mul3A_2 = arith.muli %add3A, %mul3A_1 : i32
    %mul3A_3 = arith.constant 200 : i32
    %mul3A_4 = arith.muli %mul3A_2, %mul3A_3 : i32
    %add3A_5 = arith.constant 0 : i32
    %add3A_6 = arith.addi %mul3A_4, %add3A_5 : i32
    %dma_start3A = arith.constant 0 : i32
    %dma_start3A_7 = arith.constant 0 : i32
    %dma_start3A_8 = tpu.memref_slice %arg6[%dma_start3A_7] : memref<800xi32, #tpu.memory_space<vmem>> -> memref<200xi32, #tpu.memory_space<vmem>>
    %dma_start3A_9 = tpu.memref_slice %arg2[%add3A_6] : memref<204800xi32, #tpu.memory_space<hbm>> -> memref<200xi32, #tpu.memory_space<hbm>>
    %dma_start3A_10 = tpu.memref_slice %arg11[%dma_start3A] : memref<4x!tpu.dma_semaphore, #tpu.memory_space<semaphore_mem>> -> memref<1x!tpu.dma_semaphore, #tpu.memory_space<semaphore_mem>>
    %dma_start3A_11 = tpu.memref_squeeze %dma_start3A_10 : memref<1x!tpu.dma_semaphore, #tpu.memory_space<semaphore_mem>> -> memref<!tpu.dma_semaphore, #tpu.memory_space<semaphore_mem>>
    %dma_start3A_12 = arith.constant 0 : i32
    %dma_start3A_13 = tpu.memref_slice %arg6[%dma_start3A_12] : memref<800xi32, #tpu.memory_space<vmem>> -> memref<200xi32, #tpu.memory_space<vmem>>
    %dma_start3A_14 = tpu.memref_slice %arg2[%add3A_6] : memref<204800xi32, #tpu.memory_space<hbm>> -> memref<200xi32, #tpu.memory_space<hbm>>
    tpu.enqueue_dma source(%dma_start3A_14 : memref<200xi32, #tpu.memory_space<hbm>>) target(%dma_start3A_13 : memref<200xi32, #tpu.memory_space<vmem>>) target_semaphore(%dma_start3A_11 : memref<!tpu.dma_semaphore, #tpu.memory_space<semaphore_mem>>)
    %add3A_15 = arith.constant 200 : i32
    %add3A_16 = arith.addi %mul3A_4, %add3A_15 : i32
    %dma_start3A_17 = arith.constant 1 : i32
    %dma_start3A_18 = arith.constant 200 : i32
    %dma_start3A_19 = tpu.memref_slice %arg6[%dma_start3A_18] : memref<800xi32, #tpu.memory_space<vmem>> -> memref<200xi32, #tpu.memory_space<vmem>>
    %dma_start3A_20 = tpu.memref_slice %arg2[%add3A_16] : memref<204800xi32, #tpu.memory_space<hbm>> -> memref<200xi32, #tpu.memory_space<hbm>>
    %dma_start3A_21 = tpu.memref_slice %arg11[%dma_start3A_17] : memref<4x!tpu.dma_semaphore, #tpu.memory_space<semaphore_mem>> -> memref<1x!tpu.dma_semaphore, #tpu.memory_space<semaphore_mem>>
    %dma_start3A_22 = tpu.memref_squeeze %dma_start3A_21 : memref<1x!tpu.dma_semaphore, #tpu.memory_space<semaphore_mem>> -> memref<!tpu.dma_semaphore, #tpu.memory_space<semaphore_mem>>
    %dma_start3A_23 = arith.constant 200 : i32
    %dma_start3A_24 = tpu.memref_slice %arg6[%dma_start3A_23] : memref<800xi32, #tpu.memory_space<vmem>> -> memref<200xi32, #tpu.memory_space<vmem>>
    %dma_start3A_25 = tpu.memref_slice %arg2[%add3A_16] : memref<204800xi32, #tpu.memory_space<hbm>> -> memref<200xi32, #tpu.memory_space<hbm>>
    tpu.enqueue_dma source(%dma_start3A_25 : memref<200xi32, #tpu.memory_space<hbm>>) target(%dma_start3A_24 : memref<200xi32, #tpu.memory_space<vmem>>) target_semaphore(%dma_start3A_22 : memref<!tpu.dma_semaphore, #tpu.memory_space<semaphore_mem>>)
    %add3A_26 = arith.constant 400 : i32
    %add3A_27 = arith.addi %mul3A_4, %add3A_26 : i32
    %dma_start3A_28 = arith.constant 2 : i32
    %dma_start3A_29 = arith.constant 400 : i32
    %dma_start3A_30 = tpu.memref_slice %arg6[%dma_start3A_29] : memref<800xi32, #tpu.memory_space<vmem>> -> memref<200xi32, #tpu.memory_space<vmem>>
    %dma_start3A_31 = tpu.memref_slice %arg2[%add3A_27] : memref<204800xi32, #tpu.memory_space<hbm>> -> memref<200xi32, #tpu.memory_space<hbm>>
    %dma_start3A_32 = tpu.memref_slice %arg11[%dma_start3A_28] : memref<4x!tpu.dma_semaphore, #tpu.memory_space<semaphore_mem>> -> memref<1x!tpu.dma_semaphore, #tpu.memory_space<semaphore_mem>>
    %dma_start3A_33 = tpu.memref_squeeze %dma_start3A_32 : memref<1x!tpu.dma_semaphore, #tpu.memory_space<semaphore_mem>> -> memref<!tpu.dma_semaphore, #tpu.memory_space<semaphore_mem>>
    %dma_start3A_34 = arith.constant 400 : i32
    %dma_start3A_35 = tpu.memref_slice %arg6[%dma_start3A_34] : memref<800xi32, #tpu.memory_space<vmem>> -> memref<200xi32, #tpu.memory_space<vmem>>
    %dma_start3A_36 = tpu.memref_slice %arg2[%add3A_27] : memref<204800xi32, #tpu.memory_space<hbm>> -> memref<200xi32, #tpu.memory_space<hbm>>
    tpu.enqueue_dma source(%dma_start3A_36 : memref<200xi32, #tpu.memory_space<hbm>>) target(%dma_start3A_35 : memref<200xi32, #tpu.memory_space<vmem>>) target_semaphore(%dma_start3A_33 : memref<!tpu.dma_semaphore, #tpu.memory_space<semaphore_mem>>)
    %add3A_37 = arith.constant 600 : i32
    %add3A_38 = arith.addi %mul3A_4, %add3A_37 : i32
    %dma_start3A_39 = arith.constant 3 : i32
    %dma_start3A_40 = arith.constant 600 : i32
    %dma_start3A_41 = tpu.memref_slice %arg6[%dma_start3A_40] : memref<800xi32, #tpu.memory_space<vmem>> -> memref<200xi32, #tpu.memory_space<vmem>>
    %dma_start3A_42 = tpu.memref_slice %arg2[%add3A_38] : memref<204800xi32, #tpu.memory_space<hbm>> -> memref<200xi32, #tpu.memory_space<hbm>>
    %dma_start3A_43 = tpu.memref_slice %arg11[%dma_start3A_39] : memref<4x!tpu.dma_semaphore, #tpu.memory_space<semaphore_mem>> -> memref<1x!tpu.dma_semaphore, #tpu.memory_space<semaphore_mem>>
    %dma_start3A_44 = tpu.memref_squeeze %dma_start3A_43 : memref<1x!tpu.dma_semaphore, #tpu.memory_space<semaphore_mem>> -> memref<!tpu.dma_semaphore, #tpu.memory_space<semaphore_mem>>
    %dma_start3A_45 = arith.constant 600 : i32
    %dma_start3A_46 = tpu.memref_slice %arg6[%dma_start3A_45] : memref<800xi32, #tpu.memory_space<vmem>> -> memref<200xi32, #tpu.memory_space<vmem>>
    %dma_start3A_47 = tpu.memref_slice %arg2[%add3A_38] : memref<204800xi32, #tpu.memory_space<hbm>> -> memref<200xi32, #tpu.memory_space<hbm>>
    tpu.enqueue_dma source(%dma_start3A_47 : memref<200xi32, #tpu.memory_space<hbm>>) target(%dma_start3A_46 : memref<200xi32, #tpu.memory_space<vmem>>) target_semaphore(%dma_start3A_44 : memref<!tpu.dma_semaphore, #tpu.memory_space<semaphore_mem>>)
    %add3A_48 = arith.constant 0 : i32
    %add3A_49 = arith.addi %mul3A_4, %add3A_48 : i32
    %dma_wait3A = arith.constant 0 : i32
    %dma_wait3A_50 = arith.constant 0 : i32
    %dma_wait3A_51 = tpu.memref_slice %arg6[%dma_wait3A_50] : memref<800xi32, #tpu.memory_space<vmem>> -> memref<200xi32, #tpu.memory_space<vmem>>
    %dma_wait3A_52 = tpu.memref_slice %arg2[%add3A_49] : memref<204800xi32, #tpu.memory_space<hbm>> -> memref<200xi32, #tpu.memory_space<hbm>>
    %dma_wait3A_53 = tpu.memref_slice %arg11[%dma_wait3A] : memref<4x!tpu.dma_semaphore, #tpu.memory_space<semaphore_mem>> -> memref<1x!tpu.dma_semaphore, #tpu.memory_space<semaphore_mem>>
    %dma_wait3A_54 = tpu.memref_squeeze %dma_wait3A_53 : memref<1x!tpu.dma_semaphore, #tpu.memory_space<semaphore_mem>> -> memref<!tpu.dma_semaphore, #tpu.memory_space<semaphore_mem>>
    %dma_wait3A_55 = arith.constant 0 : i32
    %dma_wait3A_56 = tpu.memref_slice %arg6[%dma_wait3A_55] : memref<800xi32, #tpu.memory_space<vmem>> -> memref<200xi32, #tpu.memory_space<vmem>>
    %dma_wait3A_57 = tpu.memref_slice %arg2[%add3A_49] : memref<204800xi32, #tpu.memory_space<hbm>> -> memref<200xi32, #tpu.memory_space<hbm>>
    tpu.wait_dma2 semaphore(%dma_wait3A_54 : memref<!tpu.dma_semaphore, #tpu.memory_space<semaphore_mem>>) src(%dma_wait3A_57 : memref<200xi32, #tpu.memory_space<hbm>>) dst(%dma_wait3A_56 : memref<200xi32, #tpu.memory_space<vmem>>)
    %dma_start3A_58 = arith.constant 0 : i32
    %dma_start3A_59 = arith.constant 0 : i32
    %dma_start3A_60 = arith.constant 0 : i32
    %dma_start3A_61 = tpu.memref_slice %arg8[%dma_start3A_59, %dma_start3A_60] : memref<800x128xf32, #tpu.memory_space<vmem>> -> memref<200x128xf32, #tpu.memory_space<vmem>>
    %dma_start3A_62 = arith.constant 0 : i32
    %dma_start3A_63 = tpu.memref_slice %arg6[%dma_start3A_62] : memref<800xi32, #tpu.memory_space<vmem>> -> memref<200xi32, #tpu.memory_space<vmem>>
    %dma_start3A_64 = arith.constant 0 : i32
    %dma_start3A_65 = arith.constant 0 : i32
    %dma_start3A_66 = tpu.memref_slice %arg3[%dma_start3A_64, %dma_start3A_65] : memref<100000x128xf32, #tpu.memory_space<hbm>> -> memref<100000x128xf32, #tpu.memory_space<hbm>>
    %dma_start3A_67 = tpu.memref_slice %arg9[%dma_start3A_58] : memref<4x!tpu.dma_semaphore, #tpu.memory_space<semaphore_mem>> -> memref<1x!tpu.dma_semaphore, #tpu.memory_space<semaphore_mem>>
    %dma_start3A_68 = tpu.memref_squeeze %dma_start3A_67 : memref<1x!tpu.dma_semaphore, #tpu.memory_space<semaphore_mem>> -> memref<!tpu.dma_semaphore, #tpu.memory_space<semaphore_mem>>
    tpu.enqueue_indirect_dma source(%dma_start3A_66 : memref<100000x128xf32, #tpu.memory_space<hbm>>) target(%dma_start3A_61 : memref<200x128xf32, #tpu.memory_space<vmem>>) offsets(%dma_start3A_63 : memref<200xi32, #tpu.memory_space<vmem>>) semaphore(%dma_start3A_68 : memref<!tpu.dma_semaphore, #tpu.memory_space<semaphore_mem>>)
    %add3A_69 = arith.constant 200 : i32
    %add3A_70 = arith.addi %mul3A_4, %add3A_69 : i32
    %dma_wait3A_71 = arith.constant 1 : i32
    %dma_wait3A_72 = arith.constant 200 : i32
    %dma_wait3A_73 = tpu.memref_slice %arg6[%dma_wait3A_72] : memref<800xi32, #tpu.memory_space<vmem>> -> memref<200xi32, #tpu.memory_space<vmem>>
    %dma_wait3A_74 = tpu.memref_slice %arg2[%add3A_70] : memref<204800xi32, #tpu.memory_space<hbm>> -> memref<200xi32, #tpu.memory_space<hbm>>
    %dma_wait3A_75 = tpu.memref_slice %arg11[%dma_wait3A_71] : memref<4x!tpu.dma_semaphore, #tpu.memory_space<semaphore_mem>> -> memref<1x!tpu.dma_semaphore, #tpu.memory_space<semaphore_mem>>
    %dma_wait3A_76 = tpu.memref_squeeze %dma_wait3A_75 : memref<1x!tpu.dma_semaphore, #tpu.memory_space<semaphore_mem>> -> memref<!tpu.dma_semaphore, #tpu.memory_space<semaphore_mem>>
    %dma_wait3A_77 = arith.constant 200 : i32
    %dma_wait3A_78 = tpu.memref_slice %arg6[%dma_wait3A_77] : memref<800xi32, #tpu.memory_space<vmem>> -> memref<200xi32, #tpu.memory_space<vmem>>
    %dma_wait3A_79 = tpu.memref_slice %arg2[%add3A_70] : memref<204800xi32, #tpu.memory_space<hbm>> -> memref<200xi32, #tpu.memory_space<hbm>>
    tpu.wait_dma2 semaphore(%dma_wait3A_76 : memref<!tpu.dma_semaphore, #tpu.memory_space<semaphore_mem>>) src(%dma_wait3A_79 : memref<200xi32, #tpu.memory_space<hbm>>) dst(%dma_wait3A_78 : memref<200xi32, #tpu.memory_space<vmem>>)
    %dma_start3A_80 = arith.constant 1 : i32
    %dma_start3A_81 = arith.constant 200 : i32
    %dma_start3A_82 = arith.constant 0 : i32
    %dma_start3A_83 = tpu.memref_slice %arg8[%dma_start3A_81, %dma_start3A_82] : memref<800x128xf32, #tpu.memory_space<vmem>> -> memref<200x128xf32, #tpu.memory_space<vmem>>
    %dma_start3A_84 = arith.constant 200 : i32
    %dma_start3A_85 = tpu.memref_slice %arg6[%dma_start3A_84] : memref<800xi32, #tpu.memory_space<vmem>> -> memref<200xi32, #tpu.memory_space<vmem>>
    %dma_start3A_86 = arith.constant 0 : i32
    %dma_start3A_87 = arith.constant 0 : i32
    %dma_start3A_88 = tpu.memref_slice %arg3[%dma_start3A_86, %dma_start3A_87] : memref<100000x128xf32, #tpu.memory_space<hbm>> -> memref<100000x128xf32, #tpu.memory_space<hbm>>
    %dma_start3A_89 = tpu.memref_slice %arg9[%dma_start3A_80] : memref<4x!tpu.dma_semaphore, #tpu.memory_space<semaphore_mem>> -> memref<1x!tpu.dma_semaphore, #tpu.memory_space<semaphore_mem>>
    %dma_start3A_90 = tpu.memref_squeeze %dma_start3A_89 : memref<1x!tpu.dma_semaphore, #tpu.memory_space<semaphore_mem>> -> memref<!tpu.dma_semaphore, #tpu.memory_space<semaphore_mem>>
    tpu.enqueue_indirect_dma source(%dma_start3A_88 : memref<100000x128xf32, #tpu.memory_space<hbm>>) target(%dma_start3A_83 : memref<200x128xf32, #tpu.memory_space<vmem>>) offsets(%dma_start3A_85 : memref<200xi32, #tpu.memory_space<vmem>>) semaphore(%dma_start3A_90 : memref<!tpu.dma_semaphore, #tpu.memory_space<semaphore_mem>>)
    %add3A_91 = arith.constant 400 : i32
    %add3A_92 = arith.addi %mul3A_4, %add3A_91 : i32
    %dma_wait3A_93 = arith.constant 2 : i32
    %dma_wait3A_94 = arith.constant 400 : i32
    %dma_wait3A_95 = tpu.memref_slice %arg6[%dma_wait3A_94] : memref<800xi32, #tpu.memory_space<vmem>> -> memref<200xi32, #tpu.memory_space<vmem>>
    %dma_wait3A_96 = tpu.memref_slice %arg2[%add3A_92] : memref<204800xi32, #tpu.memory_space<hbm>> -> memref<200xi32, #tpu.memory_space<hbm>>
    %dma_wait3A_97 = tpu.memref_slice %arg11[%dma_wait3A_93] : memref<4x!tpu.dma_semaphore, #tpu.memory_space<semaphore_mem>> -> memref<1x!tpu.dma_semaphore, #tpu.memory_space<semaphore_mem>>
    %dma_wait3A_98 = tpu.memref_squeeze %dma_wait3A_97 : memref<1x!tpu.dma_semaphore, #tpu.memory_space<semaphore_mem>> -> memref<!tpu.dma_semaphore, #tpu.memory_space<semaphore_mem>>
    %dma_wait3A_99 = arith.constant 400 : i32
    %dma_wait3A_100 = tpu.memref_slice %arg6[%dma_wait3A_99] : memref<800xi32, #tpu.memory_space<vmem>> -> memref<200xi32, #tpu.memory_space<vmem>>
    %dma_wait3A_101 = tpu.memref_slice %arg2[%add3A_92] : memref<204800xi32, #tpu.memory_space<hbm>> -> memref<200xi32, #tpu.memory_space<hbm>>
    tpu.wait_dma2 semaphore(%dma_wait3A_98 : memref<!tpu.dma_semaphore, #tpu.memory_space<semaphore_mem>>) src(%dma_wait3A_101 : memref<200xi32, #tpu.memory_space<hbm>>) dst(%dma_wait3A_100 : memref<200xi32, #tpu.memory_space<vmem>>)
    %dma_start3A_102 = arith.constant 2 : i32
    %dma_start3A_103 = arith.constant 400 : i32
    %dma_start3A_104 = arith.constant 0 : i32
    %dma_start3A_105 = tpu.memref_slice %arg8[%dma_start3A_103, %dma_start3A_104] : memref<800x128xf32, #tpu.memory_space<vmem>> -> memref<200x128xf32, #tpu.memory_space<vmem>>
    %dma_start3A_106 = arith.constant 400 : i32
    %dma_start3A_107 = tpu.memref_slice %arg6[%dma_start3A_106] : memref<800xi32, #tpu.memory_space<vmem>> -> memref<200xi32, #tpu.memory_space<vmem>>
    %dma_start3A_108 = arith.constant 0 : i32
    %dma_start3A_109 = arith.constant 0 : i32
    %dma_start3A_110 = tpu.memref_slice %arg3[%dma_start3A_108, %dma_start3A_109] : memref<100000x128xf32, #tpu.memory_space<hbm>> -> memref<100000x128xf32, #tpu.memory_space<hbm>>
    %dma_start3A_111 = tpu.memref_slice %arg9[%dma_start3A_102] : memref<4x!tpu.dma_semaphore, #tpu.memory_space<semaphore_mem>> -> memref<1x!tpu.dma_semaphore, #tpu.memory_space<semaphore_mem>>
    %dma_start3A_112 = tpu.memref_squeeze %dma_start3A_111 : memref<1x!tpu.dma_semaphore, #tpu.memory_space<semaphore_mem>> -> memref<!tpu.dma_semaphore, #tpu.memory_space<semaphore_mem>>
    tpu.enqueue_indirect_dma source(%dma_start3A_110 : memref<100000x128xf32, #tpu.memory_space<hbm>>) target(%dma_start3A_105 : memref<200x128xf32, #tpu.memory_space<vmem>>) offsets(%dma_start3A_107 : memref<200xi32, #tpu.memory_space<vmem>>) semaphore(%dma_start3A_112 : memref<!tpu.dma_semaphore, #tpu.memory_space<semaphore_mem>>)
    "tpu.region"() ({
      %run_scoped3A = tpu.sem_alloc : memref<!tpu.dma_semaphore, #tpu.memory_space<semaphore_mem>>
      %dma_start3A_336 = arith.constant 0 : i32
      %dma_start3A_337 = arith.constant 0 : i32
      %dma_start3A_338 = tpu.memref_slice %arg4[%dma_start3A_336, %dma_start3A_337] : memref<512x128xf32, #tpu.memory_space<hbm>> -> memref<200x128xf32, #tpu.memory_space<hbm>>
      %dma_start3A_339 = arith.constant 0 : i32
      %dma_start3A_340 = arith.constant 0 : i32
      %dma_start3A_341 = tpu.memref_slice %arg4[%dma_start3A_339, %dma_start3A_340] : memref<512x128xf32, #tpu.memory_space<hbm>> -> memref<200x128xf32, #tpu.memory_space<hbm>>
      tpu.enqueue_dma source(%dma_start3A_341 : memref<200x128xf32, #tpu.memory_space<hbm>>) target(%arg7 : memref<200x128xf32, #tpu.memory_space<vmem>>) target_semaphore(%run_scoped3A : memref<!tpu.dma_semaphore, #tpu.memory_space<semaphore_mem>>)
      %dma_wait3A_342 = arith.constant 0 : i32
      %dma_wait3A_343 = arith.constant 0 : i32
      %dma_wait3A_344 = tpu.memref_slice %arg4[%dma_wait3A_342, %dma_wait3A_343] : memref<512x128xf32, #tpu.memory_space<hbm>> -> memref<200x128xf32, #tpu.memory_space<hbm>>
      %dma_wait3A_345 = arith.constant 0 : i32
      %dma_wait3A_346 = arith.constant 0 : i32
      %dma_wait3A_347 = tpu.memref_slice %arg4[%dma_wait3A_345, %dma_wait3A_346] : memref<512x128xf32, #tpu.memory_space<hbm>> -> memref<200x128xf32, #tpu.memory_space<hbm>>
      tpu.wait_dma2 semaphore(%run_scoped3A : memref<!tpu.dma_semaphore, #tpu.memory_space<semaphore_mem>>) src(%dma_wait3A_347 : memref<200x128xf32, #tpu.memory_space<hbm>>) dst(%arg7 : memref<200x128xf32, #tpu.memory_space<vmem>>)
      tpu.yield
    }) : () -> ()
    %dma_wait3A_113 = arith.constant 0 : i32
    %dma_wait3A_114 = arith.constant 0 : i32
    %dma_wait3A_115 = arith.constant 0 : i32
    %dma_wait3A_116 = tpu.memref_slice %arg8[%dma_wait3A_114, %dma_wait3A_115] : memref<800x128xf32, #tpu.memory_space<vmem>> -> memref<200x128xf32, #tpu.memory_space<vmem>>
    %dma_wait3A_117 = arith.constant 0 : i32
    %dma_wait3A_118 = tpu.memref_slice %arg6[%dma_wait3A_117] : memref<800xi32, #tpu.memory_space<vmem>> -> memref<200xi32, #tpu.memory_space<vmem>>
    %dma_wait3A_119 = arith.constant 0 : i32
    %dma_wait3A_120 = arith.constant 0 : i32
    %dma_wait3A_121 = tpu.memref_slice %arg3[%dma_wait3A_119, %dma_wait3A_120] : memref<100000x128xf32, #tpu.memory_space<hbm>> -> memref<100000x128xf32, #tpu.memory_space<hbm>>
    %dma_wait3A_122 = tpu.memref_slice %arg9[%dma_wait3A_113] : memref<4x!tpu.dma_semaphore, #tpu.memory_space<semaphore_mem>> -> memref<1x!tpu.dma_semaphore, #tpu.memory_space<semaphore_mem>>
    %dma_wait3A_123 = tpu.memref_squeeze %dma_wait3A_122 : memref<1x!tpu.dma_semaphore, #tpu.memory_space<semaphore_mem>> -> memref<!tpu.dma_semaphore, #tpu.memory_space<semaphore_mem>>
    tpu.wait_indirect_dma semaphore(%dma_wait3A_123 : memref<!tpu.dma_semaphore, #tpu.memory_space<semaphore_mem>>) src(%dma_wait3A_121 : memref<100000x128xf32, #tpu.memory_space<hbm>>) dst(%dma_wait3A_116 : memref<200x128xf32, #tpu.memory_space<vmem>>)
    %add3A_124 = arith.constant 800 : i32
    %add3A_125 = arith.addi %mul3A_4, %add3A_124 : i32
    %dma_start3A_126 = arith.constant 0 : i32
    %dma_start3A_127 = arith.constant 0 : i32
    %dma_start3A_128 = tpu.memref_slice %arg6[%dma_start3A_127] : memref<800xi32, #tpu.memory_space<vmem>> -> memref<200xi32, #tpu.memory_space<vmem>>
    %dma_start3A_129 = tpu.memref_slice %arg2[%add3A_125] : memref<204800xi32, #tpu.memory_space<hbm>> -> memref<200xi32, #tpu.memory_space<hbm>>
    %dma_start3A_130 = tpu.memref_slice %arg11[%dma_start3A_126] : memref<4x!tpu.dma_semaphore, #tpu.memory_space<semaphore_mem>> -> memref<1x!tpu.dma_semaphore, #tpu.memory_space<semaphore_mem>>
    %dma_start3A_131 = tpu.memref_squeeze %dma_start3A_130 : memref<1x!tpu.dma_semaphore, #tpu.memory_space<semaphore_mem>> -> memref<!tpu.dma_semaphore, #tpu.memory_space<semaphore_mem>>
    %dma_start3A_132 = arith.constant 0 : i32
    %dma_start3A_133 = tpu.memref_slice %arg6[%dma_start3A_132] : memref<800xi32, #tpu.memory_space<vmem>> -> memref<200xi32, #tpu.memory_space<vmem>>
    %dma_start3A_134 = tpu.memref_slice %arg2[%add3A_125] : memref<204800xi32, #tpu.memory_space<hbm>> -> memref<200xi32, #tpu.memory_space<hbm>>
    tpu.enqueue_dma source(%dma_start3A_134 : memref<200xi32, #tpu.memory_space<hbm>>) target(%dma_start3A_133 : memref<200xi32, #tpu.memory_space<vmem>>) target_semaphore(%dma_start3A_131 : memref<!tpu.dma_semaphore, #tpu.memory_space<semaphore_mem>>)
    %parallel_loop3A = arith.constant 0 : i32
    %parallel_loop3A_135 = arith.constant 200 : i32
    %parallel_loop3A_136 = arith.constant 1 : i32
    scf.for %parallel_loop3A_336 = %parallel_loop3A to %parallel_loop3A_135 step %parallel_loop3A_136  : i32 {
      %parallel_loop3A_337 = arith.constant 0 : i32
      %parallel_loop3A_338 = arith.addi %parallel_loop3A_337, %parallel_loop3A_336 : i32
      %parallel_loop3A_339 = arith.index_cast %parallel_loop3A_336 : i32 to index
      %parallel_loop3A_340 = arith.constant 0 : index
      %parallel_loop3A_341 = tpu.vector_load %arg7[%parallel_loop3A_339, %parallel_loop3A_340] {strides = array<i32>} : memref<200x128xf32, #tpu.memory_space<vmem>>, vector<1x16xf32>,
      %parallel_loop3A_342 = vector.shape_cast %parallel_loop3A_341 : vector<1x16xf32> to vector<16xf32>
      %parallel_loop3A_343 = arith.index_cast %parallel_loop3A_338 : i32 to index
      %parallel_loop3A_344 = arith.constant 0 : index
      %parallel_loop3A_345 = tpu.vector_load %arg8[%parallel_loop3A_343, %parallel_loop3A_344] {strides = array<i32>} : memref<800x128xf32, #tpu.memory_space<vmem>>, vector<1x16xf32>,
      %parallel_loop3A_346 = vector.shape_cast %parallel_loop3A_345 : vector<1x16xf32> to vector<16xf32>
      %parallel_loop3A_347 = vector.shape_cast %parallel_loop3A_342 : vector<16xf32> to vector<1x16xf32>
      tpu.vector_store %arg8[%parallel_loop3A_343, %parallel_loop3A_344], %parallel_loop3A_347 {add = true, strides = array<i32>} : memref<800x128xf32, #tpu.memory_space<vmem>>, vector<1x16xf32>,
      %parallel_loop3A_348 = arith.constant 0 : i32
      %parallel_loop3A_349 = arith.addi %parallel_loop3A_348, %parallel_loop3A_336 : i32
      %parallel_loop3A_350 = arith.index_cast %parallel_loop3A_336 : i32 to index
      %parallel_loop3A_351 = arith.constant 16 : index
      %parallel_loop3A_352 = tpu.vector_load %arg7[%parallel_loop3A_350, %parallel_loop3A_351] {strides = array<i32>} : memref<200x128xf32, #tpu.memory_space<vmem>>, vector<1x16xf32>,
      %parallel_loop3A_353 = vector.shape_cast %parallel_loop3A_352 : vector<1x16xf32> to vector<16xf32>
      %parallel_loop3A_354 = arith.index_cast %parallel_loop3A_349 : i32 to index
      %parallel_loop3A_355 = arith.constant 16 : index
      %parallel_loop3A_356 = tpu.vector_load %arg8[%parallel_loop3A_354, %parallel_loop3A_355] {strides = array<i32>} : memref<800x128xf32, #tpu.memory_space<vmem>>, vector<1x16xf32>,
      %parallel_loop3A_357 = vector.shape_cast %parallel_loop3A_356 : vector<1x16xf32> to vector<16xf32>
      %parallel_loop3A_358 = vector.shape_cast %parallel_loop3A_353 : vector<16xf32> to vector<1x16xf32>
      tpu.vector_store %arg8[%parallel_loop3A_354, %parallel_loop3A_355], %parallel_loop3A_358 {add = true, strides = array<i32>} : memref<800x128xf32, #tpu.memory_space<vmem>>, vector<1x16xf32>,
      %parallel_loop3A_359 = arith.constant 0 : i32
      %parallel_loop3A_360 = arith.addi %parallel_loop3A_359, %parallel_loop3A_336 : i32
      %parallel_loop3A_361 = arith.index_cast %parallel_loop3A_336 : i32 to index
      %parallel_loop3A_362 = arith.constant 32 : index
      %parallel_loop3A_363 = tpu.vector_load %arg7[%parallel_loop3A_361, %parallel_loop3A_362] {strides = array<i32>} : memref<200x128xf32, #tpu.memory_space<vmem>>, vector<1x16xf32>,
      %parallel_loop3A_364 = vector.shape_cast %parallel_loop3A_363 : vector<1x16xf32> to vector<16xf32>
      %parallel_loop3A_365 = arith.index_cast %parallel_loop3A_360 : i32 to index
      %parallel_loop3A_366 = arith.constant 32 : index
      %parallel_loop3A_367 = tpu.vector_load %arg8[%parallel_loop3A_365, %parallel_loop3A_366] {strides = array<i32>} : memref<800x128xf32, #tpu.memory_space<vmem>>, vector<1x16xf32>,
      %parallel_loop3A_368 = vector.shape_cast %parallel_loop3A_367 : vector<1x16xf32> to vector<16xf32>
      %parallel_loop3A_369 = vector.shape_cast %parallel_loop3A_364 : vector<16xf32> to vector<1x16xf32>
      tpu.vector_store %arg8[%parallel_loop3A_365, %parallel_loop3A_366], %parallel_loop3A_369 {add = true, strides = array<i32>} : memref<800x128xf32, #tpu.memory_space<vmem>>, vector<1x16xf32>,
      %parallel_loop3A_370 = arith.constant 0 : i32
      %parallel_loop3A_371 = arith.addi %parallel_loop3A_370, %parallel_loop3A_336 : i32
      %parallel_loop3A_372 = arith.index_cast %parallel_loop3A_336 : i32 to index
      %parallel_loop3A_373 = arith.constant 48 : index
      %parallel_loop3A_374 = tpu.vector_load %arg7[%parallel_loop3A_372, %parallel_loop3A_373] {strides = array<i32>} : memref<200x128xf32, #tpu.memory_space<vmem>>, vector<1x16xf32>,
      %parallel_loop3A_375 = vector.shape_cast %parallel_loop3A_374 : vector<1x16xf32> to vector<16xf32>
      %parallel_loop3A_376 = arith.index_cast %parallel_loop3A_371 : i32 to index
      %parallel_loop3A_377 = arith.constant 48 : index
      %parallel_loop3A_378 = tpu.vector_load %arg8[%parallel_loop3A_376, %parallel_loop3A_377] {strides = array<i32>} : memref<800x128xf32, #tpu.memory_space<vmem>>, vector<1x16xf32>,
      %parallel_loop3A_379 = vector.shape_cast %parallel_loop3A_378 : vector<1x16xf32> to vector<16xf32>
      %parallel_loop3A_380 = vector.shape_cast %parallel_loop3A_375 : vector<16xf32> to vector<1x16xf32>
      tpu.vector_store %arg8[%parallel_loop3A_376, %parallel_loop3A_377], %parallel_loop3A_380 {add = true, strides = array<i32>} : memref<800x128xf32, #tpu.memory_space<vmem>>, vector<1x16xf32>,
      %parallel_loop3A_381 = arith.constant 0 : i32
      %parallel_loop3A_382 = arith.addi %parallel_loop3A_381, %parallel_loop3A_336 : i32
      %parallel_loop3A_383 = arith.index_cast %parallel_loop3A_336 : i32 to index
      %parallel_loop3A_384 = arith.constant 64 : index
      %parallel_loop3A_385 = tpu.vector_load %arg7[%parallel_loop3A_383, %parallel_loop3A_384] {strides = array<i32>} : memref<200x128xf32, #tpu.memory_space<vmem>>, vector<1x16xf32>,
      %parallel_loop3A_386 = vector.shape_cast %parallel_loop3A_385 : vector<1x16xf32> to vector<16xf32>
      %parallel_loop3A_387 = arith.index_cast %parallel_loop3A_382 : i32 to index
      %parallel_loop3A_388 = arith.constant 64 : index
      %parallel_loop3A_389 = tpu.vector_load %arg8[%parallel_loop3A_387, %parallel_loop3A_388] {strides = array<i32>} : memref<800x128xf32, #tpu.memory_space<vmem>>, vector<1x16xf32>,
      %parallel_loop3A_390 = vector.shape_cast %parallel_loop3A_389 : vector<1x16xf32> to vector<16xf32>
      %parallel_loop3A_391 = vector.shape_cast %parallel_loop3A_386 : vector<16xf32> to vector<1x16xf32>
      tpu.vector_store %arg8[%parallel_loop3A_387, %parallel_loop3A_388], %parallel_loop3A_391 {add = true, strides = array<i32>} : memref<800x128xf32, #tpu.memory_space<vmem>>, vector<1x16xf32>,
      %parallel_loop3A_392 = arith.constant 0 : i32
      %parallel_loop3A_393 = arith.addi %parallel_loop3A_392, %parallel_loop3A_336 : i32
      %parallel_loop3A_394 = arith.index_cast %parallel_loop3A_336 : i32 to index
      %parallel_loop3A_395 = arith.constant 80 : index
      %parallel_loop3A_396 = tpu.vector_load %arg7[%parallel_loop3A_394, %parallel_loop3A_395] {strides = array<i32>} : memref<200x128xf32, #tpu.memory_space<vmem>>, vector<1x16xf32>,
      %parallel_loop3A_397 = vector.shape_cast %parallel_loop3A_396 : vector<1x16xf32> to vector<16xf32>
      %parallel_loop3A_398 = arith.index_cast %parallel_loop3A_393 : i32 to index
      %parallel_loop3A_399 = arith.constant 80 : index
      %parallel_loop3A_400 = tpu.vector_load %arg8[%parallel_loop3A_398, %parallel_loop3A_399] {strides = array<i32>} : memref<800x128xf32, #tpu.memory_space<vmem>>, vector<1x16xf32>,
      %parallel_loop3A_401 = vector.shape_cast %parallel_loop3A_400 : vector<1x16xf32> to vector<16xf32>
      %parallel_loop3A_402 = vector.shape_cast %parallel_loop3A_397 : vector<16xf32> to vector<1x16xf32>
      tpu.vector_store %arg8[%parallel_loop3A_398, %parallel_loop3A_399], %parallel_loop3A_402 {add = true, strides = array<i32>} : memref<800x128xf32, #tpu.memory_space<vmem>>, vector<1x16xf32>,
      %parallel_loop3A_403 = arith.constant 0 : i32
      %parallel_loop3A_404 = arith.addi %parallel_loop3A_403, %parallel_loop3A_336 : i32
      %parallel_loop3A_405 = arith.index_cast %parallel_loop3A_336 : i32 to index
      %parallel_loop3A_406 = arith.constant 96 : index
      %parallel_loop3A_407 = tpu.vector_load %arg7[%parallel_loop3A_405, %parallel_loop3A_406] {strides = array<i32>} : memref<200x128xf32, #tpu.memory_space<vmem>>, vector<1x16xf32>,
      %parallel_loop3A_408 = vector.shape_cast %parallel_loop3A_407 : vector<1x16xf32> to vector<16xf32>
      %parallel_loop3A_409 = arith.index_cast %parallel_loop3A_404 : i32 to index
      %parallel_loop3A_410 = arith.constant 96 : index
      %parallel_loop3A_411 = tpu.vector_load %arg8[%parallel_loop3A_409, %parallel_loop3A_410] {strides = array<i32>} : memref<800x128xf32, #tpu.memory_space<vmem>>, vector<1x16xf32>,
      %parallel_loop3A_412 = vector.shape_cast %parallel_loop3A_411 : vector<1x16xf32> to vector<16xf32>
      %parallel_loop3A_413 = vector.shape_cast %parallel_loop3A_408 : vector<16xf32> to vector<1x16xf32>
      tpu.vector_store %arg8[%parallel_loop3A_409, %parallel_loop3A_410], %parallel_loop3A_413 {add = true, strides = array<i32>} : memref<800x128xf32, #tpu.memory_space<vmem>>, vector<1x16xf32>,
      %parallel_loop3A_414 = arith.constant 0 : i32
      %parallel_loop3A_415 = arith.addi %parallel_loop3A_414, %parallel_loop3A_336 : i32
      %parallel_loop3A_416 = arith.index_cast %parallel_loop3A_336 : i32 to index
      %parallel_loop3A_417 = arith.constant 112 : index
      %parallel_loop3A_418 = tpu.vector_load %arg7[%parallel_loop3A_416, %parallel_loop3A_417] {strides = array<i32>} : memref<200x128xf32, #tpu.memory_space<vmem>>, vector<1x16xf32>,
      %parallel_loop3A_419 = vector.shape_cast %parallel_loop3A_418 : vector<1x16xf32> to vector<16xf32>
      %parallel_loop3A_420 = arith.index_cast %parallel_loop3A_415 : i32 to index
      %parallel_loop3A_421 = arith.constant 112 : index
      %parallel_loop3A_422 = tpu.vector_load %arg8[%parallel_loop3A_420, %parallel_loop3A_421] {strides = array<i32>} : memref<800x128xf32, #tpu.memory_space<vmem>>, vector<1x16xf32>,
      %parallel_loop3A_423 = vector.shape_cast %parallel_loop3A_422 : vector<1x16xf32> to vector<16xf32>
      %parallel_loop3A_424 = vector.shape_cast %parallel_loop3A_419 : vector<16xf32> to vector<1x16xf32>
      tpu.vector_store %arg8[%parallel_loop3A_420, %parallel_loop3A_421], %parallel_loop3A_424 {add = true, strides = array<i32>} : memref<800x128xf32, #tpu.memory_space<vmem>>, vector<1x16xf32>,
    } {sc.loop_unroll_factor = 2 : i64, sc.parallel_access}
    %add3A_137 = arith.constant 0 : i32
    %add3A_138 = arith.addi %mul3A_4, %add3A_137 : i32
    %dma_start3A_139 = arith.constant 0 : i32
    %dma_start3A_140 = arith.constant 0 : i32
    %dma_start3A_141 = arith.constant 0 : i32
    %dma_start3A_142 = tpu.memref_slice %arg8[%dma_start3A_140, %dma_start3A_141] : memref<800x128xf32, #tpu.memory_space<vmem>> -> memref<200x128xf32, #tpu.memory_space<vmem>>
    %dma_start3A_143 = arith.constant 0 : i32
    %dma_start3A_144 = tpu.memref_slice %arg5[%add3A_138, %dma_start3A_143] : memref<204800x128xf32, #tpu.memory_space<hbm>> -> memref<200x128xf32, #tpu.memory_space<hbm>>
    %dma_start3A_145 = tpu.memref_slice %arg10[%dma_start3A_139] : memref<4x!tpu.dma_semaphore, #tpu.memory_space<semaphore_mem>> -> memref<1x!tpu.dma_semaphore, #tpu.memory_space<semaphore_mem>>
    %dma_start3A_146 = tpu.memref_squeeze %dma_start3A_145 : memref<1x!tpu.dma_semaphore, #tpu.memory_space<semaphore_mem>> -> memref<!tpu.dma_semaphore, #tpu.memory_space<semaphore_mem>>
    %dma_start3A_147 = arith.constant 0 : i32
    %dma_start3A_148 = tpu.memref_slice %arg5[%add3A_138, %dma_start3A_147] : memref<204800x128xf32, #tpu.memory_space<hbm>> -> memref<200x128xf32, #tpu.memory_space<hbm>>
    %dma_start3A_149 = arith.constant 0 : i32
    %dma_start3A_150 = arith.constant 0 : i32
    %dma_start3A_151 = tpu.memref_slice %arg8[%dma_start3A_149, %dma_start3A_150] : memref<800x128xf32, #tpu.memory_space<vmem>> -> memref<200x128xf32, #tpu.memory_space<vmem>>
    tpu.enqueue_dma source(%dma_start3A_151 : memref<200x128xf32, #tpu.memory_space<vmem>>) target(%dma_start3A_148 : memref<200x128xf32, #tpu.memory_space<hbm>>) target_semaphore(%dma_start3A_146 : memref<!tpu.dma_semaphore, #tpu.memory_space<semaphore_mem>>)
    %add3A_152 = arith.constant 600 : i32
    %add3A_153 = arith.addi %mul3A_4, %add3A_152 : i32
    %dma_wait3A_154 = arith.constant 3 : i32
    %dma_wait3A_155 = arith.constant 600 : i32
    %dma_wait3A_156 = tpu.memref_slice %arg6[%dma_wait3A_155] : memref<800xi32, #tpu.memory_space<vmem>> -> memref<200xi32, #tpu.memory_space<vmem>>
    %dma_wait3A_157 = tpu.memref_slice %arg2[%add3A_153] : memref<204800xi32, #tpu.memory_space<hbm>> -> memref<200xi32, #tpu.memory_space<hbm>>
    %dma_wait3A_158 = tpu.memref_slice %arg11[%dma_wait3A_154] : memref<4x!tpu.dma_semaphore, #tpu.memory_space<semaphore_mem>> -> memref<1x!tpu.dma_semaphore, #tpu.memory_space<semaphore_mem>>
    %dma_wait3A_159 = tpu.memref_squeeze %dma_wait3A_158 : memref<1x!tpu.dma_semaphore, #tpu.memory_space<semaphore_mem>> -> memref<!tpu.dma_semaphore, #tpu.memory_space<semaphore_mem>>
    %dma_wait3A_160 = arith.constant 600 : i32
    %dma_wait3A_161 = tpu.memref_slice %arg6[%dma_wait3A_160] : memref<800xi32, #tpu.memory_space<vmem>> -> memref<200xi32, #tpu.memory_space<vmem>>
    %dma_wait3A_162 = tpu.memref_slice %arg2[%add3A_153] : memref<204800xi32, #tpu.memory_space<hbm>> -> memref<200xi32, #tpu.memory_space<hbm>>
    tpu.wait_dma2 semaphore(%dma_wait3A_159 : memref<!tpu.dma_semaphore, #tpu.memory_space<semaphore_mem>>) src(%dma_wait3A_162 : memref<200xi32, #tpu.memory_space<hbm>>) dst(%dma_wait3A_161 : memref<200xi32, #tpu.memory_space<vmem>>)
    %dma_start3A_163 = arith.constant 3 : i32
    %dma_start3A_164 = arith.constant 600 : i32
    %dma_start3A_165 = arith.constant 0 : i32
    %dma_start3A_166 = tpu.memref_slice %arg8[%dma_start3A_164, %dma_start3A_165] : memref<800x128xf32, #tpu.memory_space<vmem>> -> memref<200x128xf32, #tpu.memory_space<vmem>>
    %dma_start3A_167 = arith.constant 600 : i32
    %dma_start3A_168 = tpu.memref_slice %arg6[%dma_start3A_167] : memref<800xi32, #tpu.memory_space<vmem>> -> memref<200xi32, #tpu.memory_space<vmem>>
    %dma_start3A_169 = arith.constant 0 : i32
    %dma_start3A_170 = arith.constant 0 : i32
    %dma_start3A_171 = tpu.memref_slice %arg3[%dma_start3A_169, %dma_start3A_170] : memref<100000x128xf32, #tpu.memory_space<hbm>> -> memref<100000x128xf32, #tpu.memory_space<hbm>>
    %dma_start3A_172 = tpu.memref_slice %arg9[%dma_start3A_163] : memref<4x!tpu.dma_semaphore, #tpu.memory_space<semaphore_mem>> -> memref<1x!tpu.dma_semaphore, #tpu.memory_space<semaphore_mem>>
    %dma_start3A_173 = tpu.memref_squeeze %dma_start3A_172 : memref<1x!tpu.dma_semaphore, #tpu.memory_space<semaphore_mem>> -> memref<!tpu.dma_semaphore, #tpu.memory_space<semaphore_mem>>
    tpu.enqueue_indirect_dma source(%dma_start3A_171 : memref<100000x128xf32, #tpu.memory_space<hbm>>) target(%dma_start3A_166 : memref<200x128xf32, #tpu.memory_space<vmem>>) offsets(%dma_start3A_168 : memref<200xi32, #tpu.memory_space<vmem>>) semaphore(%dma_start3A_173 : memref<!tpu.dma_semaphore, #tpu.memory_space<semaphore_mem>>)
    %scan3A = arith.constant 0 : i32
    %scan3A_174 = arith.constant 7 : i32
    %scan3A_175 = arith.addi %scan3A, %scan3A_174 : i32
    %scan3A_176 = arith.constant 1 : i32
    scf.for %scan3A_336 = %scan3A to %scan3A_175 step %scan3A_176  : i32 {
      %mul3A_337 = arith.constant 1 : i32
      %mul3A_338 = arith.muli %scan3A_336, %mul3A_337 : i32
      %add3A_339 = arith.constant 0 : i32
      %add3A_340 = arith.addi %add3A_339, %mul3A_338 : i32
      %mul3A_341 = arith.constant 4 : i32
      %mul3A_342 = arith.muli %add3A_340, %mul3A_341 : i32
      %add3A_343 = arith.constant 1 : i32
      %add3A_344 = arith.addi %mul3A_342, %add3A_343 : i32
      %add3A_345 = arith.constant 0 : i32
      %add3A_346 = arith.addi %add3A_344, %add3A_345 : i32
      %dma_wait3A_347 = arith.constant 1 : i32
      %dma_wait3A_348 = arith.constant 200 : i32
      %dma_wait3A_349 = arith.constant 0 : i32
      %dma_wait3A_350 = tpu.memref_slice %arg8[%dma_wait3A_348, %dma_wait3A_349] : memref<800x128xf32, #tpu.memory_space<vmem>> -> memref<200x128xf32, #tpu.memory_space<vmem>>
      %dma_wait3A_351 = arith.constant 200 : i32
      %dma_wait3A_352 = tpu.memref_slice %arg6[%dma_wait3A_351] : memref<800xi32, #tpu.memory_space<vmem>> -> memref<200xi32, #tpu.memory_space<vmem>>
      %dma_wait3A_353 = arith.constant 0 : i32
      %dma_wait3A_354 = arith.constant 0 : i32
      %dma_wait3A_355 = tpu.memref_slice %arg3[%dma_wait3A_353, %dma_wait3A_354] : memref<100000x128xf32, #tpu.memory_space<hbm>> -> memref<100000x128xf32, #tpu.memory_space<hbm>>
      %dma_wait3A_356 = tpu.memref_slice %arg9[%dma_wait3A_347] : memref<4x!tpu.dma_semaphore, #tpu.memory_space<semaphore_mem>> -> memref<1x!tpu.dma_semaphore, #tpu.memory_space<semaphore_mem>>
      %dma_wait3A_357 = tpu.memref_squeeze %dma_wait3A_356 : memref<1x!tpu.dma_semaphore, #tpu.memory_space<semaphore_mem>> -> memref<!tpu.dma_semaphore, #tpu.memory_space<semaphore_mem>>
      tpu.wait_indirect_dma semaphore(%dma_wait3A_357 : memref<!tpu.dma_semaphore, #tpu.memory_space<semaphore_mem>>) src(%dma_wait3A_355 : memref<100000x128xf32, #tpu.memory_space<hbm>>) dst(%dma_wait3A_350 : memref<200x128xf32, #tpu.memory_space<vmem>>)
      %add3A_358 = arith.constant 4 : i32
      %add3A_359 = arith.addi %add3A_346, %add3A_358 : i32
      %min3A = arith.constant 31 : i32
      %min3A_360 = arith.minsi %add3A_359, %min3A : i32
      %mul3A_361 = arith.constant 200 : i32
      %mul3A_362 = arith.muli %min3A_360, %mul3A_361 : i32
      %add3A_363 = arith.addi %mul3A_4, %mul3A_362 : i32
      %dma_start3A_364 = arith.constant 1 : i32
      %dma_start3A_365 = arith.constant 200 : i32
      %dma_start3A_366 = tpu.memref_slice %arg6[%dma_start3A_365] : memref<800xi32, #tpu.memory_space<vmem>> -> memref<200xi32, #tpu.memory_space<vmem>>
      %dma_start3A_367 = tpu.memref_slice %arg2[%add3A_363] : memref<204800xi32, #tpu.memory_space<hbm>> -> memref<200xi32, #tpu.memory_space<hbm>>
      %dma_start3A_368 = tpu.memref_slice %arg11[%dma_start3A_364] : memref<4x!tpu.dma_semaphore, #tpu.memory_space<semaphore_mem>> -> memref<1x!tpu.dma_semaphore, #tpu.memory_space<semaphore_mem>>
      %dma_start3A_369 = tpu.memref_squeeze %dma_start3A_368 : memref<1x!tpu.dma_semaphore, #tpu.memory_space<semaphore_mem>> -> memref<!tpu.dma_semaphore, #tpu.memory_space<semaphore_mem>>
      %dma_start3A_370 = arith.constant 200 : i32
      %dma_start3A_371 = tpu.memref_slice %arg6[%dma_start3A_370] : memref<800xi32, #tpu.memory_space<vmem>> -> memref<200xi32, #tpu.memory_space<vmem>>
      %dma_start3A_372 = tpu.memref_slice %arg2[%add3A_363] : memref<204800xi32, #tpu.memory_space<hbm>> -> memref<200xi32, #tpu.memory_space<hbm>>
      tpu.enqueue_dma source(%dma_start3A_372 : memref<200xi32, #tpu.memory_space<hbm>>) target(%dma_start3A_371 : memref<200xi32, #tpu.memory_space<vmem>>) target_semaphore(%dma_start3A_369 : memref<!tpu.dma_semaphore, #tpu.memory_space<semaphore_mem>>)
      %parallel_loop3A_373 = arith.constant 0 : i32
      %parallel_loop3A_374 = arith.constant 200 : i32
      %parallel_loop3A_375 = arith.constant 1 : i32
      scf.for %parallel_loop3A_727 = %parallel_loop3A_373 to %parallel_loop3A_374 step %parallel_loop3A_375  : i32 {
        %parallel_loop3A_728 = arith.constant 200 : i32
        %parallel_loop3A_729 = arith.addi %parallel_loop3A_728, %parallel_loop3A_727 : i32
        %parallel_loop3A_730 = arith.index_cast %parallel_loop3A_727 : i32 to index
        %parallel_loop3A_731 = arith.constant 0 : index
        %parallel_loop3A_732 = tpu.vector_load %arg7[%parallel_loop3A_730, %parallel_loop3A_731] {strides = array<i32>} : memref<200x128xf32, #tpu.memory_space<vmem>>, vector<1x16xf32>,
        %parallel_loop3A_733 = vector.shape_cast %parallel_loop3A_732 : vector<1x16xf32> to vector<16xf32>
        %parallel_loop3A_734 = arith.index_cast %parallel_loop3A_729 : i32 to index
        %parallel_loop3A_735 = arith.constant 0 : index
        %parallel_loop3A_736 = tpu.vector_load %arg8[%parallel_loop3A_734, %parallel_loop3A_735] {strides = array<i32>} : memref<800x128xf32, #tpu.memory_space<vmem>>, vector<1x16xf32>,
        %parallel_loop3A_737 = vector.shape_cast %parallel_loop3A_736 : vector<1x16xf32> to vector<16xf32>
        %parallel_loop3A_738 = vector.shape_cast %parallel_loop3A_733 : vector<16xf32> to vector<1x16xf32>
        tpu.vector_store %arg8[%parallel_loop3A_734, %parallel_loop3A_735], %parallel_loop3A_738 {add = true, strides = array<i32>} : memref<800x128xf32, #tpu.memory_space<vmem>>, vector<1x16xf32>,
        %parallel_loop3A_739 = arith.constant 200 : i32
        %parallel_loop3A_740 = arith.addi %parallel_loop3A_739, %parallel_loop3A_727 : i32
        %parallel_loop3A_741 = arith.index_cast %parallel_loop3A_727 : i32 to index
        %parallel_loop3A_742 = arith.constant 16 : index
        %parallel_loop3A_743 = tpu.vector_load %arg7[%parallel_loop3A_741, %parallel_loop3A_742] {strides = array<i32>} : memref<200x128xf32, #tpu.memory_space<vmem>>, vector<1x16xf32>,
        %parallel_loop3A_744 = vector.shape_cast %parallel_loop3A_743 : vector<1x16xf32> to vector<16xf32>
        %parallel_loop3A_745 = arith.index_cast %parallel_loop3A_740 : i32 to index
        %parallel_loop3A_746 = arith.constant 16 : index
        %parallel_loop3A_747 = tpu.vector_load %arg8[%parallel_loop3A_745, %parallel_loop3A_746] {strides = array<i32>} : memref<800x128xf32, #tpu.memory_space<vmem>>, vector<1x16xf32>,
        %parallel_loop3A_748 = vector.shape_cast %parallel_loop3A_747 : vector<1x16xf32> to vector<16xf32>
        %parallel_loop3A_749 = vector.shape_cast %parallel_loop3A_744 : vector<16xf32> to vector<1x16xf32>
        tpu.vector_store %arg8[%parallel_loop3A_745, %parallel_loop3A_746], %parallel_loop3A_749 {add = true, strides = array<i32>} : memref<800x128xf32, #tpu.memory_space<vmem>>, vector<1x16xf32>,
        %parallel_loop3A_750 = arith.constant 200 : i32
        %parallel_loop3A_751 = arith.addi %parallel_loop3A_750, %parallel_loop3A_727 : i32
        %parallel_loop3A_752 = arith.index_cast %parallel_loop3A_727 : i32 to index
        %parallel_loop3A_753 = arith.constant 32 : index
        %parallel_loop3A_754 = tpu.vector_load %arg7[%parallel_loop3A_752, %parallel_loop3A_753] {strides = array<i32>} : memref<200x128xf32, #tpu.memory_space<vmem>>, vector<1x16xf32>,
        %parallel_loop3A_755 = vector.shape_cast %parallel_loop3A_754 : vector<1x16xf32> to vector<16xf32>
        %parallel_loop3A_756 = arith.index_cast %parallel_loop3A_751 : i32 to index
        %parallel_loop3A_757 = arith.constant 32 : index
        %parallel_loop3A_758 = tpu.vector_load %arg8[%parallel_loop3A_756, %parallel_loop3A_757] {strides = array<i32>} : memref<800x128xf32, #tpu.memory_space<vmem>>, vector<1x16xf32>,
        %parallel_loop3A_759 = vector.shape_cast %parallel_loop3A_758 : vector<1x16xf32> to vector<16xf32>
        %parallel_loop3A_760 = vector.shape_cast %parallel_loop3A_755 : vector<16xf32> to vector<1x16xf32>
        tpu.vector_store %arg8[%parallel_loop3A_756, %parallel_loop3A_757], %parallel_loop3A_760 {add = true, strides = array<i32>} : memref<800x128xf32, #tpu.memory_space<vmem>>, vector<1x16xf32>,
        %parallel_loop3A_761 = arith.constant 200 : i32
        %parallel_loop3A_762 = arith.addi %parallel_loop3A_761, %parallel_loop3A_727 : i32
        %parallel_loop3A_763 = arith.index_cast %parallel_loop3A_727 : i32 to index
        %parallel_loop3A_764 = arith.constant 48 : index
        %parallel_loop3A_765 = tpu.vector_load %arg7[%parallel_loop3A_763, %parallel_loop3A_764] {strides = array<i32>} : memref<200x128xf32, #tpu.memory_space<vmem>>, vector<1x16xf32>,
        %parallel_loop3A_766 = vector.shape_cast %parallel_loop3A_765 : vector<1x16xf32> to vector<16xf32>
        %parallel_loop3A_767 = arith.index_cast %parallel_loop3A_762 : i32 to index
        %parallel_loop3A_768 = arith.constant 48 : index
        %parallel_loop3A_769 = tpu.vector_load %arg8[%parallel_loop3A_767, %parallel_loop3A_768] {strides = array<i32>} : memref<800x128xf32, #tpu.memory_space<vmem>>, vector<1x16xf32>,
        %parallel_loop3A_770 = vector.shape_cast %parallel_loop3A_769 : vector<1x16xf32> to vector<16xf32>
        %parallel_loop3A_771 = vector.shape_cast %parallel_loop3A_766 : vector<16xf32> to vector<1x16xf32>
        tpu.vector_store %arg8[%parallel_loop3A_767, %parallel_loop3A_768], %parallel_loop3A_771 {add = true, strides = array<i32>} : memref<800x128xf32, #tpu.memory_space<vmem>>, vector<1x16xf32>,
        %parallel_loop3A_772 = arith.constant 200 : i32
        %parallel_loop3A_773 = arith.addi %parallel_loop3A_772, %parallel_loop3A_727 : i32
        %parallel_loop3A_774 = arith.index_cast %parallel_loop3A_727 : i32 to index
        %parallel_loop3A_775 = arith.constant 64 : index
        %parallel_loop3A_776 = tpu.vector_load %arg7[%parallel_loop3A_774, %parallel_loop3A_775] {strides = array<i32>} : memref<200x128xf32, #tpu.memory_space<vmem>>, vector<1x16xf32>,
        %parallel_loop3A_777 = vector.shape_cast %parallel_loop3A_776 : vector<1x16xf32> to vector<16xf32>
        %parallel_loop3A_778 = arith.index_cast %parallel_loop3A_773 : i32 to index
        %parallel_loop3A_779 = arith.constant 64 : index
        %parallel_loop3A_780 = tpu.vector_load %arg8[%parallel_loop3A_778, %parallel_loop3A_779] {strides = array<i32>} : memref<800x128xf32, #tpu.memory_space<vmem>>, vector<1x16xf32>,
        %parallel_loop3A_781 = vector.shape_cast %parallel_loop3A_780 : vector<1x16xf32> to vector<16xf32>
        %parallel_loop3A_782 = vector.shape_cast %parallel_loop3A_777 : vector<16xf32> to vector<1x16xf32>
        tpu.vector_store %arg8[%parallel_loop3A_778, %parallel_loop3A_779], %parallel_loop3A_782 {add = true, strides = array<i32>} : memref<800x128xf32, #tpu.memory_space<vmem>>, vector<1x16xf32>,
        %parallel_loop3A_783 = arith.constant 200 : i32
        %parallel_loop3A_784 = arith.addi %parallel_loop3A_783, %parallel_loop3A_727 : i32
        %parallel_loop3A_785 = arith.index_cast %parallel_loop3A_727 : i32 to index
        %parallel_loop3A_786 = arith.constant 80 : index
        %parallel_loop3A_787 = tpu.vector_load %arg7[%parallel_loop3A_785, %parallel_loop3A_786] {strides = array<i32>} : memref<200x128xf32, #tpu.memory_space<vmem>>, vector<1x16xf32>,
        %parallel_loop3A_788 = vector.shape_cast %parallel_loop3A_787 : vector<1x16xf32> to vector<16xf32>
        %parallel_loop3A_789 = arith.index_cast %parallel_loop3A_784 : i32 to index
        %parallel_loop3A_790 = arith.constant 80 : index
        %parallel_loop3A_791 = tpu.vector_load %arg8[%parallel_loop3A_789, %parallel_loop3A_790] {strides = array<i32>} : memref<800x128xf32, #tpu.memory_space<vmem>>, vector<1x16xf32>,
        %parallel_loop3A_792 = vector.shape_cast %parallel_loop3A_791 : vector<1x16xf32> to vector<16xf32>
        %parallel_loop3A_793 = vector.shape_cast %parallel_loop3A_788 : vector<16xf32> to vector<1x16xf32>
        tpu.vector_store %arg8[%parallel_loop3A_789, %parallel_loop3A_790], %parallel_loop3A_793 {add = true, strides = array<i32>} : memref<800x128xf32, #tpu.memory_space<vmem>>, vector<1x16xf32>,
        %parallel_loop3A_794 = arith.constant 200 : i32
        %parallel_loop3A_795 = arith.addi %parallel_loop3A_794, %parallel_loop3A_727 : i32
        %parallel_loop3A_796 = arith.index_cast %parallel_loop3A_727 : i32 to index
        %parallel_loop3A_797 = arith.constant 96 : index
        %parallel_loop3A_798 = tpu.vector_load %arg7[%parallel_loop3A_796, %parallel_loop3A_797] {strides = array<i32>} : memref<200x128xf32, #tpu.memory_space<vmem>>, vector<1x16xf32>,
        %parallel_loop3A_799 = vector.shape_cast %parallel_loop3A_798 : vector<1x16xf32> to vector<16xf32>
        %parallel_loop3A_800 = arith.index_cast %parallel_loop3A_795 : i32 to index
        %parallel_loop3A_801 = arith.constant 96 : index
        %parallel_loop3A_802 = tpu.vector_load %arg8[%parallel_loop3A_800, %parallel_loop3A_801] {strides = array<i32>} : memref<800x128xf32, #tpu.memory_space<vmem>>, vector<1x16xf32>,
        %parallel_loop3A_803 = vector.shape_cast %parallel_loop3A_802 : vector<1x16xf32> to vector<16xf32>
        %parallel_loop3A_804 = vector.shape_cast %parallel_loop3A_799 : vector<16xf32> to vector<1x16xf32>
        tpu.vector_store %arg8[%parallel_loop3A_800, %parallel_loop3A_801], %parallel_loop3A_804 {add = true, strides = array<i32>} : memref<800x128xf32, #tpu.memory_space<vmem>>, vector<1x16xf32>,
        %parallel_loop3A_805 = arith.constant 200 : i32
        %parallel_loop3A_806 = arith.addi %parallel_loop3A_805, %parallel_loop3A_727 : i32
        %parallel_loop3A_807 = arith.index_cast %parallel_loop3A_727 : i32 to index
        %parallel_loop3A_808 = arith.constant 112 : index
        %parallel_loop3A_809 = tpu.vector_load %arg7[%parallel_loop3A_807, %parallel_loop3A_808] {strides = array<i32>} : memref<200x128xf32, #tpu.memory_space<vmem>>, vector<1x16xf32>,
        %parallel_loop3A_810 = vector.shape_cast %parallel_loop3A_809 : vector<1x16xf32> to vector<16xf32>
        %parallel_loop3A_811 = arith.index_cast %parallel_loop3A_806 : i32 to index
        %parallel_loop3A_812 = arith.constant 112 : index
        %parallel_loop3A_813 = tpu.vector_load %arg8[%parallel_loop3A_811, %parallel_loop3A_812] {strides = array<i32>} : memref<800x128xf32, #tpu.memory_space<vmem>>, vector<1x16xf32>,
        %parallel_loop3A_814 = vector.shape_cast %parallel_loop3A_813 : vector<1x16xf32> to vector<16xf32>
        %parallel_loop3A_815 = vector.shape_cast %parallel_loop3A_810 : vector<16xf32> to vector<1x16xf32>
        tpu.vector_store %arg8[%parallel_loop3A_811, %parallel_loop3A_812], %parallel_loop3A_815 {add = true, strides = array<i32>} : memref<800x128xf32, #tpu.memory_space<vmem>>, vector<1x16xf32>,
      } {sc.loop_unroll_factor = 2 : i64, sc.parallel_access}
      %mul3A_376 = arith.constant 200 : i32
      %mul3A_377 = arith.muli %add3A_346, %mul3A_376 : i32
      %add3A_378 = arith.addi %mul3A_4, %mul3A_377 : i32
      %dma_start3A_379 = arith.constant 1 : i32
      %dma_start3A_380 = arith.constant 200 : i32
      %dma_start3A_381 = arith.constant 0 : i32
      %dma_start3A_382 = tpu.memref_slice %arg8[%dma_start3A_380, %dma_start3A_381] : memref<800x128xf32, #tpu.memory_space<vmem>> -> memref<200x128xf32, #tpu.memory_space<vmem>>
      %dma_start3A_383 = arith.constant 0 : i32
      %dma_start3A_384 = tpu.memref_slice %arg5[%add3A_378, %dma_start3A_383] : memref<204800x128xf32, #tpu.memory_space<hbm>> -> memref<200x128xf32, #tpu.memory_space<hbm>>
      %dma_start3A_385 = tpu.memref_slice %arg10[%dma_start3A_379] : memref<4x!tpu.dma_semaphore, #tpu.memory_space<semaphore_mem>> -> memref<1x!tpu.dma_semaphore, #tpu.memory_space<semaphore_mem>>
      %dma_start3A_386 = tpu.memref_squeeze %dma_start3A_385 : memref<1x!tpu.dma_semaphore, #tpu.memory_space<semaphore_mem>> -> memref<!tpu.dma_semaphore, #tpu.memory_space<semaphore_mem>>
      %dma_start3A_387 = arith.constant 0 : i32
      %dma_start3A_388 = tpu.memref_slice %arg5[%add3A_378, %dma_start3A_387] : memref<204800x128xf32, #tpu.memory_space<hbm>> -> memref<200x128xf32, #tpu.memory_space<hbm>>
      %dma_start3A_389 = arith.constant 200 : i32
      %dma_start3A_390 = arith.constant 0 : i32
      %dma_start3A_391 = tpu.memref_slice %arg8[%dma_start3A_389, %dma_start3A_390] : memref<800x128xf32, #tpu.memory_space<vmem>> -> memref<200x128xf32, #tpu.memory_space<vmem>>
      tpu.enqueue_dma source(%dma_start3A_391 : memref<200x128xf32, #tpu.memory_space<vmem>>) target(%dma_start3A_388 : memref<200x128xf32, #tpu.memory_space<hbm>>) target_semaphore(%dma_start3A_386 : memref<!tpu.dma_semaphore, #tpu.memory_space<semaphore_mem>>)
      %sub3A = arith.constant 1 : i32
      %sub3A_392 = arith.subi %add3A_346, %sub3A : i32
      %mul3A_393 = arith.constant 200 : i32
      %mul3A_394 = arith.muli %sub3A_392, %mul3A_393 : i32
      %add3A_395 = arith.addi %mul3A_4, %mul3A_394 : i32
      %dma_wait3A_396 = arith.constant 0 : i32
      %dma_wait3A_397 = arith.constant 0 : i32
      %dma_wait3A_398 = arith.constant 0 : i32
      %dma_wait3A_399 = tpu.memref_slice %arg8[%dma_wait3A_397, %dma_wait3A_398] : memref<800x128xf32, #tpu.memory_space<vmem>> -> memref<200x128xf32, #tpu.memory_space<vmem>>
      %dma_wait3A_400 = arith.constant 0 : i32
      %dma_wait3A_401 = tpu.memref_slice %arg5[%add3A_395, %dma_wait3A_400] : memref<204800x128xf32, #tpu.memory_space<hbm>> -> memref<200x128xf32, #tpu.memory_space<hbm>>
      %dma_wait3A_402 = tpu.memref_slice %arg10[%dma_wait3A_396] : memref<4x!tpu.dma_semaphore, #tpu.memory_space<semaphore_mem>> -> memref<1x!tpu.dma_semaphore, #tpu.memory_space<semaphore_mem>>
      %dma_wait3A_403 = tpu.memref_squeeze %dma_wait3A_402 : memref<1x!tpu.dma_semaphore, #tpu.memory_space<semaphore_mem>> -> memref<!tpu.dma_semaphore, #tpu.memory_space<semaphore_mem>>
      %dma_wait3A_404 = arith.constant 0 : i32
      %dma_wait3A_405 = tpu.memref_slice %arg5[%add3A_395, %dma_wait3A_404] : memref<204800x128xf32, #tpu.memory_space<hbm>> -> memref<200x128xf32, #tpu.memory_space<hbm>>
      %dma_wait3A_406 = arith.constant 0 : i32
      %dma_wait3A_407 = arith.constant 0 : i32
      %dma_wait3A_408 = tpu.memref_slice %arg8[%dma_wait3A_406, %dma_wait3A_407] : memref<800x128xf32, #tpu.memory_space<vmem>> -> memref<200x128xf32, #tpu.memory_space<vmem>>
      tpu.wait_dma2 semaphore(%dma_wait3A_403 : memref<!tpu.dma_semaphore, #tpu.memory_space<semaphore_mem>>) src(%dma_wait3A_408 : memref<200x128xf32, #tpu.memory_space<vmem>>) dst(%dma_wait3A_405 : memref<200x128xf32, #tpu.memory_space<hbm>>)
      %add3A_409 = arith.constant 3 : i32
      %add3A_410 = arith.addi %add3A_346, %add3A_409 : i32
      %mul3A_411 = arith.constant 200 : i32
      %mul3A_412 = arith.muli %add3A_410, %mul3A_411 : i32
      %add3A_413 = arith.addi %mul3A_4, %mul3A_412 : i32
      %dma_wait3A_414 = arith.constant 0 : i32
      %dma_wait3A_415 = arith.constant 0 : i32
      %dma_wait3A_416 = tpu.memref_slice %arg6[%dma_wait3A_415] : memref<800xi32, #tpu.memory_space<vmem>> -> memref<200xi32, #tpu.memory_space<vmem>>
      %dma_wait3A_417 = tpu.memref_slice %arg2[%add3A_413] : memref<204800xi32, #tpu.memory_space<hbm>> -> memref<200xi32, #tpu.memory_space<hbm>>
      %dma_wait3A_418 = tpu.memref_slice %arg11[%dma_wait3A_414] : memref<4x!tpu.dma_semaphore, #tpu.memory_space<semaphore_mem>> -> memref<1x!tpu.dma_semaphore, #tpu.memory_space<semaphore_mem>>
      %dma_wait3A_419 = tpu.memref_squeeze %dma_wait3A_418 : memref<1x!tpu.dma_semaphore, #tpu.memory_space<semaphore_mem>> -> memref<!tpu.dma_semaphore, #tpu.memory_space<semaphore_mem>>
      %dma_wait3A_420 = arith.constant 0 : i32
      %dma_wait3A_421 = tpu.memref_slice %arg6[%dma_wait3A_420] : memref<800xi32, #tpu.memory_space<vmem>> -> memref<200xi32, #tpu.memory_space<vmem>>
      %dma_wait3A_422 = tpu.memref_slice %arg2[%add3A_413] : memref<204800xi32, #tpu.memory_space<hbm>> -> memref<200xi32, #tpu.memory_space<hbm>>
      tpu.wait_dma2 semaphore(%dma_wait3A_419 : memref<!tpu.dma_semaphore, #tpu.memory_space<semaphore_mem>>) src(%dma_wait3A_422 : memref<200xi32, #tpu.memory_space<hbm>>) dst(%dma_wait3A_421 : memref<200xi32, #tpu.memory_space<vmem>>)
      %add3A_423 = arith.constant 3 : i32
      %add3A_424 = arith.addi %add3A_346, %add3A_423 : i32
      %dma_start3A_425 = arith.constant 0 : i32
      %dma_start3A_426 = arith.constant 0 : i32
      %dma_start3A_427 = arith.constant 0 : i32
      %dma_start3A_428 = tpu.memref_slice %arg8[%dma_start3A_426, %dma_start3A_427] : memref<800x128xf32, #tpu.memory_space<vmem>> -> memref<200x128xf32, #tpu.memory_space<vmem>>
      %dma_start3A_429 = arith.constant 0 : i32
      %dma_start3A_430 = tpu.memref_slice %arg6[%dma_start3A_429] : memref<800xi32, #tpu.memory_space<vmem>> -> memref<200xi32, #tpu.memory_space<vmem>>
      %dma_start3A_431 = arith.constant 0 : i32
      %dma_start3A_432 = arith.constant 0 : i32
      %dma_start3A_433 = tpu.memref_slice %arg3[%dma_start3A_431, %dma_start3A_432] : memref<100000x128xf32, #tpu.memory_space<hbm>> -> memref<100000x128xf32, #tpu.memory_space<hbm>>
      %dma_start3A_434 = tpu.memref_slice %arg9[%dma_start3A_425] : memref<4x!tpu.dma_semaphore, #tpu.memory_space<semaphore_mem>> -> memref<1x!tpu.dma_semaphore, #tpu.memory_space<semaphore_mem>>
      %dma_start3A_435 = tpu.memref_squeeze %dma_start3A_434 : memref<1x!tpu.dma_semaphore, #tpu.memory_space<semaphore_mem>> -> memref<!tpu.dma_semaphore, #tpu.memory_space<semaphore_mem>>
      tpu.enqueue_indirect_dma source(%dma_start3A_433 : memref<100000x128xf32, #tpu.memory_space<hbm>>) target(%dma_start3A_428 : memref<200x128xf32, #tpu.memory_space<vmem>>) offsets(%dma_start3A_430 : memref<200xi32, #tpu.memory_space<vmem>>) semaphore(%dma_start3A_435 : memref<!tpu.dma_semaphore, #tpu.memory_space<semaphore_mem>>)
      %mul3A_436 = arith.constant 4 : i32
      %mul3A_437 = arith.muli %add3A_340, %mul3A_436 : i32
      %add3A_438 = arith.constant 1 : i32
      %add3A_439 = arith.addi %mul3A_437, %add3A_438 : i32
      %add3A_440 = arith.constant 1 : i32
      %add3A_441 = arith.addi %add3A_439, %add3A_440 : i32
      %dma_wait3A_442 = arith.constant 2 : i32
      %dma_wait3A_443 = arith.constant 400 : i32
      %dma_wait3A_444 = arith.constant 0 : i32
      %dma_wait3A_445 = tpu.memref_slice %arg8[%dma_wait3A_443, %dma_wait3A_444] : memref<800x128xf32, #tpu.memory_space<vmem>> -> memref<200x128xf32, #tpu.memory_space<vmem>>
      %dma_wait3A_446 = arith.constant 400 : i32
      %dma_wait3A_447 = tpu.memref_slice %arg6[%dma_wait3A_446] : memref<800xi32, #tpu.memory_space<vmem>> -> memref<200xi32, #tpu.memory_space<vmem>>
      %dma_wait3A_448 = arith.constant 0 : i32
      %dma_wait3A_449 = arith.constant 0 : i32
      %dma_wait3A_450 = tpu.memref_slice %arg3[%dma_wait3A_448, %dma_wait3A_449] : memref<100000x128xf32, #tpu.memory_space<hbm>> -> memref<100000x128xf32, #tpu.memory_space<hbm>>
      %dma_wait3A_451 = tpu.memref_slice %arg9[%dma_wait3A_442] : memref<4x!tpu.dma_semaphore, #tpu.memory_space<semaphore_mem>> -> memref<1x!tpu.dma_semaphore, #tpu.memory_space<semaphore_mem>>
      %dma_wait3A_452 = tpu.memref_squeeze %dma_wait3A_451 : memref<1x!tpu.dma_semaphore, #tpu.memory_space<semaphore_mem>> -> memref<!tpu.dma_semaphore, #tpu.memory_space<semaphore_mem>>
      tpu.wait_indirect_dma semaphore(%dma_wait3A_452 : memref<!tpu.dma_semaphore, #tpu.memory_space<semaphore_mem>>) src(%dma_wait3A_450 : memref<100000x128xf32, #tpu.memory_space<hbm>>) dst(%dma_wait3A_445 : memref<200x128xf32, #tpu.memory_space<vmem>>)
      %add3A_453 = arith.constant 4 : i32
      %add3A_454 = arith.addi %add3A_441, %add3A_453 : i32
      %min3A_455 = arith.constant 31 : i32
      %min3A_456 = arith.minsi %add3A_454, %min3A_455 : i32
      %mul3A_457 = arith.constant 200 : i32
      %mul3A_458 = arith.muli %min3A_456, %mul3A_457 : i32
      %add3A_459 = arith.addi %mul3A_4, %mul3A_458 : i32
      %dma_start3A_460 = arith.constant 2 : i32
      %dma_start3A_461 = arith.constant 400 : i32
      %dma_start3A_462 = tpu.memref_slice %arg6[%dma_start3A_461] : memref<800xi32, #tpu.memory_space<vmem>> -> memref<200xi32, #tpu.memory_space<vmem>>
      %dma_start3A_463 = tpu.memref_slice %arg2[%add3A_459] : memref<204800xi32, #tpu.memory_space<hbm>> -> memref<200xi32, #tpu.memory_space<hbm>>
      %dma_start3A_464 = tpu.memref_slice %arg11[%dma_start3A_460] : memref<4x!tpu.dma_semaphore, #tpu.memory_space<semaphore_mem>> -> memref<1x!tpu.dma_semaphore, #tpu.memory_space<semaphore_mem>>
      %dma_start3A_465 = tpu.memref_squeeze %dma_start3A_464 : memref<1x!tpu.dma_semaphore, #tpu.memory_space<semaphore_mem>> -> memref<!tpu.dma_semaphore, #tpu.memory_space<semaphore_mem>>
      %dma_start3A_466 = arith.constant 400 : i32
      %dma_start3A_467 = tpu.memref_slice %arg6[%dma_start3A_466] : memref<800xi32, #tpu.memory_space<vmem>> -> memref<200xi32, #tpu.memory_space<vmem>>
      %dma_start3A_468 = tpu.memref_slice %arg2[%add3A_459] : memref<204800xi32, #tpu.memory_space<hbm>> -> memref<200xi32, #tpu.memory_space<hbm>>
      tpu.enqueue_dma source(%dma_start3A_468 : memref<200xi32, #tpu.memory_space<hbm>>) target(%dma_start3A_467 : memref<200xi32, #tpu.memory_space<vmem>>) target_semaphore(%dma_start3A_465 : memref<!tpu.dma_semaphore, #tpu.memory_space<semaphore_mem>>)
      %parallel_loop3A_469 = arith.constant 0 : i32
      %parallel_loop3A_470 = arith.constant 200 : i32
      %parallel_loop3A_471 = arith.constant 1 : i32
      scf.for %parallel_loop3A_727 = %parallel_loop3A_469 to %parallel_loop3A_470 step %parallel_loop3A_471  : i32 {
        %parallel_loop3A_728 = arith.constant 400 : i32
        %parallel_loop3A_729 = arith.addi %parallel_loop3A_728, %parallel_loop3A_727 : i32
        %parallel_loop3A_730 = arith.index_cast %parallel_loop3A_727 : i32 to index
        %parallel_loop3A_731 = arith.constant 0 : index
        %parallel_loop3A_732 = tpu.vector_load %arg7[%parallel_loop3A_730, %parallel_loop3A_731] {strides = array<i32>} : memref<200x128xf32, #tpu.memory_space<vmem>>, vector<1x16xf32>,
        %parallel_loop3A_733 = vector.shape_cast %parallel_loop3A_732 : vector<1x16xf32> to vector<16xf32>
        %parallel_loop3A_734 = arith.index_cast %parallel_loop3A_729 : i32 to index
        %parallel_loop3A_735 = arith.constant 0 : index
        %parallel_loop3A_736 = tpu.vector_load %arg8[%parallel_loop3A_734, %parallel_loop3A_735] {strides = array<i32>} : memref<800x128xf32, #tpu.memory_space<vmem>>, vector<1x16xf32>,
        %parallel_loop3A_737 = vector.shape_cast %parallel_loop3A_736 : vector<1x16xf32> to vector<16xf32>
        %parallel_loop3A_738 = vector.shape_cast %parallel_loop3A_733 : vector<16xf32> to vector<1x16xf32>
        tpu.vector_store %arg8[%parallel_loop3A_734, %parallel_loop3A_735], %parallel_loop3A_738 {add = true, strides = array<i32>} : memref<800x128xf32, #tpu.memory_space<vmem>>, vector<1x16xf32>,
        %parallel_loop3A_739 = arith.constant 400 : i32
        %parallel_loop3A_740 = arith.addi %parallel_loop3A_739, %parallel_loop3A_727 : i32
        %parallel_loop3A_741 = arith.index_cast %parallel_loop3A_727 : i32 to index
        %parallel_loop3A_742 = arith.constant 16 : index
        %parallel_loop3A_743 = tpu.vector_load %arg7[%parallel_loop3A_741, %parallel_loop3A_742] {strides = array<i32>} : memref<200x128xf32, #tpu.memory_space<vmem>>, vector<1x16xf32>,
        %parallel_loop3A_744 = vector.shape_cast %parallel_loop3A_743 : vector<1x16xf32> to vector<16xf32>
        %parallel_loop3A_745 = arith.index_cast %parallel_loop3A_740 : i32 to index
        %parallel_loop3A_746 = arith.constant 16 : index
        %parallel_loop3A_747 = tpu.vector_load %arg8[%parallel_loop3A_745, %parallel_loop3A_746] {strides = array<i32>} : memref<800x128xf32, #tpu.memory_space<vmem>>, vector<1x16xf32>,
        %parallel_loop3A_748 = vector.shape_cast %parallel_loop3A_747 : vector<1x16xf32> to vector<16xf32>
        %parallel_loop3A_749 = vector.shape_cast %parallel_loop3A_744 : vector<16xf32> to vector<1x16xf32>
        tpu.vector_store %arg8[%parallel_loop3A_745, %parallel_loop3A_746], %parallel_loop3A_749 {add = true, strides = array<i32>} : memref<800x128xf32, #tpu.memory_space<vmem>>, vector<1x16xf32>,
        %parallel_loop3A_750 = arith.constant 400 : i32
        %parallel_loop3A_751 = arith.addi %parallel_loop3A_750, %parallel_loop3A_727 : i32
        %parallel_loop3A_752 = arith.index_cast %parallel_loop3A_727 : i32 to index
        %parallel_loop3A_753 = arith.constant 32 : index
        %parallel_loop3A_754 = tpu.vector_load %arg7[%parallel_loop3A_752, %parallel_loop3A_753] {strides = array<i32>} : memref<200x128xf32, #tpu.memory_space<vmem>>, vector<1x16xf32>,
        %parallel_loop3A_755 = vector.shape_cast %parallel_loop3A_754 : vector<1x16xf32> to vector<16xf32>
        %parallel_loop3A_756 = arith.index_cast %parallel_loop3A_751 : i32 to index
        %parallel_loop3A_757 = arith.constant 32 : index
        %parallel_loop3A_758 = tpu.vector_load %arg8[%parallel_loop3A_756, %parallel_loop3A_757] {strides = array<i32>} : memref<800x128xf32, #tpu.memory_space<vmem>>, vector<1x16xf32>,
        %parallel_loop3A_759 = vector.shape_cast %parallel_loop3A_758 : vector<1x16xf32> to vector<16xf32>
        %parallel_loop3A_760 = vector.shape_cast %parallel_loop3A_755 : vector<16xf32> to vector<1x16xf32>
        tpu.vector_store %arg8[%parallel_loop3A_756, %parallel_loop3A_757], %parallel_loop3A_760 {add = true, strides = array<i32>} : memref<800x128xf32, #tpu.memory_space<vmem>>, vector<1x16xf32>,
        %parallel_loop3A_761 = arith.constant 400 : i32
        %parallel_loop3A_762 = arith.addi %parallel_loop3A_761, %parallel_loop3A_727 : i32
        %parallel_loop3A_763 = arith.index_cast %parallel_loop3A_727 : i32 to index
        %parallel_loop3A_764 = arith.constant 48 : index
        %parallel_loop3A_765 = tpu.vector_load %arg7[%parallel_loop3A_763, %parallel_loop3A_764] {strides = array<i32>} : memref<200x128xf32, #tpu.memory_space<vmem>>, vector<1x16xf32>,
        %parallel_loop3A_766 = vector.shape_cast %parallel_loop3A_765 : vector<1x16xf32> to vector<16xf32>
        %parallel_loop3A_767 = arith.index_cast %parallel_loop3A_762 : i32 to index
        %parallel_loop3A_768 = arith.constant 48 : index
        %parallel_loop3A_769 = tpu.vector_load %arg8[%parallel_loop3A_767, %parallel_loop3A_768] {strides = array<i32>} : memref<800x128xf32, #tpu.memory_space<vmem>>, vector<1x16xf32>,
        %parallel_loop3A_770 = vector.shape_cast %parallel_loop3A_769 : vector<1x16xf32> to vector<16xf32>
        %parallel_loop3A_771 = vector.shape_cast %parallel_loop3A_766 : vector<16xf32> to vector<1x16xf32>
        tpu.vector_store %arg8[%parallel_loop3A_767, %parallel_loop3A_768], %parallel_loop3A_771 {add = true, strides = array<i32>} : memref<800x128xf32, #tpu.memory_space<vmem>>, vector<1x16xf32>,
        %parallel_loop3A_772 = arith.constant 400 : i32
        %parallel_loop3A_773 = arith.addi %parallel_loop3A_772, %parallel_loop3A_727 : i32
        %parallel_loop3A_774 = arith.index_cast %parallel_loop3A_727 : i32 to index
        %parallel_loop3A_775 = arith.constant 64 : index
        %parallel_loop3A_776 = tpu.vector_load %arg7[%parallel_loop3A_774, %parallel_loop3A_775] {strides = array<i32>} : memref<200x128xf32, #tpu.memory_space<vmem>>, vector<1x16xf32>,
        %parallel_loop3A_777 = vector.shape_cast %parallel_loop3A_776 : vector<1x16xf32> to vector<16xf32>
        %parallel_loop3A_778 = arith.index_cast %parallel_loop3A_773 : i32 to index
        %parallel_loop3A_779 = arith.constant 64 : index
        %parallel_loop3A_780 = tpu.vector_load %arg8[%parallel_loop3A_778, %parallel_loop3A_779] {strides = array<i32>} : memref<800x128xf32, #tpu.memory_space<vmem>>, vector<1x16xf32>,
        %parallel_loop3A_781 = vector.shape_cast %parallel_loop3A_780 : vector<1x16xf32> to vector<16xf32>
        %parallel_loop3A_782 = vector.shape_cast %parallel_loop3A_777 : vector<16xf32> to vector<1x16xf32>
        tpu.vector_store %arg8[%parallel_loop3A_778, %parallel_loop3A_779], %parallel_loop3A_782 {add = true, strides = array<i32>} : memref<800x128xf32, #tpu.memory_space<vmem>>, vector<1x16xf32>,
        %parallel_loop3A_783 = arith.constant 400 : i32
        %parallel_loop3A_784 = arith.addi %parallel_loop3A_783, %parallel_loop3A_727 : i32
        %parallel_loop3A_785 = arith.index_cast %parallel_loop3A_727 : i32 to index
        %parallel_loop3A_786 = arith.constant 80 : index
        %parallel_loop3A_787 = tpu.vector_load %arg7[%parallel_loop3A_785, %parallel_loop3A_786] {strides = array<i32>} : memref<200x128xf32, #tpu.memory_space<vmem>>, vector<1x16xf32>,
        %parallel_loop3A_788 = vector.shape_cast %parallel_loop3A_787 : vector<1x16xf32> to vector<16xf32>
        %parallel_loop3A_789 = arith.index_cast %parallel_loop3A_784 : i32 to index
        %parallel_loop3A_790 = arith.constant 80 : index
        %parallel_loop3A_791 = tpu.vector_load %arg8[%parallel_loop3A_789, %parallel_loop3A_790] {strides = array<i32>} : memref<800x128xf32, #tpu.memory_space<vmem>>, vector<1x16xf32>,
        %parallel_loop3A_792 = vector.shape_cast %parallel_loop3A_791 : vector<1x16xf32> to vector<16xf32>
        %parallel_loop3A_793 = vector.shape_cast %parallel_loop3A_788 : vector<16xf32> to vector<1x16xf32>
        tpu.vector_store %arg8[%parallel_loop3A_789, %parallel_loop3A_790], %parallel_loop3A_793 {add = true, strides = array<i32>} : memref<800x128xf32, #tpu.memory_space<vmem>>, vector<1x16xf32>,
        %parallel_loop3A_794 = arith.constant 400 : i32
        %parallel_loop3A_795 = arith.addi %parallel_loop3A_794, %parallel_loop3A_727 : i32
        %parallel_loop3A_796 = arith.index_cast %parallel_loop3A_727 : i32 to index
        %parallel_loop3A_797 = arith.constant 96 : index
        %parallel_loop3A_798 = tpu.vector_load %arg7[%parallel_loop3A_796, %parallel_loop3A_797] {strides = array<i32>} : memref<200x128xf32, #tpu.memory_space<vmem>>, vector<1x16xf32>,
        %parallel_loop3A_799 = vector.shape_cast %parallel_loop3A_798 : vector<1x16xf32> to vector<16xf32>
        %parallel_loop3A_800 = arith.index_cast %parallel_loop3A_795 : i32 to index
        %parallel_loop3A_801 = arith.constant 96 : index
        %parallel_loop3A_802 = tpu.vector_load %arg8[%parallel_loop3A_800, %parallel_loop3A_801] {strides = array<i32>} : memref<800x128xf32, #tpu.memory_space<vmem>>, vector<1x16xf32>,
        %parallel_loop3A_803 = vector.shape_cast %parallel_loop3A_802 : vector<1x16xf32> to vector<16xf32>
        %parallel_loop3A_804 = vector.shape_cast %parallel_loop3A_799 : vector<16xf32> to vector<1x16xf32>
        tpu.vector_store %arg8[%parallel_loop3A_800, %parallel_loop3A_801], %parallel_loop3A_804 {add = true, strides = array<i32>} : memref<800x128xf32, #tpu.memory_space<vmem>>, vector<1x16xf32>,
        %parallel_loop3A_805 = arith.constant 400 : i32
        %parallel_loop3A_806 = arith.addi %parallel_loop3A_805, %parallel_loop3A_727 : i32
        %parallel_loop3A_807 = arith.index_cast %parallel_loop3A_727 : i32 to index
        %parallel_loop3A_808 = arith.constant 112 : index
        %parallel_loop3A_809 = tpu.vector_load %arg7[%parallel_loop3A_807, %parallel_loop3A_808] {strides = array<i32>} : memref<200x128xf32, #tpu.memory_space<vmem>>, vector<1x16xf32>,
        %parallel_loop3A_810 = vector.shape_cast %parallel_loop3A_809 : vector<1x16xf32> to vector<16xf32>
        %parallel_loop3A_811 = arith.index_cast %parallel_loop3A_806 : i32 to index
        %parallel_loop3A_812 = arith.constant 112 : index
        %parallel_loop3A_813 = tpu.vector_load %arg8[%parallel_loop3A_811, %parallel_loop3A_812] {strides = array<i32>} : memref<800x128xf32, #tpu.memory_space<vmem>>, vector<1x16xf32>,
        %parallel_loop3A_814 = vector.shape_cast %parallel_loop3A_813 : vector<1x16xf32> to vector<16xf32>
        %parallel_loop3A_815 = vector.shape_cast %parallel_loop3A_810 : vector<16xf32> to vector<1x16xf32>
        tpu.vector_store %arg8[%parallel_loop3A_811, %parallel_loop3A_812], %parallel_loop3A_815 {add = true, strides = array<i32>} : memref<800x128xf32, #tpu.memory_space<vmem>>, vector<1x16xf32>,
      } {sc.loop_unroll_factor = 2 : i64, sc.parallel_access}
      %mul3A_472 = arith.constant 200 : i32
      %mul3A_473 = arith.muli %add3A_441, %mul3A_472 : i32
      %add3A_474 = arith.addi %mul3A_4, %mul3A_473 : i32
      %dma_start3A_475 = arith.constant 2 : i32
      %dma_start3A_476 = arith.constant 400 : i32
      %dma_start3A_477 = arith.constant 0 : i32
      %dma_start3A_478 = tpu.memref_slice %arg8[%dma_start3A_476, %dma_start3A_477] : memref<800x128xf32, #tpu.memory_space<vmem>> -> memref<200x128xf32, #tpu.memory_space<vmem>>
      %dma_start3A_479 = arith.constant 0 : i32
      %dma_start3A_480 = tpu.memref_slice %arg5[%add3A_474, %dma_start3A_479] : memref<204800x128xf32, #tpu.memory_space<hbm>> -> memref<200x128xf32, #tpu.memory_space<hbm>>
      %dma_start3A_481 = tpu.memref_slice %arg10[%dma_start3A_475] : memref<4x!tpu.dma_semaphore, #tpu.memory_space<semaphore_mem>> -> memref<1x!tpu.dma_semaphore, #tpu.memory_space<semaphore_mem>>
      %dma_start3A_482 = tpu.memref_squeeze %dma_start3A_481 : memref<1x!tpu.dma_semaphore, #tpu.memory_space<semaphore_mem>> -> memref<!tpu.dma_semaphore, #tpu.memory_space<semaphore_mem>>
      %dma_start3A_483 = arith.constant 0 : i32
      %dma_start3A_484 = tpu.memref_slice %arg5[%add3A_474, %dma_start3A_483] : memref<204800x128xf32, #tpu.memory_space<hbm>> -> memref<200x128xf32, #tpu.memory_space<hbm>>
      %dma_start3A_485 = arith.constant 400 : i32
      %dma_start3A_486 = arith.constant 0 : i32
      %dma_start3A_487 = tpu.memref_slice %arg8[%dma_start3A_485, %dma_start3A_486] : memref<800x128xf32, #tpu.memory_space<vmem>> -> memref<200x128xf32, #tpu.memory_space<vmem>>
      tpu.enqueue_dma source(%dma_start3A_487 : memref<200x128xf32, #tpu.memory_space<vmem>>) target(%dma_start3A_484 : memref<200x128xf32, #tpu.memory_space<hbm>>) target_semaphore(%dma_start3A_482 : memref<!tpu.dma_semaphore, #tpu.memory_space<semaphore_mem>>)
      %sub3A_488 = arith.constant 1 : i32
      %sub3A_489 = arith.subi %add3A_441, %sub3A_488 : i32
      %mul3A_490 = arith.constant 200 : i32
      %mul3A_491 = arith.muli %sub3A_489, %mul3A_490 : i32
      %add3A_492 = arith.addi %mul3A_4, %mul3A_491 : i32
      %dma_wait3A_493 = arith.constant 1 : i32
      %dma_wait3A_494 = arith.constant 200 : i32
      %dma_wait3A_495 = arith.constant 0 : i32
      %dma_wait3A_496 = tpu.memref_slice %arg8[%dma_wait3A_494, %dma_wait3A_495] : memref<800x128xf32, #tpu.memory_space<vmem>> -> memref<200x128xf32, #tpu.memory_space<vmem>>
      %dma_wait3A_497 = arith.constant 0 : i32
      %dma_wait3A_498 = tpu.memref_slice %arg5[%add3A_492, %dma_wait3A_497] : memref<204800x128xf32, #tpu.memory_space<hbm>> -> memref<200x128xf32, #tpu.memory_space<hbm>>
      %dma_wait3A_499 = tpu.memref_slice %arg10[%dma_wait3A_493] : memref<4x!tpu.dma_semaphore, #tpu.memory_space<semaphore_mem>> -> memref<1x!tpu.dma_semaphore, #tpu.memory_space<semaphore_mem>>
      %dma_wait3A_500 = tpu.memref_squeeze %dma_wait3A_499 : memref<1x!tpu.dma_semaphore, #tpu.memory_space<semaphore_mem>> -> memref<!tpu.dma_semaphore, #tpu.memory_space<semaphore_mem>>
      %dma_wait3A_501 = arith.constant 0 : i32
      %dma_wait3A_502 = tpu.memref_slice %arg5[%add3A_492, %dma_wait3A_501] : memref<204800x128xf32, #tpu.memory_space<hbm>> -> memref<200x128xf32, #tpu.memory_space<hbm>>
      %dma_wait3A_503 = arith.constant 200 : i32
      %dma_wait3A_504 = arith.constant 0 : i32
      %dma_wait3A_505 = tpu.memref_slice %arg8[%dma_wait3A_503, %dma_wait3A_504] : memref<800x128xf32, #tpu.memory_space<vmem>> -> memref<200x128xf32, #tpu.memory_space<vmem>>
      tpu.wait_dma2 semaphore(%dma_wait3A_500 : memref<!tpu.dma_semaphore, #tpu.memory_space<semaphore_mem>>) src(%dma_wait3A_505 : memref<200x128xf32, #tpu.memory_space<vmem>>) dst(%dma_wait3A_502 : memref<200x128xf32, #tpu.memory_space<hbm>>)
      %add3A_506 = arith.constant 3 : i32
      %add3A_507 = arith.addi %add3A_441, %add3A_506 : i32
      %mul3A_508 = arith.constant 200 : i32
      %mul3A_509 = arith.muli %add3A_507, %mul3A_508 : i32
      %add3A_510 = arith.addi %mul3A_4, %mul3A_509 : i32
      %dma_wait3A_511 = arith.constant 1 : i32
      %dma_wait3A_512 = arith.constant 200 : i32
      %dma_wait3A_513 = tpu.memref_slice %arg6[%dma_wait3A_512] : memref<800xi32, #tpu.memory_space<vmem>> -> memref<200xi32, #tpu.memory_space<vmem>>
      %dma_wait3A_514 = tpu.memref_slice %arg2[%add3A_510] : memref<204800xi32, #tpu.memory_space<hbm>> -> memref<200xi32, #tpu.memory_space<hbm>>
      %dma_wait3A_515 = tpu.memref_slice %arg11[%dma_wait3A_511] : memref<4x!tpu.dma_semaphore, #tpu.memory_space<semaphore_mem>> -> memref<1x!tpu.dma_semaphore, #tpu.memory_space<semaphore_mem>>
      %dma_wait3A_516 = tpu.memref_squeeze %dma_wait3A_515 : memref<1x!tpu.dma_semaphore, #tpu.memory_space<semaphore_mem>> -> memref<!tpu.dma_semaphore, #tpu.memory_space<semaphore_mem>>
      %dma_wait3A_517 = arith.constant 200 : i32
      %dma_wait3A_518 = tpu.memref_slice %arg6[%dma_wait3A_517] : memref<800xi32, #tpu.memory_space<vmem>> -> memref<200xi32, #tpu.memory_space<vmem>>
      %dma_wait3A_519 = tpu.memref_slice %arg2[%add3A_510] : memref<204800xi32, #tpu.memory_space<hbm>> -> memref<200xi32, #tpu.memory_space<hbm>>
      tpu.wait_dma2 semaphore(%dma_wait3A_516 : memref<!tpu.dma_semaphore, #tpu.memory_space<semaphore_mem>>) src(%dma_wait3A_519 : memref<200xi32, #tpu.memory_space<hbm>>) dst(%dma_wait3A_518 : memref<200xi32, #tpu.memory_space<vmem>>)
      %add3A_520 = arith.constant 3 : i32
      %add3A_521 = arith.addi %add3A_441, %add3A_520 : i32
      %dma_start3A_522 = arith.constant 1 : i32
      %dma_start3A_523 = arith.constant 200 : i32
      %dma_start3A_524 = arith.constant 0 : i32
      %dma_start3A_525 = tpu.memref_slice %arg8[%dma_start3A_523, %dma_start3A_524] : memref<800x128xf32, #tpu.memory_space<vmem>> -> memref<200x128xf32, #tpu.memory_space<vmem>>
      %dma_start3A_526 = arith.constant 200 : i32
      %dma_start3A_527 = tpu.memref_slice %arg6[%dma_start3A_526] : memref<800xi32, #tpu.memory_space<vmem>> -> memref<200xi32, #tpu.memory_space<vmem>>
      %dma_start3A_528 = arith.constant 0 : i32
      %dma_start3A_529 = arith.constant 0 : i32
      %dma_start3A_530 = tpu.memref_slice %arg3[%dma_start3A_528, %dma_start3A_529] : memref<100000x128xf32, #tpu.memory_space<hbm>> -> memref<100000x128xf32, #tpu.memory_space<hbm>>
      %dma_start3A_531 = tpu.memref_slice %arg9[%dma_start3A_522] : memref<4x!tpu.dma_semaphore, #tpu.memory_space<semaphore_mem>> -> memref<1x!tpu.dma_semaphore, #tpu.memory_space<semaphore_mem>>
      %dma_start3A_532 = tpu.memref_squeeze %dma_start3A_531 : memref<1x!tpu.dma_semaphore, #tpu.memory_space<semaphore_mem>> -> memref<!tpu.dma_semaphore, #tpu.memory_space<semaphore_mem>>
      tpu.enqueue_indirect_dma source(%dma_start3A_530 : memref<100000x128xf32, #tpu.memory_space<hbm>>) target(%dma_start3A_525 : memref<200x128xf32, #tpu.memory_space<vmem>>) offsets(%dma_start3A_527 : memref<200xi32, #tpu.memory_space<vmem>>) semaphore(%dma_start3A_532 : memref<!tpu.dma_semaphore, #tpu.memory_space<semaphore_mem>>)
      %mul3A_533 = arith.constant 4 : i32
      %mul3A_534 = arith.muli %add3A_340, %mul3A_533 : i32
      %add3A_535 = arith.constant 1 : i32
      %add3A_536 = arith.addi %mul3A_534, %add3A_535 : i32
      %add3A_537 = arith.constant 2 : i32
      %add3A_538 = arith.addi %add3A_536, %add3A_537 : i32
      %dma_wait3A_539 = arith.constant 3 : i32
      %dma_wait3A_540 = arith.constant 600 : i32
      %dma_wait3A_541 = arith.constant 0 : i32
      %dma_wait3A_542 = tpu.memref_slice %arg8[%dma_wait3A_540, %dma_wait3A_541] : memref<800x128xf32, #tpu.memory_space<vmem>> -> memref<200x128xf32, #tpu.memory_space<vmem>>
      %dma_wait3A_543 = arith.constant 600 : i32
      %dma_wait3A_544 = tpu.memref_slice %arg6[%dma_wait3A_543] : memref<800xi32, #tpu.memory_space<vmem>> -> memref<200xi32, #tpu.memory_space<vmem>>
      %dma_wait3A_545 = arith.constant 0 : i32
      %dma_wait3A_546 = arith.constant 0 : i32
      %dma_wait3A_547 = tpu.memref_slice %arg3[%dma_wait3A_545, %dma_wait3A_546] : memref<100000x128xf32, #tpu.memory_space<hbm>> -> memref<100000x128xf32, #tpu.memory_space<hbm>>
      %dma_wait3A_548 = tpu.memref_slice %arg9[%dma_wait3A_539] : memref<4x!tpu.dma_semaphore, #tpu.memory_space<semaphore_mem>> -> memref<1x!tpu.dma_semaphore, #tpu.memory_space<semaphore_mem>>
      %dma_wait3A_549 = tpu.memref_squeeze %dma_wait3A_548 : memref<1x!tpu.dma_semaphore, #tpu.memory_space<semaphore_mem>> -> memref<!tpu.dma_semaphore, #tpu.memory_space<semaphore_mem>>
      tpu.wait_indirect_dma semaphore(%dma_wait3A_549 : memref<!tpu.dma_semaphore, #tpu.memory_space<semaphore_mem>>) src(%dma_wait3A_547 : memref<100000x128xf32, #tpu.memory_space<hbm>>) dst(%dma_wait3A_542 : memref<200x128xf32, #tpu.memory_space<vmem>>)
      %add3A_550 = arith.constant 4 : i32
      %add3A_551 = arith.addi %add3A_538, %add3A_550 : i32
      %min3A_552 = arith.constant 31 : i32
      %min3A_553 = arith.minsi %add3A_551, %min3A_552 : i32
      %mul3A_554 = arith.constant 200 : i32
      %mul3A_555 = arith.muli %min3A_553, %mul3A_554 : i32
      %add3A_556 = arith.addi %mul3A_4, %mul3A_555 : i32
      %dma_start3A_557 = arith.constant 3 : i32
      %dma_start3A_558 = arith.constant 600 : i32
      %dma_start3A_559 = tpu.memref_slice %arg6[%dma_start3A_558] : memref<800xi32, #tpu.memory_space<vmem>> -> memref<200xi32, #tpu.memory_space<vmem>>
      %dma_start3A_560 = tpu.memref_slice %arg2[%add3A_556] : memref<204800xi32, #tpu.memory_space<hbm>> -> memref<200xi32, #tpu.memory_space<hbm>>
      %dma_start3A_561 = tpu.memref_slice %arg11[%dma_start3A_557] : memref<4x!tpu.dma_semaphore, #tpu.memory_space<semaphore_mem>> -> memref<1x!tpu.dma_semaphore, #tpu.memory_space<semaphore_mem>>
      %dma_start3A_562 = tpu.memref_squeeze %dma_start3A_561 : memref<1x!tpu.dma_semaphore, #tpu.memory_space<semaphore_mem>> -> memref<!tpu.dma_semaphore, #tpu.memory_space<semaphore_mem>>
      %dma_start3A_563 = arith.constant 600 : i32
      %dma_start3A_564 = tpu.memref_slice %arg6[%dma_start3A_563] : memref<800xi32, #tpu.memory_space<vmem>> -> memref<200xi32, #tpu.memory_space<vmem>>
      %dma_start3A_565 = tpu.memref_slice %arg2[%add3A_556] : memref<204800xi32, #tpu.memory_space<hbm>> -> memref<200xi32, #tpu.memory_space<hbm>>
      tpu.enqueue_dma source(%dma_start3A_565 : memref<200xi32, #tpu.memory_space<hbm>>) target(%dma_start3A_564 : memref<200xi32, #tpu.memory_space<vmem>>) target_semaphore(%dma_start3A_562 : memref<!tpu.dma_semaphore, #tpu.memory_space<semaphore_mem>>)
      %parallel_loop3A_566 = arith.constant 0 : i32
      %parallel_loop3A_567 = arith.constant 200 : i32
      %parallel_loop3A_568 = arith.constant 1 : i32
      scf.for %parallel_loop3A_727 = %parallel_loop3A_566 to %parallel_loop3A_567 step %parallel_loop3A_568  : i32 {
        %parallel_loop3A_728 = arith.constant 600 : i32
        %parallel_loop3A_729 = arith.addi %parallel_loop3A_728, %parallel_loop3A_727 : i32
        %parallel_loop3A_730 = arith.index_cast %parallel_loop3A_727 : i32 to index
        %parallel_loop3A_731 = arith.constant 0 : index
        %parallel_loop3A_732 = tpu.vector_load %arg7[%parallel_loop3A_730, %parallel_loop3A_731] {strides = array<i32>} : memref<200x128xf32, #tpu.memory_space<vmem>>, vector<1x16xf32>,
        %parallel_loop3A_733 = vector.shape_cast %parallel_loop3A_732 : vector<1x16xf32> to vector<16xf32>
        %parallel_loop3A_734 = arith.index_cast %parallel_loop3A_729 : i32 to index
        %parallel_loop3A_735 = arith.constant 0 : index
        %parallel_loop3A_736 = tpu.vector_load %arg8[%parallel_loop3A_734, %parallel_loop3A_735] {strides = array<i32>} : memref<800x128xf32, #tpu.memory_space<vmem>>, vector<1x16xf32>,
        %parallel_loop3A_737 = vector.shape_cast %parallel_loop3A_736 : vector<1x16xf32> to vector<16xf32>
        %parallel_loop3A_738 = vector.shape_cast %parallel_loop3A_733 : vector<16xf32> to vector<1x16xf32>
        tpu.vector_store %arg8[%parallel_loop3A_734, %parallel_loop3A_735], %parallel_loop3A_738 {add = true, strides = array<i32>} : memref<800x128xf32, #tpu.memory_space<vmem>>, vector<1x16xf32>,
        %parallel_loop3A_739 = arith.constant 600 : i32
        %parallel_loop3A_740 = arith.addi %parallel_loop3A_739, %parallel_loop3A_727 : i32
        %parallel_loop3A_741 = arith.index_cast %parallel_loop3A_727 : i32 to index
        %parallel_loop3A_742 = arith.constant 16 : index
        %parallel_loop3A_743 = tpu.vector_load %arg7[%parallel_loop3A_741, %parallel_loop3A_742] {strides = array<i32>} : memref<200x128xf32, #tpu.memory_space<vmem>>, vector<1x16xf32>,
        %parallel_loop3A_744 = vector.shape_cast %parallel_loop3A_743 : vector<1x16xf32> to vector<16xf32>
        %parallel_loop3A_745 = arith.index_cast %parallel_loop3A_740 : i32 to index
        %parallel_loop3A_746 = arith.constant 16 : index
        %parallel_loop3A_747 = tpu.vector_load %arg8[%parallel_loop3A_745, %parallel_loop3A_746] {strides = array<i32>} : memref<800x128xf32, #tpu.memory_space<vmem>>, vector<1x16xf32>,
        %parallel_loop3A_748 = vector.shape_cast %parallel_loop3A_747 : vector<1x16xf32> to vector<16xf32>
        %parallel_loop3A_749 = vector.shape_cast %parallel_loop3A_744 : vector<16xf32> to vector<1x16xf32>
        tpu.vector_store %arg8[%parallel_loop3A_745, %parallel_loop3A_746], %parallel_loop3A_749 {add = true, strides = array<i32>} : memref<800x128xf32, #tpu.memory_space<vmem>>, vector<1x16xf32>,
        %parallel_loop3A_750 = arith.constant 600 : i32
        %parallel_loop3A_751 = arith.addi %parallel_loop3A_750, %parallel_loop3A_727 : i32
        %parallel_loop3A_752 = arith.index_cast %parallel_loop3A_727 : i32 to index
        %parallel_loop3A_753 = arith.constant 32 : index
        %parallel_loop3A_754 = tpu.vector_load %arg7[%parallel_loop3A_752, %parallel_loop3A_753] {strides = array<i32>} : memref<200x128xf32, #tpu.memory_space<vmem>>, vector<1x16xf32>,
        %parallel_loop3A_755 = vector.shape_cast %parallel_loop3A_754 : vector<1x16xf32> to vector<16xf32>
        %parallel_loop3A_756 = arith.index_cast %parallel_loop3A_751 : i32 to index
        %parallel_loop3A_757 = arith.constant 32 : index
        %parallel_loop3A_758 = tpu.vector_load %arg8[%parallel_loop3A_756, %parallel_loop3A_757] {strides = array<i32>} : memref<800x128xf32, #tpu.memory_space<vmem>>, vector<1x16xf32>,
        %parallel_loop3A_759 = vector.shape_cast %parallel_loop3A_758 : vector<1x16xf32> to vector<16xf32>
        %parallel_loop3A_760 = vector.shape_cast %parallel_loop3A_755 : vector<16xf32> to vector<1x16xf32>
        tpu.vector_store %arg8[%parallel_loop3A_756, %parallel_loop3A_757], %parallel_loop3A_760 {add = true, strides = array<i32>} : memref<800x128xf32, #tpu.memory_space<vmem>>, vector<1x16xf32>,
        %parallel_loop3A_761 = arith.constant 600 : i32
        %parallel_loop3A_762 = arith.addi %parallel_loop3A_761, %parallel_loop3A_727 : i32
        %parallel_loop3A_763 = arith.index_cast %parallel_loop3A_727 : i32 to index
        %parallel_loop3A_764 = arith.constant 48 : index
        %parallel_loop3A_765 = tpu.vector_load %arg7[%parallel_loop3A_763, %parallel_loop3A_764] {strides = array<i32>} : memref<200x128xf32, #tpu.memory_space<vmem>>, vector<1x16xf32>,
        %parallel_loop3A_766 = vector.shape_cast %parallel_loop3A_765 : vector<1x16xf32> to vector<16xf32>
        %parallel_loop3A_767 = arith.index_cast %parallel_loop3A_762 : i32 to index
        %parallel_loop3A_768 = arith.constant 48 : index
        %parallel_loop3A_769 = tpu.vector_load %arg8[%parallel_loop3A_767, %parallel_loop3A_768] {strides = array<i32>} : memref<800x128xf32, #tpu.memory_space<vmem>>, vector<1x16xf32>,
        %parallel_loop3A_770 = vector.shape_cast %parallel_loop3A_769 : vector<1x16xf32> to vector<16xf32>
        %parallel_loop3A_771 = vector.shape_cast %parallel_loop3A_766 : vector<16xf32> to vector<1x16xf32>
        tpu.vector_store %arg8[%parallel_loop3A_767, %parallel_loop3A_768], %parallel_loop3A_771 {add = true, strides = array<i32>} : memref<800x128xf32, #tpu.memory_space<vmem>>, vector<1x16xf32>,
        %parallel_loop3A_772 = arith.constant 600 : i32
        %parallel_loop3A_773 = arith.addi %parallel_loop3A_772, %parallel_loop3A_727 : i32
        %parallel_loop3A_774 = arith.index_cast %parallel_loop3A_727 : i32 to index
        %parallel_loop3A_775 = arith.constant 64 : index
        %parallel_loop3A_776 = tpu.vector_load %arg7[%parallel_loop3A_774, %parallel_loop3A_775] {strides = array<i32>} : memref<200x128xf32, #tpu.memory_space<vmem>>, vector<1x16xf32>,
        %parallel_loop3A_777 = vector.shape_cast %parallel_loop3A_776 : vector<1x16xf32> to vector<16xf32>
        %parallel_loop3A_778 = arith.index_cast %parallel_loop3A_773 : i32 to index
        %parallel_loop3A_779 = arith.constant 64 : index
        %parallel_loop3A_780 = tpu.vector_load %arg8[%parallel_loop3A_778, %parallel_loop3A_779] {strides = array<i32>} : memref<800x128xf32, #tpu.memory_space<vmem>>, vector<1x16xf32>,
        %parallel_loop3A_781 = vector.shape_cast %parallel_loop3A_780 : vector<1x16xf32> to vector<16xf32>
        %parallel_loop3A_782 = vector.shape_cast %parallel_loop3A_777 : vector<16xf32> to vector<1x16xf32>
        tpu.vector_store %arg8[%parallel_loop3A_778, %parallel_loop3A_779], %parallel_loop3A_782 {add = true, strides = array<i32>} : memref<800x128xf32, #tpu.memory_space<vmem>>, vector<1x16xf32>,
        %parallel_loop3A_783 = arith.constant 600 : i32
        %parallel_loop3A_784 = arith.addi %parallel_loop3A_783, %parallel_loop3A_727 : i32
        %parallel_loop3A_785 = arith.index_cast %parallel_loop3A_727 : i32 to index
        %parallel_loop3A_786 = arith.constant 80 : index
        %parallel_loop3A_787 = tpu.vector_load %arg7[%parallel_loop3A_785, %parallel_loop3A_786] {strides = array<i32>} : memref<200x128xf32, #tpu.memory_space<vmem>>, vector<1x16xf32>,
        %parallel_loop3A_788 = vector.shape_cast %parallel_loop3A_787 : vector<1x16xf32> to vector<16xf32>
        %parallel_loop3A_789 = arith.index_cast %parallel_loop3A_784 : i32 to index
        %parallel_loop3A_790 = arith.constant 80 : index
        %parallel_loop3A_791 = tpu.vector_load %arg8[%parallel_loop3A_789, %parallel_loop3A_790] {strides = array<i32>} : memref<800x128xf32, #tpu.memory_space<vmem>>, vector<1x16xf32>,
        %parallel_loop3A_792 = vector.shape_cast %parallel_loop3A_791 : vector<1x16xf32> to vector<16xf32>
        %parallel_loop3A_793 = vector.shape_cast %parallel_loop3A_788 : vector<16xf32> to vector<1x16xf32>
        tpu.vector_store %arg8[%parallel_loop3A_789, %parallel_loop3A_790], %parallel_loop3A_793 {add = true, strides = array<i32>} : memref<800x128xf32, #tpu.memory_space<vmem>>, vector<1x16xf32>,
        %parallel_loop3A_794 = arith.constant 600 : i32
        %parallel_loop3A_795 = arith.addi %parallel_loop3A_794, %parallel_loop3A_727 : i32
        %parallel_loop3A_796 = arith.index_cast %parallel_loop3A_727 : i32 to index
        %parallel_loop3A_797 = arith.constant 96 : index
        %parallel_loop3A_798 = tpu.vector_load %arg7[%parallel_loop3A_796, %parallel_loop3A_797] {strides = array<i32>} : memref<200x128xf32, #tpu.memory_space<vmem>>, vector<1x16xf32>,
        %parallel_loop3A_799 = vector.shape_cast %parallel_loop3A_798 : vector<1x16xf32> to vector<16xf32>
        %parallel_loop3A_800 = arith.index_cast %parallel_loop3A_795 : i32 to index
        %parallel_loop3A_801 = arith.constant 96 : index
        %parallel_loop3A_802 = tpu.vector_load %arg8[%parallel_loop3A_800, %parallel_loop3A_801] {strides = array<i32>} : memref<800x128xf32, #tpu.memory_space<vmem>>, vector<1x16xf32>,
        %parallel_loop3A_803 = vector.shape_cast %parallel_loop3A_802 : vector<1x16xf32> to vector<16xf32>
        %parallel_loop3A_804 = vector.shape_cast %parallel_loop3A_799 : vector<16xf32> to vector<1x16xf32>
        tpu.vector_store %arg8[%parallel_loop3A_800, %parallel_loop3A_801], %parallel_loop3A_804 {add = true, strides = array<i32>} : memref<800x128xf32, #tpu.memory_space<vmem>>, vector<1x16xf32>,
        %parallel_loop3A_805 = arith.constant 600 : i32
        %parallel_loop3A_806 = arith.addi %parallel_loop3A_805, %parallel_loop3A_727 : i32
        %parallel_loop3A_807 = arith.index_cast %parallel_loop3A_727 : i32 to index
        %parallel_loop3A_808 = arith.constant 112 : index
        %parallel_loop3A_809 = tpu.vector_load %arg7[%parallel_loop3A_807, %parallel_loop3A_808] {strides = array<i32>} : memref<200x128xf32, #tpu.memory_space<vmem>>, vector<1x16xf32>,
        %parallel_loop3A_810 = vector.shape_cast %parallel_loop3A_809 : vector<1x16xf32> to vector<16xf32>
        %parallel_loop3A_811 = arith.index_cast %parallel_loop3A_806 : i32 to index
        %parallel_loop3A_812 = arith.constant 112 : index
        %parallel_loop3A_813 = tpu.vector_load %arg8[%parallel_loop3A_811, %parallel_loop3A_812] {strides = array<i32>} : memref<800x128xf32, #tpu.memory_space<vmem>>, vector<1x16xf32>,
        %parallel_loop3A_814 = vector.shape_cast %parallel_loop3A_813 : vector<1x16xf32> to vector<16xf32>
        %parallel_loop3A_815 = vector.shape_cast %parallel_loop3A_810 : vector<16xf32> to vector<1x16xf32>
        tpu.vector_store %arg8[%parallel_loop3A_811, %parallel_loop3A_812], %parallel_loop3A_815 {add = true, strides = array<i32>} : memref<800x128xf32, #tpu.memory_space<vmem>>, vector<1x16xf32>,
      } {sc.loop_unroll_factor = 2 : i64, sc.parallel_access}
      %mul3A_569 = arith.constant 200 : i32
      %mul3A_570 = arith.muli %add3A_538, %mul3A_569 : i32
      %add3A_571 = arith.addi %mul3A_4, %mul3A_570 : i32
      %dma_start3A_572 = arith.constant 3 : i32
      %dma_start3A_573 = arith.constant 600 : i32
      %dma_start3A_574 = arith.constant 0 : i32
      %dma_start3A_575 = tpu.memref_slice %arg8[%dma_start3A_573, %dma_start3A_574] : memref<800x128xf32, #tpu.memory_space<vmem>> -> memref<200x128xf32, #tpu.memory_space<vmem>>
      %dma_start3A_576 = arith.constant 0 : i32
      %dma_start3A_577 = tpu.memref_slice %arg5[%add3A_571, %dma_start3A_576] : memref<204800x128xf32, #tpu.memory_space<hbm>> -> memref<200x128xf32, #tpu.memory_space<hbm>>
      %dma_start3A_578 = tpu.memref_slice %arg10[%dma_start3A_572] : memref<4x!tpu.dma_semaphore, #tpu.memory_space<semaphore_mem>> -> memref<1x!tpu.dma_semaphore, #tpu.memory_space<semaphore_mem>>
      %dma_start3A_579 = tpu.memref_squeeze %dma_start3A_578 : memref<1x!tpu.dma_semaphore, #tpu.memory_space<semaphore_mem>> -> memref<!tpu.dma_semaphore, #tpu.memory_space<semaphore_mem>>
      %dma_start3A_580 = arith.constant 0 : i32
      %dma_start3A_581 = tpu.memref_slice %arg5[%add3A_571, %dma_start3A_580] : memref<204800x128xf32, #tpu.memory_space<hbm>> -> memref<200x128xf32, #tpu.memory_space<hbm>>
      %dma_start3A_582 = arith.constant 600 : i32
      %dma_start3A_583 = arith.constant 0 : i32
      %dma_start3A_584 = tpu.memref_slice %arg8[%dma_start3A_582, %dma_start3A_583] : memref<800x128xf32, #tpu.memory_space<vmem>> -> memref<200x128xf32, #tpu.memory_space<vmem>>
      tpu.enqueue_dma source(%dma_start3A_584 : memref<200x128xf32, #tpu.memory_space<vmem>>) target(%dma_start3A_581 : memref<200x128xf32, #tpu.memory_space<hbm>>) target_semaphore(%dma_start3A_579 : memref<!tpu.dma_semaphore, #tpu.memory_space<semaphore_mem>>)
      %sub3A_585 = arith.constant 1 : i32
      %sub3A_586 = arith.subi %add3A_538, %sub3A_585 : i32
      %mul3A_587 = arith.constant 200 : i32
      %mul3A_588 = arith.muli %sub3A_586, %mul3A_587 : i32
      %add3A_589 = arith.addi %mul3A_4, %mul3A_588 : i32
      %dma_wait3A_590 = arith.constant 2 : i32
      %dma_wait3A_591 = arith.constant 400 : i32
      %dma_wait3A_592 = arith.constant 0 : i32
      %dma_wait3A_593 = tpu.memref_slice %arg8[%dma_wait3A_591, %dma_wait3A_592] : memref<800x128xf32, #tpu.memory_space<vmem>> -> memref<200x128xf32, #tpu.memory_space<vmem>>
      %dma_wait3A_594 = arith.constant 0 : i32
      %dma_wait3A_595 = tpu.memref_slice %arg5[%add3A_589, %dma_wait3A_594] : memref<204800x128xf32, #tpu.memory_space<hbm>> -> memref<200x128xf32, #tpu.memory_space<hbm>>
      %dma_wait3A_596 = tpu.memref_slice %arg10[%dma_wait3A_590] : memref<4x!tpu.dma_semaphore, #tpu.memory_space<semaphore_mem>> -> memref<1x!tpu.dma_semaphore, #tpu.memory_space<semaphore_mem>>
      %dma_wait3A_597 = tpu.memref_squeeze %dma_wait3A_596 : memref<1x!tpu.dma_semaphore, #tpu.memory_space<semaphore_mem>> -> memref<!tpu.dma_semaphore, #tpu.memory_space<semaphore_mem>>
      %dma_wait3A_598 = arith.constant 0 : i32
      %dma_wait3A_599 = tpu.memref_slice %arg5[%add3A_589, %dma_wait3A_598] : memref<204800x128xf32, #tpu.memory_space<hbm>> -> memref<200x128xf32, #tpu.memory_space<hbm>>
      %dma_wait3A_600 = arith.constant 400 : i32
      %dma_wait3A_601 = arith.constant 0 : i32
      %dma_wait3A_602 = tpu.memref_slice %arg8[%dma_wait3A_600, %dma_wait3A_601] : memref<800x128xf32, #tpu.memory_space<vmem>> -> memref<200x128xf32, #tpu.memory_space<vmem>>
      tpu.wait_dma2 semaphore(%dma_wait3A_597 : memref<!tpu.dma_semaphore, #tpu.memory_space<semaphore_mem>>) src(%dma_wait3A_602 : memref<200x128xf32, #tpu.memory_space<vmem>>) dst(%dma_wait3A_599 : memref<200x128xf32, #tpu.memory_space<hbm>>)
      %add3A_603 = arith.constant 3 : i32
      %add3A_604 = arith.addi %add3A_538, %add3A_603 : i32
      %mul3A_605 = arith.constant 200 : i32
      %mul3A_606 = arith.muli %add3A_604, %mul3A_605 : i32
      %add3A_607 = arith.addi %mul3A_4, %mul3A_606 : i32
      %dma_wait3A_608 = arith.constant 2 : i32
      %dma_wait3A_609 = arith.constant 400 : i32
      %dma_wait3A_610 = tpu.memref_slice %arg6[%dma_wait3A_609] : memref<800xi32, #tpu.memory_space<vmem>> -> memref<200xi32, #tpu.memory_space<vmem>>
      %dma_wait3A_611 = tpu.memref_slice %arg2[%add3A_607] : memref<204800xi32, #tpu.memory_space<hbm>> -> memref<200xi32, #tpu.memory_space<hbm>>
      %dma_wait3A_612 = tpu.memref_slice %arg11[%dma_wait3A_608] : memref<4x!tpu.dma_semaphore, #tpu.memory_space<semaphore_mem>> -> memref<1x!tpu.dma_semaphore, #tpu.memory_space<semaphore_mem>>
      %dma_wait3A_613 = tpu.memref_squeeze %dma_wait3A_612 : memref<1x!tpu.dma_semaphore, #tpu.memory_space<semaphore_mem>> -> memref<!tpu.dma_semaphore, #tpu.memory_space<semaphore_mem>>
      %dma_wait3A_614 = arith.constant 400 : i32
      %dma_wait3A_615 = tpu.memref_slice %arg6[%dma_wait3A_614] : memref<800xi32, #tpu.memory_space<vmem>> -> memref<200xi32, #tpu.memory_space<vmem>>
      %dma_wait3A_616 = tpu.memref_slice %arg2[%add3A_607] : memref<204800xi32, #tpu.memory_space<hbm>> -> memref<200xi32, #tpu.memory_space<hbm>>
      tpu.wait_dma2 semaphore(%dma_wait3A_613 : memref<!tpu.dma_semaphore, #tpu.memory_space<semaphore_mem>>) src(%dma_wait3A_616 : memref<200xi32, #tpu.memory_space<hbm>>) dst(%dma_wait3A_615 : memref<200xi32, #tpu.memory_space<vmem>>)
      %add3A_617 = arith.constant 3 : i32
      %add3A_618 = arith.addi %add3A_538, %add3A_617 : i32
      %dma_start3A_619 = arith.constant 2 : i32
      %dma_start3A_620 = arith.constant 400 : i32
      %dma_start3A_621 = arith.constant 0 : i32
      %dma_start3A_622 = tpu.memref_slice %arg8[%dma_start3A_620, %dma_start3A_621] : memref<800x128xf32, #tpu.memory_space<vmem>> -> memref<200x128xf32, #tpu.memory_space<vmem>>
      %dma_start3A_623 = arith.constant 400 : i32
      %dma_start3A_624 = tpu.memref_slice %arg6[%dma_start3A_623] : memref<800xi32, #tpu.memory_space<vmem>> -> memref<200xi32, #tpu.memory_space<vmem>>
      %dma_start3A_625 = arith.constant 0 : i32
      %dma_start3A_626 = arith.constant 0 : i32
      %dma_start3A_627 = tpu.memref_slice %arg3[%dma_start3A_625, %dma_start3A_626] : memref<100000x128xf32, #tpu.memory_space<hbm>> -> memref<100000x128xf32, #tpu.memory_space<hbm>>
      %dma_start3A_628 = tpu.memref_slice %arg9[%dma_start3A_619] : memref<4x!tpu.dma_semaphore, #tpu.memory_space<semaphore_mem>> -> memref<1x!tpu.dma_semaphore, #tpu.memory_space<semaphore_mem>>
      %dma_start3A_629 = tpu.memref_squeeze %dma_start3A_628 : memref<1x!tpu.dma_semaphore, #tpu.memory_space<semaphore_mem>> -> memref<!tpu.dma_semaphore, #tpu.memory_space<semaphore_mem>>
      tpu.enqueue_indirect_dma source(%dma_start3A_627 : memref<100000x128xf32, #tpu.memory_space<hbm>>) target(%dma_start3A_622 : memref<200x128xf32, #tpu.memory_space<vmem>>) offsets(%dma_start3A_624 : memref<200xi32, #tpu.memory_space<vmem>>) semaphore(%dma_start3A_629 : memref<!tpu.dma_semaphore, #tpu.memory_space<semaphore_mem>>)
      %mul3A_630 = arith.constant 4 : i32
      %mul3A_631 = arith.muli %add3A_340, %mul3A_630 : i32
      %add3A_632 = arith.constant 1 : i32
      %add3A_633 = arith.addi %mul3A_631, %add3A_632 : i32
      %add3A_634 = arith.constant 3 : i32
      %add3A_635 = arith.addi %add3A_633, %add3A_634 : i32
      %dma_wait3A_636 = arith.constant 0 : i32
      %dma_wait3A_637 = arith.constant 0 : i32
      %dma_wait3A_638 = arith.constant 0 : i32
      %dma_wait3A_639 = tpu.memref_slice %arg8[%dma_wait3A_637, %dma_wait3A_638] : memref<800x128xf32, #tpu.memory_space<vmem>> -> memref<200x128xf32, #tpu.memory_space<vmem>>
      %dma_wait3A_640 = arith.constant 0 : i32
      %dma_wait3A_641 = tpu.memref_slice %arg6[%dma_wait3A_640] : memref<800xi32, #tpu.memory_space<vmem>> -> memref<200xi32, #tpu.memory_space<vmem>>
      %dma_wait3A_642 = arith.constant 0 : i32
      %dma_wait3A_643 = arith.constant 0 : i32
      %dma_wait3A_644 = tpu.memref_slice %arg3[%dma_wait3A_642, %dma_wait3A_643] : memref<100000x128xf32, #tpu.memory_space<hbm>> -> memref<100000x128xf32, #tpu.memory_space<hbm>>
      %dma_wait3A_645 = tpu.memref_slice %arg9[%dma_wait3A_636] : memref<4x!tpu.dma_semaphore, #tpu.memory_space<semaphore_mem>> -> memref<1x!tpu.dma_semaphore, #tpu.memory_space<semaphore_mem>>
      %dma_wait3A_646 = tpu.memref_squeeze %dma_wait3A_645 : memref<1x!tpu.dma_semaphore, #tpu.memory_space<semaphore_mem>> -> memref<!tpu.dma_semaphore, #tpu.memory_space<semaphore_mem>>
      tpu.wait_indirect_dma semaphore(%dma_wait3A_646 : memref<!tpu.dma_semaphore, #tpu.memory_space<semaphore_mem>>) src(%dma_wait3A_644 : memref<100000x128xf32, #tpu.memory_space<hbm>>) dst(%dma_wait3A_639 : memref<200x128xf32, #tpu.memory_space<vmem>>)
      %add3A_647 = arith.constant 4 : i32
      %add3A_648 = arith.addi %add3A_635, %add3A_647 : i32
      %min3A_649 = arith.constant 31 : i32
      %min3A_650 = arith.minsi %add3A_648, %min3A_649 : i32
      %mul3A_651 = arith.constant 200 : i32
      %mul3A_652 = arith.muli %min3A_650, %mul3A_651 : i32
      %add3A_653 = arith.addi %mul3A_4, %mul3A_652 : i32
      %dma_start3A_654 = arith.constant 0 : i32
      %dma_start3A_655 = arith.constant 0 : i32
      %dma_start3A_656 = tpu.memref_slice %arg6[%dma_start3A_655] : memref<800xi32, #tpu.memory_space<vmem>> -> memref<200xi32, #tpu.memory_space<vmem>>
      %dma_start3A_657 = tpu.memref_slice %arg2[%add3A_653] : memref<204800xi32, #tpu.memory_space<hbm>> -> memref<200xi32, #tpu.memory_space<hbm>>
      %dma_start3A_658 = tpu.memref_slice %arg11[%dma_start3A_654] : memref<4x!tpu.dma_semaphore, #tpu.memory_space<semaphore_mem>> -> memref<1x!tpu.dma_semaphore, #tpu.memory_space<semaphore_mem>>
      %dma_start3A_659 = tpu.memref_squeeze %dma_start3A_658 : memref<1x!tpu.dma_semaphore, #tpu.memory_space<semaphore_mem>> -> memref<!tpu.dma_semaphore, #tpu.memory_space<semaphore_mem>>
      %dma_start3A_660 = arith.constant 0 : i32
      %dma_start3A_661 = tpu.memref_slice %arg6[%dma_start3A_660] : memref<800xi32, #tpu.memory_space<vmem>> -> memref<200xi32, #tpu.memory_space<vmem>>
      %dma_start3A_662 = tpu.memref_slice %arg2[%add3A_653] : memref<204800xi32, #tpu.memory_space<hbm>> -> memref<200xi32, #tpu.memory_space<hbm>>
      tpu.enqueue_dma source(%dma_start3A_662 : memref<200xi32, #tpu.memory_space<hbm>>) target(%dma_start3A_661 : memref<200xi32, #tpu.memory_space<vmem>>) target_semaphore(%dma_start3A_659 : memref<!tpu.dma_semaphore, #tpu.memory_space<semaphore_mem>>)
      %parallel_loop3A_663 = arith.constant 0 : i32
      %parallel_loop3A_664 = arith.constant 200 : i32
      %parallel_loop3A_665 = arith.constant 1 : i32
      scf.for %parallel_loop3A_727 = %parallel_loop3A_663 to %parallel_loop3A_664 step %parallel_loop3A_665  : i32 {
        %parallel_loop3A_728 = arith.constant 0 : i32
        %parallel_loop3A_729 = arith.addi %parallel_loop3A_728, %parallel_loop3A_727 : i32
        %parallel_loop3A_730 = arith.index_cast %parallel_loop3A_727 : i32 to index
        %parallel_loop3A_731 = arith.constant 0 : index
        %parallel_loop3A_732 = tpu.vector_load %arg7[%parallel_loop3A_730, %parallel_loop3A_731] {strides = array<i32>} : memref<200x128xf32, #tpu.memory_space<vmem>>, vector<1x16xf32>,
        %parallel_loop3A_733 = vector.shape_cast %parallel_loop3A_732 : vector<1x16xf32> to vector<16xf32>
        %parallel_loop3A_734 = arith.index_cast %parallel_loop3A_729 : i32 to index
        %parallel_loop3A_735 = arith.constant 0 : index
        %parallel_loop3A_736 = tpu.vector_load %arg8[%parallel_loop3A_734, %parallel_loop3A_735] {strides = array<i32>} : memref<800x128xf32, #tpu.memory_space<vmem>>, vector<1x16xf32>,
        %parallel_loop3A_737 = vector.shape_cast %parallel_loop3A_736 : vector<1x16xf32> to vector<16xf32>
        %parallel_loop3A_738 = vector.shape_cast %parallel_loop3A_733 : vector<16xf32> to vector<1x16xf32>
        tpu.vector_store %arg8[%parallel_loop3A_734, %parallel_loop3A_735], %parallel_loop3A_738 {add = true, strides = array<i32>} : memref<800x128xf32, #tpu.memory_space<vmem>>, vector<1x16xf32>,
        %parallel_loop3A_739 = arith.constant 0 : i32
        %parallel_loop3A_740 = arith.addi %parallel_loop3A_739, %parallel_loop3A_727 : i32
        %parallel_loop3A_741 = arith.index_cast %parallel_loop3A_727 : i32 to index
        %parallel_loop3A_742 = arith.constant 16 : index
        %parallel_loop3A_743 = tpu.vector_load %arg7[%parallel_loop3A_741, %parallel_loop3A_742] {strides = array<i32>} : memref<200x128xf32, #tpu.memory_space<vmem>>, vector<1x16xf32>,
        %parallel_loop3A_744 = vector.shape_cast %parallel_loop3A_743 : vector<1x16xf32> to vector<16xf32>
        %parallel_loop3A_745 = arith.index_cast %parallel_loop3A_740 : i32 to index
        %parallel_loop3A_746 = arith.constant 16 : index
        %parallel_loop3A_747 = tpu.vector_load %arg8[%parallel_loop3A_745, %parallel_loop3A_746] {strides = array<i32>} : memref<800x128xf32, #tpu.memory_space<vmem>>, vector<1x16xf32>,
        %parallel_loop3A_748 = vector.shape_cast %parallel_loop3A_747 : vector<1x16xf32> to vector<16xf32>
        %parallel_loop3A_749 = vector.shape_cast %parallel_loop3A_744 : vector<16xf32> to vector<1x16xf32>
        tpu.vector_store %arg8[%parallel_loop3A_745, %parallel_loop3A_746], %parallel_loop3A_749 {add = true, strides = array<i32>} : memref<800x128xf32, #tpu.memory_space<vmem>>, vector<1x16xf32>,
        %parallel_loop3A_750 = arith.constant 0 : i32
        %parallel_loop3A_751 = arith.addi %parallel_loop3A_750, %parallel_loop3A_727 : i32
        %parallel_loop3A_752 = arith.index_cast %parallel_loop3A_727 : i32 to index
        %parallel_loop3A_753 = arith.constant 32 : index
        %parallel_loop3A_754 = tpu.vector_load %arg7[%parallel_loop3A_752, %parallel_loop3A_753] {strides = array<i32>} : memref<200x128xf32, #tpu.memory_space<vmem>>, vector<1x16xf32>,
        %parallel_loop3A_755 = vector.shape_cast %parallel_loop3A_754 : vector<1x16xf32> to vector<16xf32>
        %parallel_loop3A_756 = arith.index_cast %parallel_loop3A_751 : i32 to index
        %parallel_loop3A_757 = arith.constant 32 : index
        %parallel_loop3A_758 = tpu.vector_load %arg8[%parallel_loop3A_756, %parallel_loop3A_757] {strides = array<i32>} : memref<800x128xf32, #tpu.memory_space<vmem>>, vector<1x16xf32>,
        %parallel_loop3A_759 = vector.shape_cast %parallel_loop3A_758 : vector<1x16xf32> to vector<16xf32>
        %parallel_loop3A_760 = vector.shape_cast %parallel_loop3A_755 : vector<16xf32> to vector<1x16xf32>
        tpu.vector_store %arg8[%parallel_loop3A_756, %parallel_loop3A_757], %parallel_loop3A_760 {add = true, strides = array<i32>} : memref<800x128xf32, #tpu.memory_space<vmem>>, vector<1x16xf32>,
        %parallel_loop3A_761 = arith.constant 0 : i32
        %parallel_loop3A_762 = arith.addi %parallel_loop3A_761, %parallel_loop3A_727 : i32
        %parallel_loop3A_763 = arith.index_cast %parallel_loop3A_727 : i32 to index
        %parallel_loop3A_764 = arith.constant 48 : index
        %parallel_loop3A_765 = tpu.vector_load %arg7[%parallel_loop3A_763, %parallel_loop3A_764] {strides = array<i32>} : memref<200x128xf32, #tpu.memory_space<vmem>>, vector<1x16xf32>,
        %parallel_loop3A_766 = vector.shape_cast %parallel_loop3A_765 : vector<1x16xf32> to vector<16xf32>
        %parallel_loop3A_767 = arith.index_cast %parallel_loop3A_762 : i32 to index
        %parallel_loop3A_768 = arith.constant 48 : index
        %parallel_loop3A_769 = tpu.vector_load %arg8[%parallel_loop3A_767, %parallel_loop3A_768] {strides = array<i32>} : memref<800x128xf32, #tpu.memory_space<vmem>>, vector<1x16xf32>,
        %parallel_loop3A_770 = vector.shape_cast %parallel_loop3A_769 : vector<1x16xf32> to vector<16xf32>
        %parallel_loop3A_771 = vector.shape_cast %parallel_loop3A_766 : vector<16xf32> to vector<1x16xf32>
        tpu.vector_store %arg8[%parallel_loop3A_767, %parallel_loop3A_768], %parallel_loop3A_771 {add = true, strides = array<i32>} : memref<800x128xf32, #tpu.memory_space<vmem>>, vector<1x16xf32>,
        %parallel_loop3A_772 = arith.constant 0 : i32
        %parallel_loop3A_773 = arith.addi %parallel_loop3A_772, %parallel_loop3A_727 : i32
        %parallel_loop3A_774 = arith.index_cast %parallel_loop3A_727 : i32 to index
        %parallel_loop3A_775 = arith.constant 64 : index
        %parallel_loop3A_776 = tpu.vector_load %arg7[%parallel_loop3A_774, %parallel_loop3A_775] {strides = array<i32>} : memref<200x128xf32, #tpu.memory_space<vmem>>, vector<1x16xf32>,
        %parallel_loop3A_777 = vector.shape_cast %parallel_loop3A_776 : vector<1x16xf32> to vector<16xf32>
        %parallel_loop3A_778 = arith.index_cast %parallel_loop3A_773 : i32 to index
        %parallel_loop3A_779 = arith.constant 64 : index
        %parallel_loop3A_780 = tpu.vector_load %arg8[%parallel_loop3A_778, %parallel_loop3A_779] {strides = array<i32>} : memref<800x128xf32, #tpu.memory_space<vmem>>, vector<1x16xf32>,
        %parallel_loop3A_781 = vector.shape_cast %parallel_loop3A_780 : vector<1x16xf32> to vector<16xf32>
        %parallel_loop3A_782 = vector.shape_cast %parallel_loop3A_777 : vector<16xf32> to vector<1x16xf32>
        tpu.vector_store %arg8[%parallel_loop3A_778, %parallel_loop3A_779], %parallel_loop3A_782 {add = true, strides = array<i32>} : memref<800x128xf32, #tpu.memory_space<vmem>>, vector<1x16xf32>,
        %parallel_loop3A_783 = arith.constant 0 : i32
        %parallel_loop3A_784 = arith.addi %parallel_loop3A_783, %parallel_loop3A_727 : i32
        %parallel_loop3A_785 = arith.index_cast %parallel_loop3A_727 : i32 to index
        %parallel_loop3A_786 = arith.constant 80 : index
        %parallel_loop3A_787 = tpu.vector_load %arg7[%parallel_loop3A_785, %parallel_loop3A_786] {strides = array<i32>} : memref<200x128xf32, #tpu.memory_space<vmem>>, vector<1x16xf32>,
        %parallel_loop3A_788 = vector.shape_cast %parallel_loop3A_787 : vector<1x16xf32> to vector<16xf32>
        %parallel_loop3A_789 = arith.index_cast %parallel_loop3A_784 : i32 to index
        %parallel_loop3A_790 = arith.constant 80 : index
        %parallel_loop3A_791 = tpu.vector_load %arg8[%parallel_loop3A_789, %parallel_loop3A_790] {strides = array<i32>} : memref<800x128xf32, #tpu.memory_space<vmem>>, vector<1x16xf32>,
        %parallel_loop3A_792 = vector.shape_cast %parallel_loop3A_791 : vector<1x16xf32> to vector<16xf32>
        %parallel_loop3A_793 = vector.shape_cast %parallel_loop3A_788 : vector<16xf32> to vector<1x16xf32>
        tpu.vector_store %arg8[%parallel_loop3A_789, %parallel_loop3A_790], %parallel_loop3A_793 {add = true, strides = array<i32>} : memref<800x128xf32, #tpu.memory_space<vmem>>, vector<1x16xf32>,
        %parallel_loop3A_794 = arith.constant 0 : i32
        %parallel_loop3A_795 = arith.addi %parallel_loop3A_794, %parallel_loop3A_727 : i32
        %parallel_loop3A_796 = arith.index_cast %parallel_loop3A_727 : i32 to index
        %parallel_loop3A_797 = arith.constant 96 : index
        %parallel_loop3A_798 = tpu.vector_load %arg7[%parallel_loop3A_796, %parallel_loop3A_797] {strides = array<i32>} : memref<200x128xf32, #tpu.memory_space<vmem>>, vector<1x16xf32>,
        %parallel_loop3A_799 = vector.shape_cast %parallel_loop3A_798 : vector<1x16xf32> to vector<16xf32>
        %parallel_loop3A_800 = arith.index_cast %parallel_loop3A_795 : i32 to index
        %parallel_loop3A_801 = arith.constant 96 : index
        %parallel_loop3A_802 = tpu.vector_load %arg8[%parallel_loop3A_800, %parallel_loop3A_801] {strides = array<i32>} : memref<800x128xf32, #tpu.memory_space<vmem>>, vector<1x16xf32>,
        %parallel_loop3A_803 = vector.shape_cast %parallel_loop3A_802 : vector<1x16xf32> to vector<16xf32>
        %parallel_loop3A_804 = vector.shape_cast %parallel_loop3A_799 : vector<16xf32> to vector<1x16xf32>
        tpu.vector_store %arg8[%parallel_loop3A_800, %parallel_loop3A_801], %parallel_loop3A_804 {add = true, strides = array<i32>} : memref<800x128xf32, #tpu.memory_space<vmem>>, vector<1x16xf32>,
        %parallel_loop3A_805 = arith.constant 0 : i32
        %parallel_loop3A_806 = arith.addi %parallel_loop3A_805, %parallel_loop3A_727 : i32
        %parallel_loop3A_807 = arith.index_cast %parallel_loop3A_727 : i32 to index
        %parallel_loop3A_808 = arith.constant 112 : index
        %parallel_loop3A_809 = tpu.vector_load %arg7[%parallel_loop3A_807, %parallel_loop3A_808] {strides = array<i32>} : memref<200x128xf32, #tpu.memory_space<vmem>>, vector<1x16xf32>,
        %parallel_loop3A_810 = vector.shape_cast %parallel_loop3A_809 : vector<1x16xf32> to vector<16xf32>
        %parallel_loop3A_811 = arith.index_cast %parallel_loop3A_806 : i32 to index
        %parallel_loop3A_812 = arith.constant 112 : index
        %parallel_loop3A_813 = tpu.vector_load %arg8[%parallel_loop3A_811, %parallel_loop3A_812] {strides = array<i32>} : memref<800x128xf32, #tpu.memory_space<vmem>>, vector<1x16xf32>,
        %parallel_loop3A_814 = vector.shape_cast %parallel_loop3A_813 : vector<1x16xf32> to vector<16xf32>
        %parallel_loop3A_815 = vector.shape_cast %parallel_loop3A_810 : vector<16xf32> to vector<1x16xf32>
        tpu.vector_store %arg8[%parallel_loop3A_811, %parallel_loop3A_812], %parallel_loop3A_815 {add = true, strides = array<i32>} : memref<800x128xf32, #tpu.memory_space<vmem>>, vector<1x16xf32>,
      } {sc.loop_unroll_factor = 2 : i64, sc.parallel_access}
      %mul3A_666 = arith.constant 200 : i32
      %mul3A_667 = arith.muli %add3A_635, %mul3A_666 : i32
      %add3A_668 = arith.addi %mul3A_4, %mul3A_667 : i32
      %dma_start3A_669 = arith.constant 0 : i32
      %dma_start3A_670 = arith.constant 0 : i32
      %dma_start3A_671 = arith.constant 0 : i32
      %dma_start3A_672 = tpu.memref_slice %arg8[%dma_start3A_670, %dma_start3A_671] : memref<800x128xf32, #tpu.memory_space<vmem>> -> memref<200x128xf32, #tpu.memory_space<vmem>>
      %dma_start3A_673 = arith.constant 0 : i32
      %dma_start3A_674 = tpu.memref_slice %arg5[%add3A_668, %dma_start3A_673] : memref<204800x128xf32, #tpu.memory_space<hbm>> -> memref<200x128xf32, #tpu.memory_space<hbm>>
      %dma_start3A_675 = tpu.memref_slice %arg10[%dma_start3A_669] : memref<4x!tpu.dma_semaphore, #tpu.memory_space<semaphore_mem>> -> memref<1x!tpu.dma_semaphore, #tpu.memory_space<semaphore_mem>>
      %dma_start3A_676 = tpu.memref_squeeze %dma_start3A_675 : memref<1x!tpu.dma_semaphore, #tpu.memory_space<semaphore_mem>> -> memref<!tpu.dma_semaphore, #tpu.memory_space<semaphore_mem>>
      %dma_start3A_677 = arith.constant 0 : i32
      %dma_start3A_678 = tpu.memref_slice %arg5[%add3A_668, %dma_start3A_677] : memref<204800x128xf32, #tpu.memory_space<hbm>> -> memref<200x128xf32, #tpu.memory_space<hbm>>
      %dma_start3A_679 = arith.constant 0 : i32
      %dma_start3A_680 = arith.constant 0 : i32
      %dma_start3A_681 = tpu.memref_slice %arg8[%dma_start3A_679, %dma_start3A_680] : memref<800x128xf32, #tpu.memory_space<vmem>> -> memref<200x128xf32, #tpu.memory_space<vmem>>
      tpu.enqueue_dma source(%dma_start3A_681 : memref<200x128xf32, #tpu.memory_space<vmem>>) target(%dma_start3A_678 : memref<200x128xf32, #tpu.memory_space<hbm>>) target_semaphore(%dma_start3A_676 : memref<!tpu.dma_semaphore, #tpu.memory_space<semaphore_mem>>)
      %sub3A_682 = arith.constant 1 : i32
      %sub3A_683 = arith.subi %add3A_635, %sub3A_682 : i32
      %mul3A_684 = arith.constant 200 : i32
      %mul3A_685 = arith.muli %sub3A_683, %mul3A_684 : i32
      %add3A_686 = arith.addi %mul3A_4, %mul3A_685 : i32
      %dma_wait3A_687 = arith.constant 3 : i32
      %dma_wait3A_688 = arith.constant 600 : i32
      %dma_wait3A_689 = arith.constant 0 : i32
      %dma_wait3A_690 = tpu.memref_slice %arg8[%dma_wait3A_688, %dma_wait3A_689] : memref<800x128xf32, #tpu.memory_space<vmem>> -> memref<200x128xf32, #tpu.memory_space<vmem>>
      %dma_wait3A_691 = arith.constant 0 : i32
      %dma_wait3A_692 = tpu.memref_slice %arg5[%add3A_686, %dma_wait3A_691] : memref<204800x128xf32, #tpu.memory_space<hbm>> -> memref<200x128xf32, #tpu.memory_space<hbm>>
      %dma_wait3A_693 = tpu.memref_slice %arg10[%dma_wait3A_687] : memref<4x!tpu.dma_semaphore, #tpu.memory_space<semaphore_mem>> -> memref<1x!tpu.dma_semaphore, #tpu.memory_space<semaphore_mem>>
      %dma_wait3A_694 = tpu.memref_squeeze %dma_wait3A_693 : memref<1x!tpu.dma_semaphore, #tpu.memory_space<semaphore_mem>> -> memref<!tpu.dma_semaphore, #tpu.memory_space<semaphore_mem>>
      %dma_wait3A_695 = arith.constant 0 : i32
      %dma_wait3A_696 = tpu.memref_slice %arg5[%add3A_686, %dma_wait3A_695] : memref<204800x128xf32, #tpu.memory_space<hbm>> -> memref<200x128xf32, #tpu.memory_space<hbm>>
      %dma_wait3A_697 = arith.constant 600 : i32
      %dma_wait3A_698 = arith.constant 0 : i32
      %dma_wait3A_699 = tpu.memref_slice %arg8[%dma_wait3A_697, %dma_wait3A_698] : memref<800x128xf32, #tpu.memory_space<vmem>> -> memref<200x128xf32, #tpu.memory_space<vmem>>
      tpu.wait_dma2 semaphore(%dma_wait3A_694 : memref<!tpu.dma_semaphore, #tpu.memory_space<semaphore_mem>>) src(%dma_wait3A_699 : memref<200x128xf32, #tpu.memory_space<vmem>>) dst(%dma_wait3A_696 : memref<200x128xf32, #tpu.memory_space<hbm>>)
      %add3A_700 = arith.constant 3 : i32
      %add3A_701 = arith.addi %add3A_635, %add3A_700 : i32
      %mul3A_702 = arith.constant 200 : i32
      %mul3A_703 = arith.muli %add3A_701, %mul3A_702 : i32
      %add3A_704 = arith.addi %mul3A_4, %mul3A_703 : i32
      %dma_wait3A_705 = arith.constant 3 : i32
      %dma_wait3A_706 = arith.constant 600 : i32
      %dma_wait3A_707 = tpu.memref_slice %arg6[%dma_wait3A_706] : memref<800xi32, #tpu.memory_space<vmem>> -> memref<200xi32, #tpu.memory_space<vmem>>
      %dma_wait3A_708 = tpu.memref_slice %arg2[%add3A_704] : memref<204800xi32, #tpu.memory_space<hbm>> -> memref<200xi32, #tpu.memory_space<hbm>>
      %dma_wait3A_709 = tpu.memref_slice %arg11[%dma_wait3A_705] : memref<4x!tpu.dma_semaphore, #tpu.memory_space<semaphore_mem>> -> memref<1x!tpu.dma_semaphore, #tpu.memory_space<semaphore_mem>>
      %dma_wait3A_710 = tpu.memref_squeeze %dma_wait3A_709 : memref<1x!tpu.dma_semaphore, #tpu.memory_space<semaphore_mem>> -> memref<!tpu.dma_semaphore, #tpu.memory_space<semaphore_mem>>
      %dma_wait3A_711 = arith.constant 600 : i32
      %dma_wait3A_712 = tpu.memref_slice %arg6[%dma_wait3A_711] : memref<800xi32, #tpu.memory_space<vmem>> -> memref<200xi32, #tpu.memory_space<vmem>>
      %dma_wait3A_713 = tpu.memref_slice %arg2[%add3A_704] : memref<204800xi32, #tpu.memory_space<hbm>> -> memref<200xi32, #tpu.memory_space<hbm>>
      tpu.wait_dma2 semaphore(%dma_wait3A_710 : memref<!tpu.dma_semaphore, #tpu.memory_space<semaphore_mem>>) src(%dma_wait3A_713 : memref<200xi32, #tpu.memory_space<hbm>>) dst(%dma_wait3A_712 : memref<200xi32, #tpu.memory_space<vmem>>)
      %add3A_714 = arith.constant 3 : i32
      %add3A_715 = arith.addi %add3A_635, %add3A_714 : i32
      %dma_start3A_716 = arith.constant 3 : i32
      %dma_start3A_717 = arith.constant 600 : i32
      %dma_start3A_718 = arith.constant 0 : i32
      %dma_start3A_719 = tpu.memref_slice %arg8[%dma_start3A_717, %dma_start3A_718] : memref<800x128xf32, #tpu.memory_space<vmem>> -> memref<200x128xf32, #tpu.memory_space<vmem>>
      %dma_start3A_720 = arith.constant 600 : i32
      %dma_start3A_721 = tpu.memref_slice %arg6[%dma_start3A_720] : memref<800xi32, #tpu.memory_space<vmem>> -> memref<200xi32, #tpu.memory_space<vmem>>
      %dma_start3A_722 = arith.constant 0 : i32
      %dma_start3A_723 = arith.constant 0 : i32
      %dma_start3A_724 = tpu.memref_slice %arg3[%dma_start3A_722, %dma_start3A_723] : memref<100000x128xf32, #tpu.memory_space<hbm>> -> memref<100000x128xf32, #tpu.memory_space<hbm>>
      %dma_start3A_725 = tpu.memref_slice %arg9[%dma_start3A_716] : memref<4x!tpu.dma_semaphore, #tpu.memory_space<semaphore_mem>> -> memref<1x!tpu.dma_semaphore, #tpu.memory_space<semaphore_mem>>
      %dma_start3A_726 = tpu.memref_squeeze %dma_start3A_725 : memref<1x!tpu.dma_semaphore, #tpu.memory_space<semaphore_mem>> -> memref<!tpu.dma_semaphore, #tpu.memory_space<semaphore_mem>>
      tpu.enqueue_indirect_dma source(%dma_start3A_724 : memref<100000x128xf32, #tpu.memory_space<hbm>>) target(%dma_start3A_719 : memref<200x128xf32, #tpu.memory_space<vmem>>) offsets(%dma_start3A_721 : memref<200xi32, #tpu.memory_space<vmem>>) semaphore(%dma_start3A_726 : memref<!tpu.dma_semaphore, #tpu.memory_space<semaphore_mem>>)
    }
    %scan3A_177 = arith.constant 7 : i32
    %dma_wait3A_178 = arith.constant 1 : i32
    %dma_wait3A_179 = arith.constant 200 : i32
    %dma_wait3A_180 = arith.constant 0 : i32
    %dma_wait3A_181 = tpu.memref_slice %arg8[%dma_wait3A_179, %dma_wait3A_180] : memref<800x128xf32, #tpu.memory_space<vmem>> -> memref<200x128xf32, #tpu.memory_space<vmem>>
    %dma_wait3A_182 = arith.constant 200 : i32
    %dma_wait3A_183 = tpu.memref_slice %arg6[%dma_wait3A_182] : memref<800xi32, #tpu.memory_space<vmem>> -> memref<200xi32, #tpu.memory_space<vmem>>
    %dma_wait3A_184 = arith.constant 0 : i32
    %dma_wait3A_185 = arith.constant 0 : i32
    %dma_wait3A_186 = tpu.memref_slice %arg3[%dma_wait3A_184, %dma_wait3A_185] : memref<100000x128xf32, #tpu.memory_space<hbm>> -> memref<100000x128xf32, #tpu.memory_space<hbm>>
    %dma_wait3A_187 = tpu.memref_slice %arg9[%dma_wait3A_178] : memref<4x!tpu.dma_semaphore, #tpu.memory_space<semaphore_mem>> -> memref<1x!tpu.dma_semaphore, #tpu.memory_space<semaphore_mem>>
    %dma_wait3A_188 = tpu.memref_squeeze %dma_wait3A_187 : memref<1x!tpu.dma_semaphore, #tpu.memory_space<semaphore_mem>> -> memref<!tpu.dma_semaphore, #tpu.memory_space<semaphore_mem>>
    tpu.wait_indirect_dma semaphore(%dma_wait3A_188 : memref<!tpu.dma_semaphore, #tpu.memory_space<semaphore_mem>>) src(%dma_wait3A_186 : memref<100000x128xf32, #tpu.memory_space<hbm>>) dst(%dma_wait3A_181 : memref<200x128xf32, #tpu.memory_space<vmem>>)
    %parallel_loop3A_189 = arith.constant 0 : i32
    %parallel_loop3A_190 = arith.constant 200 : i32
    %parallel_loop3A_191 = arith.constant 1 : i32
    scf.for %parallel_loop3A_336 = %parallel_loop3A_189 to %parallel_loop3A_190 step %parallel_loop3A_191  : i32 {
      %parallel_loop3A_337 = arith.constant 200 : i32
      %parallel_loop3A_338 = arith.addi %parallel_loop3A_337, %parallel_loop3A_336 : i32
      %parallel_loop3A_339 = arith.index_cast %parallel_loop3A_336 : i32 to index
      %parallel_loop3A_340 = arith.constant 0 : index
      %parallel_loop3A_341 = tpu.vector_load %arg7[%parallel_loop3A_339, %parallel_loop3A_340] {strides = array<i32>} : memref<200x128xf32, #tpu.memory_space<vmem>>, vector<1x16xf32>,
      %parallel_loop3A_342 = vector.shape_cast %parallel_loop3A_341 : vector<1x16xf32> to vector<16xf32>
      %parallel_loop3A_343 = arith.index_cast %parallel_loop3A_338 : i32 to index
      %parallel_loop3A_344 = arith.constant 0 : index
      %parallel_loop3A_345 = tpu.vector_load %arg8[%parallel_loop3A_343, %parallel_loop3A_344] {strides = array<i32>} : memref<800x128xf32, #tpu.memory_space<vmem>>, vector<1x16xf32>,
      %parallel_loop3A_346 = vector.shape_cast %parallel_loop3A_345 : vector<1x16xf32> to vector<16xf32>
      %parallel_loop3A_347 = vector.shape_cast %parallel_loop3A_342 : vector<16xf32> to vector<1x16xf32>
      tpu.vector_store %arg8[%parallel_loop3A_343, %parallel_loop3A_344], %parallel_loop3A_347 {add = true, strides = array<i32>} : memref<800x128xf32, #tpu.memory_space<vmem>>, vector<1x16xf32>,
      %parallel_loop3A_348 = arith.constant 200 : i32
      %parallel_loop3A_349 = arith.addi %parallel_loop3A_348, %parallel_loop3A_336 : i32
      %parallel_loop3A_350 = arith.index_cast %parallel_loop3A_336 : i32 to index
      %parallel_loop3A_351 = arith.constant 16 : index
      %parallel_loop3A_352 = tpu.vector_load %arg7[%parallel_loop3A_350, %parallel_loop3A_351] {strides = array<i32>} : memref<200x128xf32, #tpu.memory_space<vmem>>, vector<1x16xf32>,
      %parallel_loop3A_353 = vector.shape_cast %parallel_loop3A_352 : vector<1x16xf32> to vector<16xf32>
      %parallel_loop3A_354 = arith.index_cast %parallel_loop3A_349 : i32 to index
      %parallel_loop3A_355 = arith.constant 16 : index
      %parallel_loop3A_356 = tpu.vector_load %arg8[%parallel_loop3A_354, %parallel_loop3A_355] {strides = array<i32>} : memref<800x128xf32, #tpu.memory_space<vmem>>, vector<1x16xf32>,
      %parallel_loop3A_357 = vector.shape_cast %parallel_loop3A_356 : vector<1x16xf32> to vector<16xf32>
      %parallel_loop3A_358 = vector.shape_cast %parallel_loop3A_353 : vector<16xf32> to vector<1x16xf32>
      tpu.vector_store %arg8[%parallel_loop3A_354, %parallel_loop3A_355], %parallel_loop3A_358 {add = true, strides = array<i32>} : memref<800x128xf32, #tpu.memory_space<vmem>>, vector<1x16xf32>,
      %parallel_loop3A_359 = arith.constant 200 : i32
      %parallel_loop3A_360 = arith.addi %parallel_loop3A_359, %parallel_loop3A_336 : i32
      %parallel_loop3A_361 = arith.index_cast %parallel_loop3A_336 : i32 to index
      %parallel_loop3A_362 = arith.constant 32 : index
      %parallel_loop3A_363 = tpu.vector_load %arg7[%parallel_loop3A_361, %parallel_loop3A_362] {strides = array<i32>} : memref<200x128xf32, #tpu.memory_space<vmem>>, vector<1x16xf32>,
      %parallel_loop3A_364 = vector.shape_cast %parallel_loop3A_363 : vector<1x16xf32> to vector<16xf32>
      %parallel_loop3A_365 = arith.index_cast %parallel_loop3A_360 : i32 to index
      %parallel_loop3A_366 = arith.constant 32 : index
      %parallel_loop3A_367 = tpu.vector_load %arg8[%parallel_loop3A_365, %parallel_loop3A_366] {strides = array<i32>} : memref<800x128xf32, #tpu.memory_space<vmem>>, vector<1x16xf32>,
      %parallel_loop3A_368 = vector.shape_cast %parallel_loop3A_367 : vector<1x16xf32> to vector<16xf32>
      %parallel_loop3A_369 = vector.shape_cast %parallel_loop3A_364 : vector<16xf32> to vector<1x16xf32>
      tpu.vector_store %arg8[%parallel_loop3A_365, %parallel_loop3A_366], %parallel_loop3A_369 {add = true, strides = array<i32>} : memref<800x128xf32, #tpu.memory_space<vmem>>, vector<1x16xf32>,
      %parallel_loop3A_370 = arith.constant 200 : i32
      %parallel_loop3A_371 = arith.addi %parallel_loop3A_370, %parallel_loop3A_336 : i32
      %parallel_loop3A_372 = arith.index_cast %parallel_loop3A_336 : i32 to index
      %parallel_loop3A_373 = arith.constant 48 : index
      %parallel_loop3A_374 = tpu.vector_load %arg7[%parallel_loop3A_372, %parallel_loop3A_373] {strides = array<i32>} : memref<200x128xf32, #tpu.memory_space<vmem>>, vector<1x16xf32>,
      %parallel_loop3A_375 = vector.shape_cast %parallel_loop3A_374 : vector<1x16xf32> to vector<16xf32>
      %parallel_loop3A_376 = arith.index_cast %parallel_loop3A_371 : i32 to index
      %parallel_loop3A_377 = arith.constant 48 : index
      %parallel_loop3A_378 = tpu.vector_load %arg8[%parallel_loop3A_376, %parallel_loop3A_377] {strides = array<i32>} : memref<800x128xf32, #tpu.memory_space<vmem>>, vector<1x16xf32>,
      %parallel_loop3A_379 = vector.shape_cast %parallel_loop3A_378 : vector<1x16xf32> to vector<16xf32>
      %parallel_loop3A_380 = vector.shape_cast %parallel_loop3A_375 : vector<16xf32> to vector<1x16xf32>
      tpu.vector_store %arg8[%parallel_loop3A_376, %parallel_loop3A_377], %parallel_loop3A_380 {add = true, strides = array<i32>} : memref<800x128xf32, #tpu.memory_space<vmem>>, vector<1x16xf32>,
      %parallel_loop3A_381 = arith.constant 200 : i32
      %parallel_loop3A_382 = arith.addi %parallel_loop3A_381, %parallel_loop3A_336 : i32
      %parallel_loop3A_383 = arith.index_cast %parallel_loop3A_336 : i32 to index
      %parallel_loop3A_384 = arith.constant 64 : index
      %parallel_loop3A_385 = tpu.vector_load %arg7[%parallel_loop3A_383, %parallel_loop3A_384] {strides = array<i32>} : memref<200x128xf32, #tpu.memory_space<vmem>>, vector<1x16xf32>,
      %parallel_loop3A_386 = vector.shape_cast %parallel_loop3A_385 : vector<1x16xf32> to vector<16xf32>
      %parallel_loop3A_387 = arith.index_cast %parallel_loop3A_382 : i32 to index
      %parallel_loop3A_388 = arith.constant 64 : index
      %parallel_loop3A_389 = tpu.vector_load %arg8[%parallel_loop3A_387, %parallel_loop3A_388] {strides = array<i32>} : memref<800x128xf32, #tpu.memory_space<vmem>>, vector<1x16xf32>,
      %parallel_loop3A_390 = vector.shape_cast %parallel_loop3A_389 : vector<1x16xf32> to vector<16xf32>
      %parallel_loop3A_391 = vector.shape_cast %parallel_loop3A_386 : vector<16xf32> to vector<1x16xf32>
      tpu.vector_store %arg8[%parallel_loop3A_387, %parallel_loop3A_388], %parallel_loop3A_391 {add = true, strides = array<i32>} : memref<800x128xf32, #tpu.memory_space<vmem>>, vector<1x16xf32>,
      %parallel_loop3A_392 = arith.constant 200 : i32
      %parallel_loop3A_393 = arith.addi %parallel_loop3A_392, %parallel_loop3A_336 : i32
      %parallel_loop3A_394 = arith.index_cast %parallel_loop3A_336 : i32 to index
      %parallel_loop3A_395 = arith.constant 80 : index
      %parallel_loop3A_396 = tpu.vector_load %arg7[%parallel_loop3A_394, %parallel_loop3A_395] {strides = array<i32>} : memref<200x128xf32, #tpu.memory_space<vmem>>, vector<1x16xf32>,
      %parallel_loop3A_397 = vector.shape_cast %parallel_loop3A_396 : vector<1x16xf32> to vector<16xf32>
      %parallel_loop3A_398 = arith.index_cast %parallel_loop3A_393 : i32 to index
      %parallel_loop3A_399 = arith.constant 80 : index
      %parallel_loop3A_400 = tpu.vector_load %arg8[%parallel_loop3A_398, %parallel_loop3A_399] {strides = array<i32>} : memref<800x128xf32, #tpu.memory_space<vmem>>, vector<1x16xf32>,
      %parallel_loop3A_401 = vector.shape_cast %parallel_loop3A_400 : vector<1x16xf32> to vector<16xf32>
      %parallel_loop3A_402 = vector.shape_cast %parallel_loop3A_397 : vector<16xf32> to vector<1x16xf32>
      tpu.vector_store %arg8[%parallel_loop3A_398, %parallel_loop3A_399], %parallel_loop3A_402 {add = true, strides = array<i32>} : memref<800x128xf32, #tpu.memory_space<vmem>>, vector<1x16xf32>,
      %parallel_loop3A_403 = arith.constant 200 : i32
      %parallel_loop3A_404 = arith.addi %parallel_loop3A_403, %parallel_loop3A_336 : i32
      %parallel_loop3A_405 = arith.index_cast %parallel_loop3A_336 : i32 to index
      %parallel_loop3A_406 = arith.constant 96 : index
      %parallel_loop3A_407 = tpu.vector_load %arg7[%parallel_loop3A_405, %parallel_loop3A_406] {strides = array<i32>} : memref<200x128xf32, #tpu.memory_space<vmem>>, vector<1x16xf32>,
      %parallel_loop3A_408 = vector.shape_cast %parallel_loop3A_407 : vector<1x16xf32> to vector<16xf32>
      %parallel_loop3A_409 = arith.index_cast %parallel_loop3A_404 : i32 to index
      %parallel_loop3A_410 = arith.constant 96 : index
      %parallel_loop3A_411 = tpu.vector_load %arg8[%parallel_loop3A_409, %parallel_loop3A_410] {strides = array<i32>} : memref<800x128xf32, #tpu.memory_space<vmem>>, vector<1x16xf32>,
      %parallel_loop3A_412 = vector.shape_cast %parallel_loop3A_411 : vector<1x16xf32> to vector<16xf32>
      %parallel_loop3A_413 = vector.shape_cast %parallel_loop3A_408 : vector<16xf32> to vector<1x16xf32>
      tpu.vector_store %arg8[%parallel_loop3A_409, %parallel_loop3A_410], %parallel_loop3A_413 {add = true, strides = array<i32>} : memref<800x128xf32, #tpu.memory_space<vmem>>, vector<1x16xf32>,
      %parallel_loop3A_414 = arith.constant 200 : i32
      %parallel_loop3A_415 = arith.addi %parallel_loop3A_414, %parallel_loop3A_336 : i32
      %parallel_loop3A_416 = arith.index_cast %parallel_loop3A_336 : i32 to index
      %parallel_loop3A_417 = arith.constant 112 : index
      %parallel_loop3A_418 = tpu.vector_load %arg7[%parallel_loop3A_416, %parallel_loop3A_417] {strides = array<i32>} : memref<200x128xf32, #tpu.memory_space<vmem>>, vector<1x16xf32>,
      %parallel_loop3A_419 = vector.shape_cast %parallel_loop3A_418 : vector<1x16xf32> to vector<16xf32>
      %parallel_loop3A_420 = arith.index_cast %parallel_loop3A_415 : i32 to index
      %parallel_loop3A_421 = arith.constant 112 : index
      %parallel_loop3A_422 = tpu.vector_load %arg8[%parallel_loop3A_420, %parallel_loop3A_421] {strides = array<i32>} : memref<800x128xf32, #tpu.memory_space<vmem>>, vector<1x16xf32>,
      %parallel_loop3A_423 = vector.shape_cast %parallel_loop3A_422 : vector<1x16xf32> to vector<16xf32>
      %parallel_loop3A_424 = vector.shape_cast %parallel_loop3A_419 : vector<16xf32> to vector<1x16xf32>
      tpu.vector_store %arg8[%parallel_loop3A_420, %parallel_loop3A_421], %parallel_loop3A_424 {add = true, strides = array<i32>} : memref<800x128xf32, #tpu.memory_space<vmem>>, vector<1x16xf32>,
    } {sc.loop_unroll_factor = 2 : i64, sc.parallel_access}
    %add3A_192 = arith.constant 5800 : i32
    %add3A_193 = arith.addi %mul3A_4, %add3A_192 : i32
    %dma_start3A_194 = arith.constant 1 : i32
    %dma_start3A_195 = arith.constant 200 : i32
    %dma_start3A_196 = arith.constant 0 : i32
    %dma_start3A_197 = tpu.memref_slice %arg8[%dma_start3A_195, %dma_start3A_196] : memref<800x128xf32, #tpu.memory_space<vmem>> -> memref<200x128xf32, #tpu.memory_space<vmem>>
    %dma_start3A_198 = arith.constant 0 : i32
    %dma_start3A_199 = tpu.memref_slice %arg5[%add3A_193, %dma_start3A_198] : memref<204800x128xf32, #tpu.memory_space<hbm>> -> memref<200x128xf32, #tpu.memory_space<hbm>>
    %dma_start3A_200 = tpu.memref_slice %arg10[%dma_start3A_194] : memref<4x!tpu.dma_semaphore, #tpu.memory_space<semaphore_mem>> -> memref<1x!tpu.dma_semaphore, #tpu.memory_space<semaphore_mem>>
    %dma_start3A_201 = tpu.memref_squeeze %dma_start3A_200 : memref<1x!tpu.dma_semaphore, #tpu.memory_space<semaphore_mem>> -> memref<!tpu.dma_semaphore, #tpu.memory_space<semaphore_mem>>
    %dma_start3A_202 = arith.constant 0 : i32
    %dma_start3A_203 = tpu.memref_slice %arg5[%add3A_193, %dma_start3A_202] : memref<204800x128xf32, #tpu.memory_space<hbm>> -> memref<200x128xf32, #tpu.memory_space<hbm>>
    %dma_start3A_204 = arith.constant 200 : i32
    %dma_start3A_205 = arith.constant 0 : i32
    %dma_start3A_206 = tpu.memref_slice %arg8[%dma_start3A_204, %dma_start3A_205] : memref<800x128xf32, #tpu.memory_space<vmem>> -> memref<200x128xf32, #tpu.memory_space<vmem>>
    tpu.enqueue_dma source(%dma_start3A_206 : memref<200x128xf32, #tpu.memory_space<vmem>>) target(%dma_start3A_203 : memref<200x128xf32, #tpu.memory_space<hbm>>) target_semaphore(%dma_start3A_201 : memref<!tpu.dma_semaphore, #tpu.memory_space<semaphore_mem>>)
    %dma_wait3A_207 = arith.constant 2 : i32
    %dma_wait3A_208 = arith.constant 400 : i32
    %dma_wait3A_209 = arith.constant 0 : i32
    %dma_wait3A_210 = tpu.memref_slice %arg8[%dma_wait3A_208, %dma_wait3A_209] : memref<800x128xf32, #tpu.memory_space<vmem>> -> memref<200x128xf32, #tpu.memory_space<vmem>>
    %dma_wait3A_211 = arith.constant 400 : i32
    %dma_wait3A_212 = tpu.memref_slice %arg6[%dma_wait3A_211] : memref<800xi32, #tpu.memory_space<vmem>> -> memref<200xi32, #tpu.memory_space<vmem>>
    %dma_wait3A_213 = arith.constant 0 : i32
    %dma_wait3A_214 = arith.constant 0 : i32
    %dma_wait3A_215 = tpu.memref_slice %arg3[%dma_wait3A_213, %dma_wait3A_214] : memref<100000x128xf32, #tpu.memory_space<hbm>> -> memref<100000x128xf32, #tpu.memory_space<hbm>>
    %dma_wait3A_216 = tpu.memref_slice %arg9[%dma_wait3A_207] : memref<4x!tpu.dma_semaphore, #tpu.memory_space<semaphore_mem>> -> memref<1x!tpu.dma_semaphore, #tpu.memory_space<semaphore_mem>>
    %dma_wait3A_217 = tpu.memref_squeeze %dma_wait3A_216 : memref<1x!tpu.dma_semaphore, #tpu.memory_space<semaphore_mem>> -> memref<!tpu.dma_semaphore, #tpu.memory_space<semaphore_mem>>
    tpu.wait_indirect_dma semaphore(%dma_wait3A_217 : memref<!tpu.dma_semaphore, #tpu.memory_space<semaphore_mem>>) src(%dma_wait3A_215 : memref<100000x128xf32, #tpu.memory_space<hbm>>) dst(%dma_wait3A_210 : memref<200x128xf32, #tpu.memory_space<vmem>>)
    %parallel_loop3A_218 = arith.constant 0 : i32
    %parallel_loop3A_219 = arith.constant 200 : i32
    %parallel_loop3A_220 = arith.constant 1 : i32
    scf.for %parallel_loop3A_336 = %parallel_loop3A_218 to %parallel_loop3A_219 step %parallel_loop3A_220  : i32 {
      %parallel_loop3A_337 = arith.constant 400 : i32
      %parallel_loop3A_338 = arith.addi %parallel_loop3A_337, %parallel_loop3A_336 : i32
      %parallel_loop3A_339 = arith.index_cast %parallel_loop3A_336 : i32 to index
      %parallel_loop3A_340 = arith.constant 0 : index
      %parallel_loop3A_341 = tpu.vector_load %arg7[%parallel_loop3A_339, %parallel_loop3A_340] {strides = array<i32>} : memref<200x128xf32, #tpu.memory_space<vmem>>, vector<1x16xf32>,
      %parallel_loop3A_342 = vector.shape_cast %parallel_loop3A_341 : vector<1x16xf32> to vector<16xf32>
      %parallel_loop3A_343 = arith.index_cast %parallel_loop3A_338 : i32 to index
      %parallel_loop3A_344 = arith.constant 0 : index
      %parallel_loop3A_345 = tpu.vector_load %arg8[%parallel_loop3A_343, %parallel_loop3A_344] {strides = array<i32>} : memref<800x128xf32, #tpu.memory_space<vmem>>, vector<1x16xf32>,
      %parallel_loop3A_346 = vector.shape_cast %parallel_loop3A_345 : vector<1x16xf32> to vector<16xf32>
      %parallel_loop3A_347 = vector.shape_cast %parallel_loop3A_342 : vector<16xf32> to vector<1x16xf32>
      tpu.vector_store %arg8[%parallel_loop3A_343, %parallel_loop3A_344], %parallel_loop3A_347 {add = true, strides = array<i32>} : memref<800x128xf32, #tpu.memory_space<vmem>>, vector<1x16xf32>,
      %parallel_loop3A_348 = arith.constant 400 : i32
      %parallel_loop3A_349 = arith.addi %parallel_loop3A_348, %parallel_loop3A_336 : i32
      %parallel_loop3A_350 = arith.index_cast %parallel_loop3A_336 : i32 to index
      %parallel_loop3A_351 = arith.constant 16 : index
      %parallel_loop3A_352 = tpu.vector_load %arg7[%parallel_loop3A_350, %parallel_loop3A_351] {strides = array<i32>} : memref<200x128xf32, #tpu.memory_space<vmem>>, vector<1x16xf32>,
      %parallel_loop3A_353 = vector.shape_cast %parallel_loop3A_352 : vector<1x16xf32> to vector<16xf32>
      %parallel_loop3A_354 = arith.index_cast %parallel_loop3A_349 : i32 to index
      %parallel_loop3A_355 = arith.constant 16 : index
      %parallel_loop3A_356 = tpu.vector_load %arg8[%parallel_loop3A_354, %parallel_loop3A_355] {strides = array<i32>} : memref<800x128xf32, #tpu.memory_space<vmem>>, vector<1x16xf32>,
      %parallel_loop3A_357 = vector.shape_cast %parallel_loop3A_356 : vector<1x16xf32> to vector<16xf32>
      %parallel_loop3A_358 = vector.shape_cast %parallel_loop3A_353 : vector<16xf32> to vector<1x16xf32>
      tpu.vector_store %arg8[%parallel_loop3A_354, %parallel_loop3A_355], %parallel_loop3A_358 {add = true, strides = array<i32>} : memref<800x128xf32, #tpu.memory_space<vmem>>, vector<1x16xf32>,
      %parallel_loop3A_359 = arith.constant 400 : i32
      %parallel_loop3A_360 = arith.addi %parallel_loop3A_359, %parallel_loop3A_336 : i32
      %parallel_loop3A_361 = arith.index_cast %parallel_loop3A_336 : i32 to index
      %parallel_loop3A_362 = arith.constant 32 : index
      %parallel_loop3A_363 = tpu.vector_load %arg7[%parallel_loop3A_361, %parallel_loop3A_362] {strides = array<i32>} : memref<200x128xf32, #tpu.memory_space<vmem>>, vector<1x16xf32>,
      %parallel_loop3A_364 = vector.shape_cast %parallel_loop3A_363 : vector<1x16xf32> to vector<16xf32>
      %parallel_loop3A_365 = arith.index_cast %parallel_loop3A_360 : i32 to index
      %parallel_loop3A_366 = arith.constant 32 : index
      %parallel_loop3A_367 = tpu.vector_load %arg8[%parallel_loop3A_365, %parallel_loop3A_366] {strides = array<i32>} : memref<800x128xf32, #tpu.memory_space<vmem>>, vector<1x16xf32>,
      %parallel_loop3A_368 = vector.shape_cast %parallel_loop3A_367 : vector<1x16xf32> to vector<16xf32>
      %parallel_loop3A_369 = vector.shape_cast %parallel_loop3A_364 : vector<16xf32> to vector<1x16xf32>
      tpu.vector_store %arg8[%parallel_loop3A_365, %parallel_loop3A_366], %parallel_loop3A_369 {add = true, strides = array<i32>} : memref<800x128xf32, #tpu.memory_space<vmem>>, vector<1x16xf32>,
      %parallel_loop3A_370 = arith.constant 400 : i32
      %parallel_loop3A_371 = arith.addi %parallel_loop3A_370, %parallel_loop3A_336 : i32
      %parallel_loop3A_372 = arith.index_cast %parallel_loop3A_336 : i32 to index
      %parallel_loop3A_373 = arith.constant 48 : index
      %parallel_loop3A_374 = tpu.vector_load %arg7[%parallel_loop3A_372, %parallel_loop3A_373] {strides = array<i32>} : memref<200x128xf32, #tpu.memory_space<vmem>>, vector<1x16xf32>,
      %parallel_loop3A_375 = vector.shape_cast %parallel_loop3A_374 : vector<1x16xf32> to vector<16xf32>
      %parallel_loop3A_376 = arith.index_cast %parallel_loop3A_371 : i32 to index
      %parallel_loop3A_377 = arith.constant 48 : index
      %parallel_loop3A_378 = tpu.vector_load %arg8[%parallel_loop3A_376, %parallel_loop3A_377] {strides = array<i32>} : memref<800x128xf32, #tpu.memory_space<vmem>>, vector<1x16xf32>,
      %parallel_loop3A_379 = vector.shape_cast %parallel_loop3A_378 : vector<1x16xf32> to vector<16xf32>
      %parallel_loop3A_380 = vector.shape_cast %parallel_loop3A_375 : vector<16xf32> to vector<1x16xf32>
      tpu.vector_store %arg8[%parallel_loop3A_376, %parallel_loop3A_377], %parallel_loop3A_380 {add = true, strides = array<i32>} : memref<800x128xf32, #tpu.memory_space<vmem>>, vector<1x16xf32>,
      %parallel_loop3A_381 = arith.constant 400 : i32
      %parallel_loop3A_382 = arith.addi %parallel_loop3A_381, %parallel_loop3A_336 : i32
      %parallel_loop3A_383 = arith.index_cast %parallel_loop3A_336 : i32 to index
      %parallel_loop3A_384 = arith.constant 64 : index
      %parallel_loop3A_385 = tpu.vector_load %arg7[%parallel_loop3A_383, %parallel_loop3A_384] {strides = array<i32>} : memref<200x128xf32, #tpu.memory_space<vmem>>, vector<1x16xf32>,
      %parallel_loop3A_386 = vector.shape_cast %parallel_loop3A_385 : vector<1x16xf32> to vector<16xf32>
      %parallel_loop3A_387 = arith.index_cast %parallel_loop3A_382 : i32 to index
      %parallel_loop3A_388 = arith.constant 64 : index
      %parallel_loop3A_389 = tpu.vector_load %arg8[%parallel_loop3A_387, %parallel_loop3A_388] {strides = array<i32>} : memref<800x128xf32, #tpu.memory_space<vmem>>, vector<1x16xf32>,
      %parallel_loop3A_390 = vector.shape_cast %parallel_loop3A_389 : vector<1x16xf32> to vector<16xf32>
      %parallel_loop3A_391 = vector.shape_cast %parallel_loop3A_386 : vector<16xf32> to vector<1x16xf32>
      tpu.vector_store %arg8[%parallel_loop3A_387, %parallel_loop3A_388], %parallel_loop3A_391 {add = true, strides = array<i32>} : memref<800x128xf32, #tpu.memory_space<vmem>>, vector<1x16xf32>,
      %parallel_loop3A_392 = arith.constant 400 : i32
      %parallel_loop3A_393 = arith.addi %parallel_loop3A_392, %parallel_loop3A_336 : i32
      %parallel_loop3A_394 = arith.index_cast %parallel_loop3A_336 : i32 to index
      %parallel_loop3A_395 = arith.constant 80 : index
      %parallel_loop3A_396 = tpu.vector_load %arg7[%parallel_loop3A_394, %parallel_loop3A_395] {strides = array<i32>} : memref<200x128xf32, #tpu.memory_space<vmem>>, vector<1x16xf32>,
      %parallel_loop3A_397 = vector.shape_cast %parallel_loop3A_396 : vector<1x16xf32> to vector<16xf32>
      %parallel_loop3A_398 = arith.index_cast %parallel_loop3A_393 : i32 to index
      %parallel_loop3A_399 = arith.constant 80 : index
      %parallel_loop3A_400 = tpu.vector_load %arg8[%parallel_loop3A_398, %parallel_loop3A_399] {strides = array<i32>} : memref<800x128xf32, #tpu.memory_space<vmem>>, vector<1x16xf32>,
      %parallel_loop3A_401 = vector.shape_cast %parallel_loop3A_400 : vector<1x16xf32> to vector<16xf32>
      %parallel_loop3A_402 = vector.shape_cast %parallel_loop3A_397 : vector<16xf32> to vector<1x16xf32>
      tpu.vector_store %arg8[%parallel_loop3A_398, %parallel_loop3A_399], %parallel_loop3A_402 {add = true, strides = array<i32>} : memref<800x128xf32, #tpu.memory_space<vmem>>, vector<1x16xf32>,
      %parallel_loop3A_403 = arith.constant 400 : i32
      %parallel_loop3A_404 = arith.addi %parallel_loop3A_403, %parallel_loop3A_336 : i32
      %parallel_loop3A_405 = arith.index_cast %parallel_loop3A_336 : i32 to index
      %parallel_loop3A_406 = arith.constant 96 : index
      %parallel_loop3A_407 = tpu.vector_load %arg7[%parallel_loop3A_405, %parallel_loop3A_406] {strides = array<i32>} : memref<200x128xf32, #tpu.memory_space<vmem>>, vector<1x16xf32>,
      %parallel_loop3A_408 = vector.shape_cast %parallel_loop3A_407 : vector<1x16xf32> to vector<16xf32>
      %parallel_loop3A_409 = arith.index_cast %parallel_loop3A_404 : i32 to index
      %parallel_loop3A_410 = arith.constant 96 : index
      %parallel_loop3A_411 = tpu.vector_load %arg8[%parallel_loop3A_409, %parallel_loop3A_410] {strides = array<i32>} : memref<800x128xf32, #tpu.memory_space<vmem>>, vector<1x16xf32>,
      %parallel_loop3A_412 = vector.shape_cast %parallel_loop3A_411 : vector<1x16xf32> to vector<16xf32>
      %parallel_loop3A_413 = vector.shape_cast %parallel_loop3A_408 : vector<16xf32> to vector<1x16xf32>
      tpu.vector_store %arg8[%parallel_loop3A_409, %parallel_loop3A_410], %parallel_loop3A_413 {add = true, strides = array<i32>} : memref<800x128xf32, #tpu.memory_space<vmem>>, vector<1x16xf32>,
      %parallel_loop3A_414 = arith.constant 400 : i32
      %parallel_loop3A_415 = arith.addi %parallel_loop3A_414, %parallel_loop3A_336 : i32
      %parallel_loop3A_416 = arith.index_cast %parallel_loop3A_336 : i32 to index
      %parallel_loop3A_417 = arith.constant 112 : index
      %parallel_loop3A_418 = tpu.vector_load %arg7[%parallel_loop3A_416, %parallel_loop3A_417] {strides = array<i32>} : memref<200x128xf32, #tpu.memory_space<vmem>>, vector<1x16xf32>,
      %parallel_loop3A_419 = vector.shape_cast %parallel_loop3A_418 : vector<1x16xf32> to vector<16xf32>
      %parallel_loop3A_420 = arith.index_cast %parallel_loop3A_415 : i32 to index
      %parallel_loop3A_421 = arith.constant 112 : index
      %parallel_loop3A_422 = tpu.vector_load %arg8[%parallel_loop3A_420, %parallel_loop3A_421] {strides = array<i32>} : memref<800x128xf32, #tpu.memory_space<vmem>>, vector<1x16xf32>,
      %parallel_loop3A_423 = vector.shape_cast %parallel_loop3A_422 : vector<1x16xf32> to vector<16xf32>
      %parallel_loop3A_424 = vector.shape_cast %parallel_loop3A_419 : vector<16xf32> to vector<1x16xf32>
      tpu.vector_store %arg8[%parallel_loop3A_420, %parallel_loop3A_421], %parallel_loop3A_424 {add = true, strides = array<i32>} : memref<800x128xf32, #tpu.memory_space<vmem>>, vector<1x16xf32>,
    } {sc.loop_unroll_factor = 2 : i64, sc.parallel_access}
    %add3A_221 = arith.constant 6000 : i32
    %add3A_222 = arith.addi %mul3A_4, %add3A_221 : i32
    %dma_start3A_223 = arith.constant 2 : i32
    %dma_start3A_224 = arith.constant 400 : i32
    %dma_start3A_225 = arith.constant 0 : i32
    %dma_start3A_226 = tpu.memref_slice %arg8[%dma_start3A_224, %dma_start3A_225] : memref<800x128xf32, #tpu.memory_space<vmem>> -> memref<200x128xf32, #tpu.memory_space<vmem>>
    %dma_start3A_227 = arith.constant 0 : i32
    %dma_start3A_228 = tpu.memref_slice %arg5[%add3A_222, %dma_start3A_227] : memref<204800x128xf32, #tpu.memory_space<hbm>> -> memref<200x128xf32, #tpu.memory_space<hbm>>
    %dma_start3A_229 = tpu.memref_slice %arg10[%dma_start3A_223] : memref<4x!tpu.dma_semaphore, #tpu.memory_space<semaphore_mem>> -> memref<1x!tpu.dma_semaphore, #tpu.memory_space<semaphore_mem>>
    %dma_start3A_230 = tpu.memref_squeeze %dma_start3A_229 : memref<1x!tpu.dma_semaphore, #tpu.memory_space<semaphore_mem>> -> memref<!tpu.dma_semaphore, #tpu.memory_space<semaphore_mem>>
    %dma_start3A_231 = arith.constant 0 : i32
    %dma_start3A_232 = tpu.memref_slice %arg5[%add3A_222, %dma_start3A_231] : memref<204800x128xf32, #tpu.memory_space<hbm>> -> memref<200x128xf32, #tpu.memory_space<hbm>>
    %dma_start3A_233 = arith.constant 400 : i32
    %dma_start3A_234 = arith.constant 0 : i32
    %dma_start3A_235 = tpu.memref_slice %arg8[%dma_start3A_233, %dma_start3A_234] : memref<800x128xf32, #tpu.memory_space<vmem>> -> memref<200x128xf32, #tpu.memory_space<vmem>>
    tpu.enqueue_dma source(%dma_start3A_235 : memref<200x128xf32, #tpu.memory_space<vmem>>) target(%dma_start3A_232 : memref<200x128xf32, #tpu.memory_space<hbm>>) target_semaphore(%dma_start3A_230 : memref<!tpu.dma_semaphore, #tpu.memory_space<semaphore_mem>>)
    %dma_wait3A_236 = arith.constant 3 : i32
    %dma_wait3A_237 = arith.constant 600 : i32
    %dma_wait3A_238 = arith.constant 0 : i32
    %dma_wait3A_239 = tpu.memref_slice %arg8[%dma_wait3A_237, %dma_wait3A_238] : memref<800x128xf32, #tpu.memory_space<vmem>> -> memref<200x128xf32, #tpu.memory_space<vmem>>
    %dma_wait3A_240 = arith.constant 600 : i32
    %dma_wait3A_241 = tpu.memref_slice %arg6[%dma_wait3A_240] : memref<800xi32, #tpu.memory_space<vmem>> -> memref<200xi32, #tpu.memory_space<vmem>>
    %dma_wait3A_242 = arith.constant 0 : i32
    %dma_wait3A_243 = arith.constant 0 : i32
    %dma_wait3A_244 = tpu.memref_slice %arg3[%dma_wait3A_242, %dma_wait3A_243] : memref<100000x128xf32, #tpu.memory_space<hbm>> -> memref<100000x128xf32, #tpu.memory_space<hbm>>
    %dma_wait3A_245 = tpu.memref_slice %arg9[%dma_wait3A_236] : memref<4x!tpu.dma_semaphore, #tpu.memory_space<semaphore_mem>> -> memref<1x!tpu.dma_semaphore, #tpu.memory_space<semaphore_mem>>
    %dma_wait3A_246 = tpu.memref_squeeze %dma_wait3A_245 : memref<1x!tpu.dma_semaphore, #tpu.memory_space<semaphore_mem>> -> memref<!tpu.dma_semaphore, #tpu.memory_space<semaphore_mem>>
    tpu.wait_indirect_dma semaphore(%dma_wait3A_246 : memref<!tpu.dma_semaphore, #tpu.memory_space<semaphore_mem>>) src(%dma_wait3A_244 : memref<100000x128xf32, #tpu.memory_space<hbm>>) dst(%dma_wait3A_239 : memref<200x128xf32, #tpu.memory_space<vmem>>)
    %parallel_loop3A_247 = arith.constant 0 : i32
    %parallel_loop3A_248 = arith.constant 200 : i32
    %parallel_loop3A_249 = arith.constant 1 : i32
    scf.for %parallel_loop3A_336 = %parallel_loop3A_247 to %parallel_loop3A_248 step %parallel_loop3A_249  : i32 {
      %parallel_loop3A_337 = arith.constant 600 : i32
      %parallel_loop3A_338 = arith.addi %parallel_loop3A_337, %parallel_loop3A_336 : i32
      %parallel_loop3A_339 = arith.index_cast %parallel_loop3A_336 : i32 to index
      %parallel_loop3A_340 = arith.constant 0 : index
      %parallel_loop3A_341 = tpu.vector_load %arg7[%parallel_loop3A_339, %parallel_loop3A_340] {strides = array<i32>} : memref<200x128xf32, #tpu.memory_space<vmem>>, vector<1x16xf32>,
      %parallel_loop3A_342 = vector.shape_cast %parallel_loop3A_341 : vector<1x16xf32> to vector<16xf32>
      %parallel_loop3A_343 = arith.index_cast %parallel_loop3A_338 : i32 to index
      %parallel_loop3A_344 = arith.constant 0 : index
      %parallel_loop3A_345 = tpu.vector_load %arg8[%parallel_loop3A_343, %parallel_loop3A_344] {strides = array<i32>} : memref<800x128xf32, #tpu.memory_space<vmem>>, vector<1x16xf32>,
      %parallel_loop3A_346 = vector.shape_cast %parallel_loop3A_345 : vector<1x16xf32> to vector<16xf32>
      %parallel_loop3A_347 = vector.shape_cast %parallel_loop3A_342 : vector<16xf32> to vector<1x16xf32>
      tpu.vector_store %arg8[%parallel_loop3A_343, %parallel_loop3A_344], %parallel_loop3A_347 {add = true, strides = array<i32>} : memref<800x128xf32, #tpu.memory_space<vmem>>, vector<1x16xf32>,
      %parallel_loop3A_348 = arith.constant 600 : i32
      %parallel_loop3A_349 = arith.addi %parallel_loop3A_348, %parallel_loop3A_336 : i32
      %parallel_loop3A_350 = arith.index_cast %parallel_loop3A_336 : i32 to index
      %parallel_loop3A_351 = arith.constant 16 : index
      %parallel_loop3A_352 = tpu.vector_load %arg7[%parallel_loop3A_350, %parallel_loop3A_351] {strides = array<i32>} : memref<200x128xf32, #tpu.memory_space<vmem>>, vector<1x16xf32>,
      %parallel_loop3A_353 = vector.shape_cast %parallel_loop3A_352 : vector<1x16xf32> to vector<16xf32>
      %parallel_loop3A_354 = arith.index_cast %parallel_loop3A_349 : i32 to index
      %parallel_loop3A_355 = arith.constant 16 : index
      %parallel_loop3A_356 = tpu.vector_load %arg8[%parallel_loop3A_354, %parallel_loop3A_355] {strides = array<i32>} : memref<800x128xf32, #tpu.memory_space<vmem>>, vector<1x16xf32>,
      %parallel_loop3A_357 = vector.shape_cast %parallel_loop3A_356 : vector<1x16xf32> to vector<16xf32>
      %parallel_loop3A_358 = vector.shape_cast %parallel_loop3A_353 : vector<16xf32> to vector<1x16xf32>
      tpu.vector_store %arg8[%parallel_loop3A_354, %parallel_loop3A_355], %parallel_loop3A_358 {add = true, strides = array<i32>} : memref<800x128xf32, #tpu.memory_space<vmem>>, vector<1x16xf32>,
      %parallel_loop3A_359 = arith.constant 600 : i32
      %parallel_loop3A_360 = arith.addi %parallel_loop3A_359, %parallel_loop3A_336 : i32
      %parallel_loop3A_361 = arith.index_cast %parallel_loop3A_336 : i32 to index
      %parallel_loop3A_362 = arith.constant 32 : index
      %parallel_loop3A_363 = tpu.vector_load %arg7[%parallel_loop3A_361, %parallel_loop3A_362] {strides = array<i32>} : memref<200x128xf32, #tpu.memory_space<vmem>>, vector<1x16xf32>,
      %parallel_loop3A_364 = vector.shape_cast %parallel_loop3A_363 : vector<1x16xf32> to vector<16xf32>
      %parallel_loop3A_365 = arith.index_cast %parallel_loop3A_360 : i32 to index
      %parallel_loop3A_366 = arith.constant 32 : index
      %parallel_loop3A_367 = tpu.vector_load %arg8[%parallel_loop3A_365, %parallel_loop3A_366] {strides = array<i32>} : memref<800x128xf32, #tpu.memory_space<vmem>>, vector<1x16xf32>,
      %parallel_loop3A_368 = vector.shape_cast %parallel_loop3A_367 : vector<1x16xf32> to vector<16xf32>
      %parallel_loop3A_369 = vector.shape_cast %parallel_loop3A_364 : vector<16xf32> to vector<1x16xf32>
      tpu.vector_store %arg8[%parallel_loop3A_365, %parallel_loop3A_366], %parallel_loop3A_369 {add = true, strides = array<i32>} : memref<800x128xf32, #tpu.memory_space<vmem>>, vector<1x16xf32>,
      %parallel_loop3A_370 = arith.constant 600 : i32
      %parallel_loop3A_371 = arith.addi %parallel_loop3A_370, %parallel_loop3A_336 : i32
      %parallel_loop3A_372 = arith.index_cast %parallel_loop3A_336 : i32 to index
      %parallel_loop3A_373 = arith.constant 48 : index
      %parallel_loop3A_374 = tpu.vector_load %arg7[%parallel_loop3A_372, %parallel_loop3A_373] {strides = array<i32>} : memref<200x128xf32, #tpu.memory_space<vmem>>, vector<1x16xf32>,
      %parallel_loop3A_375 = vector.shape_cast %parallel_loop3A_374 : vector<1x16xf32> to vector<16xf32>
      %parallel_loop3A_376 = arith.index_cast %parallel_loop3A_371 : i32 to index
      %parallel_loop3A_377 = arith.constant 48 : index
      %parallel_loop3A_378 = tpu.vector_load %arg8[%parallel_loop3A_376, %parallel_loop3A_377] {strides = array<i32>} : memref<800x128xf32, #tpu.memory_space<vmem>>, vector<1x16xf32>,
      %parallel_loop3A_379 = vector.shape_cast %parallel_loop3A_378 : vector<1x16xf32> to vector<16xf32>
      %parallel_loop3A_380 = vector.shape_cast %parallel_loop3A_375 : vector<16xf32> to vector<1x16xf32>
      tpu.vector_store %arg8[%parallel_loop3A_376, %parallel_loop3A_377], %parallel_loop3A_380 {add = true, strides = array<i32>} : memref<800x128xf32, #tpu.memory_space<vmem>>, vector<1x16xf32>,
      %parallel_loop3A_381 = arith.constant 600 : i32
      %parallel_loop3A_382 = arith.addi %parallel_loop3A_381, %parallel_loop3A_336 : i32
      %parallel_loop3A_383 = arith.index_cast %parallel_loop3A_336 : i32 to index
      %parallel_loop3A_384 = arith.constant 64 : index
      %parallel_loop3A_385 = tpu.vector_load %arg7[%parallel_loop3A_383, %parallel_loop3A_384] {strides = array<i32>} : memref<200x128xf32, #tpu.memory_space<vmem>>, vector<1x16xf32>,
      %parallel_loop3A_386 = vector.shape_cast %parallel_loop3A_385 : vector<1x16xf32> to vector<16xf32>
      %parallel_loop3A_387 = arith.index_cast %parallel_loop3A_382 : i32 to index
      %parallel_loop3A_388 = arith.constant 64 : index
      %parallel_loop3A_389 = tpu.vector_load %arg8[%parallel_loop3A_387, %parallel_loop3A_388] {strides = array<i32>} : memref<800x128xf32, #tpu.memory_space<vmem>>, vector<1x16xf32>,
      %parallel_loop3A_390 = vector.shape_cast %parallel_loop3A_389 : vector<1x16xf32> to vector<16xf32>
      %parallel_loop3A_391 = vector.shape_cast %parallel_loop3A_386 : vector<16xf32> to vector<1x16xf32>
      tpu.vector_store %arg8[%parallel_loop3A_387, %parallel_loop3A_388], %parallel_loop3A_391 {add = true, strides = array<i32>} : memref<800x128xf32, #tpu.memory_space<vmem>>, vector<1x16xf32>,
      %parallel_loop3A_392 = arith.constant 600 : i32
      %parallel_loop3A_393 = arith.addi %parallel_loop3A_392, %parallel_loop3A_336 : i32
      %parallel_loop3A_394 = arith.index_cast %parallel_loop3A_336 : i32 to index
      %parallel_loop3A_395 = arith.constant 80 : index
      %parallel_loop3A_396 = tpu.vector_load %arg7[%parallel_loop3A_394, %parallel_loop3A_395] {strides = array<i32>} : memref<200x128xf32, #tpu.memory_space<vmem>>, vector<1x16xf32>,
      %parallel_loop3A_397 = vector.shape_cast %parallel_loop3A_396 : vector<1x16xf32> to vector<16xf32>
      %parallel_loop3A_398 = arith.index_cast %parallel_loop3A_393 : i32 to index
      %parallel_loop3A_399 = arith.constant 80 : index
      %parallel_loop3A_400 = tpu.vector_load %arg8[%parallel_loop3A_398, %parallel_loop3A_399] {strides = array<i32>} : memref<800x128xf32, #tpu.memory_space<vmem>>, vector<1x16xf32>,
      %parallel_loop3A_401 = vector.shape_cast %parallel_loop3A_400 : vector<1x16xf32> to vector<16xf32>
      %parallel_loop3A_402 = vector.shape_cast %parallel_loop3A_397 : vector<16xf32> to vector<1x16xf32>
      tpu.vector_store %arg8[%parallel_loop3A_398, %parallel_loop3A_399], %parallel_loop3A_402 {add = true, strides = array<i32>} : memref<800x128xf32, #tpu.memory_space<vmem>>, vector<1x16xf32>,
      %parallel_loop3A_403 = arith.constant 600 : i32
      %parallel_loop3A_404 = arith.addi %parallel_loop3A_403, %parallel_loop3A_336 : i32
      %parallel_loop3A_405 = arith.index_cast %parallel_loop3A_336 : i32 to index
      %parallel_loop3A_406 = arith.constant 96 : index
      %parallel_loop3A_407 = tpu.vector_load %arg7[%parallel_loop3A_405, %parallel_loop3A_406] {strides = array<i32>} : memref<200x128xf32, #tpu.memory_space<vmem>>, vector<1x16xf32>,
      %parallel_loop3A_408 = vector.shape_cast %parallel_loop3A_407 : vector<1x16xf32> to vector<16xf32>
      %parallel_loop3A_409 = arith.index_cast %parallel_loop3A_404 : i32 to index
      %parallel_loop3A_410 = arith.constant 96 : index
      %parallel_loop3A_411 = tpu.vector_load %arg8[%parallel_loop3A_409, %parallel_loop3A_410] {strides = array<i32>} : memref<800x128xf32, #tpu.memory_space<vmem>>, vector<1x16xf32>,
      %parallel_loop3A_412 = vector.shape_cast %parallel_loop3A_411 : vector<1x16xf32> to vector<16xf32>
      %parallel_loop3A_413 = vector.shape_cast %parallel_loop3A_408 : vector<16xf32> to vector<1x16xf32>
      tpu.vector_store %arg8[%parallel_loop3A_409, %parallel_loop3A_410], %parallel_loop3A_413 {add = true, strides = array<i32>} : memref<800x128xf32, #tpu.memory_space<vmem>>, vector<1x16xf32>,
      %parallel_loop3A_414 = arith.constant 600 : i32
      %parallel_loop3A_415 = arith.addi %parallel_loop3A_414, %parallel_loop3A_336 : i32
      %parallel_loop3A_416 = arith.index_cast %parallel_loop3A_336 : i32 to index
      %parallel_loop3A_417 = arith.constant 112 : index
      %parallel_loop3A_418 = tpu.vector_load %arg7[%parallel_loop3A_416, %parallel_loop3A_417] {strides = array<i32>} : memref<200x128xf32, #tpu.memory_space<vmem>>, vector<1x16xf32>,
      %parallel_loop3A_419 = vector.shape_cast %parallel_loop3A_418 : vector<1x16xf32> to vector<16xf32>
      %parallel_loop3A_420 = arith.index_cast %parallel_loop3A_415 : i32 to index
      %parallel_loop3A_421 = arith.constant 112 : index
      %parallel_loop3A_422 = tpu.vector_load %arg8[%parallel_loop3A_420, %parallel_loop3A_421] {strides = array<i32>} : memref<800x128xf32, #tpu.memory_space<vmem>>, vector<1x16xf32>,
      %parallel_loop3A_423 = vector.shape_cast %parallel_loop3A_422 : vector<1x16xf32> to vector<16xf32>
      %parallel_loop3A_424 = vector.shape_cast %parallel_loop3A_419 : vector<16xf32> to vector<1x16xf32>
      tpu.vector_store %arg8[%parallel_loop3A_420, %parallel_loop3A_421], %parallel_loop3A_424 {add = true, strides = array<i32>} : memref<800x128xf32, #tpu.memory_space<vmem>>, vector<1x16xf32>,
    } {sc.loop_unroll_factor = 2 : i64, sc.parallel_access}
    %add3A_250 = arith.constant 6200 : i32
    %add3A_251 = arith.addi %mul3A_4, %add3A_250 : i32
    %dma_start3A_252 = arith.constant 3 : i32
    %dma_start3A_253 = arith.constant 600 : i32
    %dma_start3A_254 = arith.constant 0 : i32
    %dma_start3A_255 = tpu.memref_slice %arg8[%dma_start3A_253, %dma_start3A_254] : memref<800x128xf32, #tpu.memory_space<vmem>> -> memref<200x128xf32, #tpu.memory_space<vmem>>
    %dma_start3A_256 = arith.constant 0 : i32
    %dma_start3A_257 = tpu.memref_slice %arg5[%add3A_251, %dma_start3A_256] : memref<204800x128xf32, #tpu.memory_space<hbm>> -> memref<200x128xf32, #tpu.memory_space<hbm>>
    %dma_start3A_258 = tpu.memref_slice %arg10[%dma_start3A_252] : memref<4x!tpu.dma_semaphore, #tpu.memory_space<semaphore_mem>> -> memref<1x!tpu.dma_semaphore, #tpu.memory_space<semaphore_mem>>
    %dma_start3A_259 = tpu.memref_squeeze %dma_start3A_258 : memref<1x!tpu.dma_semaphore, #tpu.memory_space<semaphore_mem>> -> memref<!tpu.dma_semaphore, #tpu.memory_space<semaphore_mem>>
    %dma_start3A_260 = arith.constant 0 : i32
    %dma_start3A_261 = tpu.memref_slice %arg5[%add3A_251, %dma_start3A_260] : memref<204800x128xf32, #tpu.memory_space<hbm>> -> memref<200x128xf32, #tpu.memory_space<hbm>>
    %dma_start3A_262 = arith.constant 600 : i32
    %dma_start3A_263 = arith.constant 0 : i32
    %dma_start3A_264 = tpu.memref_slice %arg8[%dma_start3A_262, %dma_start3A_263] : memref<800x128xf32, #tpu.memory_space<vmem>> -> memref<200x128xf32, #tpu.memory_space<vmem>>
    tpu.enqueue_dma source(%dma_start3A_264 : memref<200x128xf32, #tpu.memory_space<vmem>>) target(%dma_start3A_261 : memref<200x128xf32, #tpu.memory_space<hbm>>) target_semaphore(%dma_start3A_259 : memref<!tpu.dma_semaphore, #tpu.memory_space<semaphore_mem>>)
    %add3A_265 = arith.constant 5600 : i32
    %add3A_266 = arith.addi %mul3A_4, %add3A_265 : i32
    %dma_wait3A_267 = arith.constant 0 : i32
    %dma_wait3A_268 = arith.constant 0 : i32
    %dma_wait3A_269 = arith.constant 0 : i32
    %dma_wait3A_270 = tpu.memref_slice %arg8[%dma_wait3A_268, %dma_wait3A_269] : memref<800x128xf32, #tpu.memory_space<vmem>> -> memref<200x128xf32, #tpu.memory_space<vmem>>
    %dma_wait3A_271 = arith.constant 0 : i32
    %dma_wait3A_272 = tpu.memref_slice %arg5[%add3A_266, %dma_wait3A_271] : memref<204800x128xf32, #tpu.memory_space<hbm>> -> memref<200x128xf32, #tpu.memory_space<hbm>>
    %dma_wait3A_273 = tpu.memref_slice %arg10[%dma_wait3A_267] : memref<4x!tpu.dma_semaphore, #tpu.memory_space<semaphore_mem>> -> memref<1x!tpu.dma_semaphore, #tpu.memory_space<semaphore_mem>>
    %dma_wait3A_274 = tpu.memref_squeeze %dma_wait3A_273 : memref<1x!tpu.dma_semaphore, #tpu.memory_space<semaphore_mem>> -> memref<!tpu.dma_semaphore, #tpu.memory_space<semaphore_mem>>
    %dma_wait3A_275 = arith.constant 0 : i32
    %dma_wait3A_276 = tpu.memref_slice %arg5[%add3A_266, %dma_wait3A_275] : memref<204800x128xf32, #tpu.memory_space<hbm>> -> memref<200x128xf32, #tpu.memory_space<hbm>>
    %dma_wait3A_277 = arith.constant 0 : i32
    %dma_wait3A_278 = arith.constant 0 : i32
    %dma_wait3A_279 = tpu.memref_slice %arg8[%dma_wait3A_277, %dma_wait3A_278] : memref<800x128xf32, #tpu.memory_space<vmem>> -> memref<200x128xf32, #tpu.memory_space<vmem>>
    tpu.wait_dma2 semaphore(%dma_wait3A_274 : memref<!tpu.dma_semaphore, #tpu.memory_space<semaphore_mem>>) src(%dma_wait3A_279 : memref<200x128xf32, #tpu.memory_space<vmem>>) dst(%dma_wait3A_276 : memref<200x128xf32, #tpu.memory_space<hbm>>)
    %add3A_280 = arith.constant 5800 : i32
    %add3A_281 = arith.addi %mul3A_4, %add3A_280 : i32
    %dma_wait3A_282 = arith.constant 1 : i32
    %dma_wait3A_283 = arith.constant 200 : i32
    %dma_wait3A_284 = arith.constant 0 : i32
    %dma_wait3A_285 = tpu.memref_slice %arg8[%dma_wait3A_283, %dma_wait3A_284] : memref<800x128xf32, #tpu.memory_space<vmem>> -> memref<200x128xf32, #tpu.memory_space<vmem>>
    %dma_wait3A_286 = arith.constant 0 : i32
    %dma_wait3A_287 = tpu.memref_slice %arg5[%add3A_281, %dma_wait3A_286] : memref<204800x128xf32, #tpu.memory_space<hbm>> -> memref<200x128xf32, #tpu.memory_space<hbm>>
    %dma_wait3A_288 = tpu.memref_slice %arg10[%dma_wait3A_282] : memref<4x!tpu.dma_semaphore, #tpu.memory_space<semaphore_mem>> -> memref<1x!tpu.dma_semaphore, #tpu.memory_space<semaphore_mem>>
    %dma_wait3A_289 = tpu.memref_squeeze %dma_wait3A_288 : memref<1x!tpu.dma_semaphore, #tpu.memory_space<semaphore_mem>> -> memref<!tpu.dma_semaphore, #tpu.memory_space<semaphore_mem>>
    %dma_wait3A_290 = arith.constant 0 : i32
    %dma_wait3A_291 = tpu.memref_slice %arg5[%add3A_281, %dma_wait3A_290] : memref<204800x128xf32, #tpu.memory_space<hbm>> -> memref<200x128xf32, #tpu.memory_space<hbm>>
    %dma_wait3A_292 = arith.constant 200 : i32
    %dma_wait3A_293 = arith.constant 0 : i32
    %dma_wait3A_294 = tpu.memref_slice %arg8[%dma_wait3A_292, %dma_wait3A_293] : memref<800x128xf32, #tpu.memory_space<vmem>> -> memref<200x128xf32, #tpu.memory_space<vmem>>
    tpu.wait_dma2 semaphore(%dma_wait3A_289 : memref<!tpu.dma_semaphore, #tpu.memory_space<semaphore_mem>>) src(%dma_wait3A_294 : memref<200x128xf32, #tpu.memory_space<vmem>>) dst(%dma_wait3A_291 : memref<200x128xf32, #tpu.memory_space<hbm>>)
    %add3A_295 = arith.constant 6000 : i32
    %add3A_296 = arith.addi %mul3A_4, %add3A_295 : i32
    %dma_wait3A_297 = arith.constant 2 : i32
    %dma_wait3A_298 = arith.constant 400 : i32
    %dma_wait3A_299 = arith.constant 0 : i32
    %dma_wait3A_300 = tpu.memref_slice %arg8[%dma_wait3A_298, %dma_wait3A_299] : memref<800x128xf32, #tpu.memory_space<vmem>> -> memref<200x128xf32, #tpu.memory_space<vmem>>
    %dma_wait3A_301 = arith.constant 0 : i32
    %dma_wait3A_302 = tpu.memref_slice %arg5[%add3A_296, %dma_wait3A_301] : memref<204800x128xf32, #tpu.memory_space<hbm>> -> memref<200x128xf32, #tpu.memory_space<hbm>>
    %dma_wait3A_303 = tpu.memref_slice %arg10[%dma_wait3A_297] : memref<4x!tpu.dma_semaphore, #tpu.memory_space<semaphore_mem>> -> memref<1x!tpu.dma_semaphore, #tpu.memory_space<semaphore_mem>>
    %dma_wait3A_304 = tpu.memref_squeeze %dma_wait3A_303 : memref<1x!tpu.dma_semaphore, #tpu.memory_space<semaphore_mem>> -> memref<!tpu.dma_semaphore, #tpu.memory_space<semaphore_mem>>
    %dma_wait3A_305 = arith.constant 0 : i32
    %dma_wait3A_306 = tpu.memref_slice %arg5[%add3A_296, %dma_wait3A_305] : memref<204800x128xf32, #tpu.memory_space<hbm>> -> memref<200x128xf32, #tpu.memory_space<hbm>>
    %dma_wait3A_307 = arith.constant 400 : i32
    %dma_wait3A_308 = arith.constant 0 : i32
    %dma_wait3A_309 = tpu.memref_slice %arg8[%dma_wait3A_307, %dma_wait3A_308] : memref<800x128xf32, #tpu.memory_space<vmem>> -> memref<200x128xf32, #tpu.memory_space<vmem>>
    tpu.wait_dma2 semaphore(%dma_wait3A_304 : memref<!tpu.dma_semaphore, #tpu.memory_space<semaphore_mem>>) src(%dma_wait3A_309 : memref<200x128xf32, #tpu.memory_space<vmem>>) dst(%dma_wait3A_306 : memref<200x128xf32, #tpu.memory_space<hbm>>)
    %add3A_310 = arith.constant 6200 : i32
    %add3A_311 = arith.addi %mul3A_4, %add3A_310 : i32
    %dma_wait3A_312 = arith.constant 3 : i32
    %dma_wait3A_313 = arith.constant 600 : i32
    %dma_wait3A_314 = arith.constant 0 : i32
    %dma_wait3A_315 = tpu.memref_slice %arg8[%dma_wait3A_313, %dma_wait3A_314] : memref<800x128xf32, #tpu.memory_space<vmem>> -> memref<200x128xf32, #tpu.memory_space<vmem>>
    %dma_wait3A_316 = arith.constant 0 : i32
    %dma_wait3A_317 = tpu.memref_slice %arg5[%add3A_311, %dma_wait3A_316] : memref<204800x128xf32, #tpu.memory_space<hbm>> -> memref<200x128xf32, #tpu.memory_space<hbm>>
    %dma_wait3A_318 = tpu.memref_slice %arg10[%dma_wait3A_312] : memref<4x!tpu.dma_semaphore, #tpu.memory_space<semaphore_mem>> -> memref<1x!tpu.dma_semaphore, #tpu.memory_space<semaphore_mem>>
    %dma_wait3A_319 = tpu.memref_squeeze %dma_wait3A_318 : memref<1x!tpu.dma_semaphore, #tpu.memory_space<semaphore_mem>> -> memref<!tpu.dma_semaphore, #tpu.memory_space<semaphore_mem>>
    %dma_wait3A_320 = arith.constant 0 : i32
    %dma_wait3A_321 = tpu.memref_slice %arg5[%add3A_311, %dma_wait3A_320] : memref<204800x128xf32, #tpu.memory_space<hbm>> -> memref<200x128xf32, #tpu.memory_space<hbm>>
    %dma_wait3A_322 = arith.constant 600 : i32
    %dma_wait3A_323 = arith.constant 0 : i32
    %dma_wait3A_324 = tpu.memref_slice %arg8[%dma_wait3A_322, %dma_wait3A_323] : memref<800x128xf32, #tpu.memory_space<vmem>> -> memref<200x128xf32, #tpu.memory_space<vmem>>
    tpu.wait_dma2 semaphore(%dma_wait3A_319 : memref<!tpu.dma_semaphore, #tpu.memory_space<semaphore_mem>>) src(%dma_wait3A_324 : memref<200x128xf32, #tpu.memory_space<vmem>>) dst(%dma_wait3A_321 : memref<200x128xf32, #tpu.memory_space<hbm>>)
    %add3A_325 = arith.constant 6200 : i32
    %add3A_326 = arith.addi %mul3A_4, %add3A_325 : i32
    %dma_wait3A_327 = arith.constant 0 : i32
    %dma_wait3A_328 = arith.constant 0 : i32
    %dma_wait3A_329 = tpu.memref_slice %arg6[%dma_wait3A_328] : memref<800xi32, #tpu.memory_space<vmem>> -> memref<200xi32, #tpu.memory_space<vmem>>
    %dma_wait3A_330 = tpu.memref_slice %arg2[%add3A_326] : memref<204800xi32, #tpu.memory_space<hbm>> -> memref<200xi32, #tpu.memory_space<hbm>>
    %dma_wait3A_331 = tpu.memref_slice %arg11[%dma_wait3A_327] : memref<4x!tpu.dma_semaphore, #tpu.memory_space<semaphore_mem>> -> memref<1x!tpu.dma_semaphore, #tpu.memory_space<semaphore_mem>>
    %dma_wait3A_332 = tpu.memref_squeeze %dma_wait3A_331 : memref<1x!tpu.dma_semaphore, #tpu.memory_space<semaphore_mem>> -> memref<!tpu.dma_semaphore, #tpu.memory_space<semaphore_mem>>
    %dma_wait3A_333 = arith.constant 0 : i32
    %dma_wait3A_334 = tpu.memref_slice %arg6[%dma_wait3A_333] : memref<800xi32, #tpu.memory_space<vmem>> -> memref<200xi32, #tpu.memory_space<vmem>>
    %dma_wait3A_335 = tpu.memref_slice %arg2[%add3A_326] : memref<204800xi32, #tpu.memory_space<hbm>> -> memref<200xi32, #tpu.memory_space<hbm>>
    tpu.wait_dma2 semaphore(%dma_wait3A_332 : memref<!tpu.dma_semaphore, #tpu.memory_space<semaphore_mem>>) src(%dma_wait3A_335 : memref<200xi32, #tpu.memory_space<hbm>>) dst(%dma_wait3A_334 : memref<200xi32, #tpu.memory_space<vmem>>)
    return
  }
}

</mosaic_0001>

<sc_bundles>
// kernel: kernel.3.cloned.1.call-start
scs
__scs_entry_jumppad:
0x0: {  	(pc) =	sbr.rel $0x88, $3  }
0x1: {  	(tag) =	ssettag $0x0;
	lr =	simm.s32 $0x1  }
0x2: {  	[smem:$0x3F9E] =	sst lr;
	_ =	strace $0xD0000000  }
0x3: {  	_ = 	snop  }
0x4: {  	_ = 	snop  }
0x5: {  	_ = 	snop  }
0x6: {  	_ = 	snop  }
0x7: {  	_ = 	snop  }
__scs_overlays_trampoline_lowered:
0x8: {  	[smem:$0x3FAD] =	sst s0  }
0x9: {  	[smem:$0x3FAE] =	sst s1  }
0xa: {  	[smem:$0x3FAF] =	sst s2  }
0xb: {  	[smem:$0x3FB0] =	sst s3  }
0xc: {  	[smem:$0x3FB1] =	sst s4  }
0xd: {  	[smem:$0x3FB2] =	sst s5  }
0xe: {  	[smem:$0x3FB3] =	sst s6  }
0xf: {  	[smem:$0x3FB4] =	sst s7  }
0x10: {  	[smem:$0x3FB5] =	sst s8  }
0x11: {  	[smem:$0x3FB6] =	sst s9;
	s0 =	simm.s32 @!p0 $0x0  }
0x12: {  	s1 =	sld [smem:$0x3F9C];
	s0 =	simm.s32 @p0 $0x1  }
0x13: {  	[smem:$0x3FB7] =	sst s0;
	s0 =	simm.s32 @!p1 $0x0  }
0x14: {  	s2 =	sld [smem:$0x3F9B];
	s0 =	simm.s32 @p1 $0x1  }
0x15: {  	[smem:$0x3FB8] =	sst s0;
	s0 =	simm.s32 @!p2 $0x0  }
0x16: {  	s3 =	sld [smem:$0x3FDB];
	s0 =	simm.s32 @p2 $0x1  }
0x17: {  	s4 =	simm.s32 $0x1BF5;
	[smem:$0x3FBA] =	sst s0  }
0x18: {  	s0 =	sld [smem:$0x3F9D];
	_ =	swait.ge [sflag:s4], $0x0  }
0x19: {  	s7 =	sld [smem:$0x3F9E]  }
0x1a: {  	s8 =	sadd.s32 $0xFFFFE003, lr  }
0x1b: {  	s9 =	sadd.s32 $0xFFFFFEF7, lr;
	s5 =	simm.s32 $0xFFFFFFFF;
	p2 =	slt.u32 s8, $0xFFFFF086  }
0x1c: {  	p1 =	slt.u32 s9, $0xF7A;
	s5 =	simm.s32 @!p2 $0x0  }
0x1d: {  	s5 =	simm.s32 @p1 $0x1;
	p0 =	seq.s32 s7, s2  }
0x1e: {  	s7 =	smul.u32 @!p0 $0xF7A, s2;
	p2 =	seq.s32 @!p0 s5, $0x0  }
0x1f: {  	s9 =	smul.u32 $0xF7A, s1;
	s8 =	simm.s32 @!p0 $0x1BF5;
	p2 =	por !p2, p0  }
0x20: {  	[sflag:s8] =	ssyncset.s32 @!p0 $0xFFFFF086;
	s6 =	sadd.s32 @!p0 s3, s7;
	s7 =	simm.s32 @!p0 $0x108  }
0x21: {  	s3 =	sadd.s32 s3, s9;
	s6 =	sadd.s32 @!p0 $0x88, s6;
	s7 =	simm.s32 @p2 $0x1082  }
0x22: {  	[simem:s7], [sflag:s8] =	dma.local @!p0 [hbm:s6], $0xF7A  }
0x23: {  	s9 =	sor.u32 $0xD0000000, s2;
	s6 =	simm.s32 $0x108;
	_ =	swait.ge @!p0 [sflag:s8], $0x0  }
0x24: {  	s3 =	sadd.s32 $0x88, s3;
	s6 =	simm.s32 @!p1 $0x1082;
	[sflag:s4] =	ssyncset.s32 $0xFFFFF086  }
0x25: {  	[simem:s6], [sflag:s4] =	dma.local [hbm:s3], $0xF7A  }
0x26: {  	[smem:$0x3F9E] =	sst s1;
	(tag) =	ssettag s2;
	_ =	strace s9  }
0x27: {  	s1 =	sld [smem:$0x3FAE]  }
0x28: {  	s2 =	sld [smem:$0x3FAF]  }
0x29: {  	s4 =	sld [smem:$0x3FB1]  }
0x2a: {  	p0 =	seq.s32 s5, $0x0;
	s5 =	sld [smem:$0x3FB2]  }
0x2b: {  	s6 =	sld [smem:$0x3FB3]  }
0x2c: {  	s7 =	sld [smem:$0x3FB4]  }
0x2d: {  	s3 =	simm.s32 $0x108;
	s8 =	sld [smem:$0x3FB5]  }
0x2e: {  	s3 =	simm.s32 @!p0 $0x1082;
	s9 =	sld [smem:$0x3FB6]  }
0x2f: {  	lr =	sadd.s32 s0, s3;
	s0 =	sld [smem:$0x3FAD]  }
0x30: {  	s3 =	sld [smem:$0x3FB0]  }
0x31: {  	[smem:$0x3FB9] =	sst s10  }
0x32: {  	s10 =	sld [smem:$0x3FB7];
	_ =	sdelay $0x3  }
0x33: {  	p0 =	seq.s32 s10, $0x1;
	s10 =	sld [smem:$0x3FB9];
	_ =	sdelay $0x3  }
0x34: {  	[smem:$0x3FB9] =	sst s10  }
0x35: {  	s10 =	sld [smem:$0x3FB8];
	_ =	sdelay $0x3  }
0x36: {  	p1 =	seq.s32 s10, $0x1;
	s10 =	sld [smem:$0x3FB9];
	_ =	sdelay $0x3  }
0x37: {  	[smem:$0x3FB9] =	sst s10  }
0x38: {  	s10 =	sld [smem:$0x3FBA]  }
0x39: {  	_ = 	snop;
	(pc) =	sbr.ind lr, $3  }
0x3a: {  	_ = 	snop  }
0x3b: {  	_ = 	snop  }
0x3c: {  	p2 =	seq.s32 s10, $0x1;
	s10 =	sld [smem:$0x3FB9]  }
0x3d: {  	_ =	shalt  }
0x3e: {  	_ =	shalt  }
0x3f: {  	_ =	shalt  }
0x40: {  	_ =	shalt  }
0x41: {  	_ =	shalt  }
0x42: {  	_ =	shalt  }
0x43: {  	_ =	shalt  }
0x44: {  	_ =	shalt  }
0x45: {  	_ =	shalt  }
0x46: {  	_ =	shalt  }
0x47: {  	_ =	shalt  }
0x48: {  	_ =	shalt  }
0x49: {  	_ =	shalt  }
0x4a: {  	_ =	shalt  }
0x4b: {  	_ =	shalt  }
0x4c: {  	_ =	shalt  }
0x4d: {  	_ =	shalt  }
0x4e: {  	_ =	shalt  }
0x4f: {  	_ =	shalt  }
0x50: {  	_ =	shalt  }
0x51: {  	_ =	shalt  }
0x52: {  	_ =	shalt  }
0x53: {  	_ =	shalt  }
0x54: {  	_ =	shalt  }
0x55: {  	_ =	shalt  }
0x56: {  	_ =	shalt  }
0x57: {  	_ =	shalt  }
0x58: {  	_ =	shalt  }
0x59: {  	_ =	shalt  }
0x5a: {  	_ =	shalt  }
0x5b: {  	_ =	shalt  }
0x5c: {  	_ =	shalt  }
0x5d: {  	_ =	shalt  }
0x5e: {  	_ =	shalt  }
0x5f: {  	_ =	shalt  }
0x60: {  	_ =	shalt  }
0x61: {  	_ =	shalt  }
0x62: {  	_ =	shalt  }
0x63: {  	_ =	shalt  }
0x64: {  	_ =	shalt  }
0x65: {  	_ =	shalt  }
0x66: {  	_ =	shalt  }
0x67: {  	_ =	shalt  }
0x68: {  	_ =	shalt  }
0x69: {  	_ =	shalt  }
0x6a: {  	_ =	shalt  }
0x6b: {  	_ =	shalt  }
0x6c: {  	_ =	shalt  }
0x6d: {  	_ =	shalt  }
0x6e: {  	_ =	shalt  }
0x6f: {  	_ =	shalt  }
0x70: {  	_ =	shalt  }
0x71: {  	_ =	shalt  }
0x72: {  	_ =	shalt  }
0x73: {  	_ =	shalt  }
0x74: {  	_ =	shalt  }
0x75: {  	_ =	shalt  }
0x76: {  	_ =	shalt  }
0x77: {  	_ =	shalt  }
0x78: {  	_ =	shalt  }
0x79: {  	_ =	shalt  }
0x7a: {  	_ =	shalt  }
0x7b: {  	_ =	shalt  }
0x7c: {  	_ =	shalt  }
0x7d: {  	_ =	shalt  }
0x7e: {  	_ =	shalt  }
0x7f: {  	_ =	shalt  }
0x80: {  	_ =	shalt  }
0x81: {  	_ =	shalt  }
0x82: {  	_ =	shalt  }
0x83: {  	_ =	shalt  }
0x84: {  	_ =	shalt  }
0x85: {  	_ =	shalt  }
0x86: {  	_ =	shalt  }
0x87: {  	_ =	shalt  }
.Lfunc_end0:
.L_simem_size_0:
called_computation_lowered:
.L_overlay_start_0:
0x88: {  	s2 =	sld [smem:$0x3FD9]  }
0x89: {  	s3 =	sld [smem:$0x3FFE];
	_ =	sdelay $0x1  }
0x8a: {  	s1 =	srdreg.scid  }
0x8b: {  	s0 =	sand.u32 $0x1, s1  }
0x8c: {  	s17 =	sshll.u32 s0, $0xA;
	s2 =	sadd.s32 s3, s2  }
0x8d: {  	s2 =	sadd.s32 s2, s17  }
0x8e: {  	[smem:$0x3FC5] =	sst s2  }
0x8f: {  	_ = 	snop  }
0x90: {  	s2 =	sld [smem:$0x3FC8]  }
0x91: {  	s18 =	sld [smem:$0x3FC7]  }
0x92: {  	s4 =	sld [smem:$0x3FD0];
	(tm) =	ssettm $0x1  }
0x93: {  	s5 =	sld [smem:$0x3FFB];
	_ =	sdelay $0x3  }
0x94: {  	_ =	strace s5  }
0x95: {  	s5 =	sld [smem:$0x3FFC];
	_ =	sdelay $0x3  }
0x96: {  	_ =	strace s5  }
0x97: {  	s5 =	sld [smem:$0x3FFD];
	_ =	sdelay $0x3  }
0x98: {  	_ =	strace s5  }
0x99: {  	_ =	strace $0x8FFFFFFF  }
0x9a: {  	s19 =	sld [smem:$0x3FDB];
	_ =	sdelay $0x1  }
0x9b: {  	s6 =	simm.s32 $_scs_section_size  }
0x9c: {  	s7 =	simm.s32 $_size__tile_overlayer_lowered;
	s8 =	simm.s32 $_tile_overlayer_lowered  }
0x9d: {  	s22 =	simm.s32 $0x1BFF;
	s21 =	sshll.u32 s8, $0x1;
	s5 =	sadd.s32 s6, s19  }
0x9e: {  	s9 =	simm.s32 $0x0;
	s20 =	sshll.u32 s7, $0x1;
	s7 =	sadd.s32 s21, s5  }
0x9f: {  	[timem:s9], [sflag:s22] =	dma.local [hbm:s7], s20  }
0xa0: {  	_ =	swait.ge [sflag:s22], s20  }
0xa1: {  	s6 =	ssub.s32 $0x0, s20;
	[sflag:s22] =	ssyncset.done $0x0  }
0xa2: {  	[sflag:s22] =	ssyncadd.s32 s6;
	_ =	sdelay $0x1  }
0xa3: {  	s23 =	simm.s32 $0x1B8B  }
0xa4: {  	_ =	swait.ge [sflag:s23], $0x1  }
0xa5: {  	[sflag:s23] =	ssyncset.done $0x0  }
0xa6: {  	s25 =	simm.s32 $0x1B8E;
	s24 =	sld [smem:$0x3FFE];
	[sflag:s23] =	ssyncadd.s32 $0xFFFFFFFF  }
0xa7: {  	s26 =	simm.s32 $execute0_lowered;
	[smem:$0x3FD2] =	sst s25  }
0xa8: {  	s7 =	sshll.u32 s26, $0x1;
	_ =	strace $0x80000046;
	[dreg:$0x1] =	wrdreg $0xFFFFFFFF  }
0xa9: {  	s28 =	simm.s32 $_size_execute0_lowered;
	s5 =	sadd.s32 s5, s7;
	[dreg:$0x0] =	wrdreg $0x0  }
0xaa: {  	s7 =	sshll.u32 s28, $0x1;
	[dreg:$0x2] =	wrdreg s5  }
0xab: {  	[dreg:$0x3] =	wrdreg s7  }
0xac: {  	[dreg:$0x4] =	wrdreg $0xC0  }
0xad: {  	_ =	task [dreg:s9], $0x5FFFF  }
0xae: {  	[dreg:$0x1] =	wrdreg $0xFFFFFFFF  }
0xaf: {  	[dreg:$0x0] =	wrdreg $0x60  }
0xb0: {  	[dreg:$0x2] =	wrdreg s24  }
0xb1: {  	[dreg:$0x3] =	wrdreg s2  }
0xb2: {  	[dreg:$0x4] =	wrdreg s18  }
0xb3: {  	[dreg:$0x5] =	wrdreg s4  }
0xb4: {  	[dreg:$0x6] =	wrdreg $0x9  }
0xb5: {  	_ =	task.clear_ibuf [dreg:s9], $0x7FFFF;
	_ =	strace $0x90000046  }
0xb6: {  	s29 =	simm.s32 $0x9;
	_ =	strace $0x80000048  }
0xb7: {  	_ =	swait.ge [sflag:s29], $0x1  }
0xb8: {  	[sflag:s29] =	ssyncadd.s32 $0xFFFFFFFF  }
0xb9: {  	_ =	strace $0x90000048  }
0xba: {  	_ =	sfence  }
0xbb: {  	s30 =	sld [smem:$0x0];
	_ =	sdelay $0x2  }
0xbc: {  	s31 =	sshll.u32 s1, $0xD;
	s1 =	sshrl.u32 s1, $0x2  }
0xbd: {  	s3 =	sand.u32 $0x4000, s31;
	s1 =	sadd.s32 s1, s30  }
0xbe: {  	s0 =	sor.u32 s3, s0;
	s1 =	sshll.u32 s1, $0x11  }
0xbf: {  	s0 =	sor.u32 s1, s0  }
0xc0: {  	s0 =	sadd.s32 $0x8F2B, s0  }
0xc1: {  	[sflag:s0] =	ssyncadd.remote.s32 $0x1  }
0xc2: {  	_ =	sfence.sel $0xFFFF  }
0xc3: {  	[dreg:$0x0] =	wrdreg $0xFFFFFFFF;
	(pc) =	sbr.abs _section_cstart, $3  }
0xc4: {  	[dreg:$0x1] =	wrdreg $0xFFFFFFFF  }
0xc5: {  	_ =	task.clear_ibuf [dreg:s9], $0x2FFFF;
	_ =	strace $0x9FFFFFFF  }
0xc6: {  	(tm) =	ssettm $0x7FFFFFFF  }
0xc7: {  	_ =	shalt  }
tec
execute0_lowered:
.L_overlay_start_1:
0x0: {  	(tag) =	ssettag $0x1  }
0x1: {  	s0 =	rddreg [dreg:$0x0]  }
0x2: {  	s1 =	rddreg [dreg:$0x1]  }
0x3: {  	s2 =	srdreg.scid;
	s3 =	stileid.u32  }
0x4: {  	s4 =	rddreg [dreg:$0x3];
	s12 =	simm.s32 $0x0;
	s28 =	simm.s32 $0x258  }
0x5: {  	s29 =	simm.s32 $0x9;
	s2 =	sand.u32 $0x1, s2;
	s3 =	sshll.u32 s3, $0x1  }
0x6: {  	s30 =	simm.s32 $0x6780;
	s31 =	simm.s32 $0xA;
	s3 =	sor.u32 s2, s3  }
0x7: {  	[smem:$0x7FF] =	sst s12;
	s26 =	ssub.s32 $0x2, s2;
	s5 =	smul.u32 $0x1900, s3  }
0x8: {  	s6 =	sadd.s32 $0x400, s0;
	s7 =	sshrl.u32 s26, $0x1;
	s16 =	smul.u32 $0x19000, s3  }
0x9: {  	_ =	strace $0x80000047;
	s3 =	smul.u32 $0xC8000, s3;
	s0 =	ssub.s32 s26, s7  }
0xa: {  	s10 =	sshrl.u32 s5, $0x3;
	s8 =	sadd.s32 $0x190, s5;
	s14 =	sadd.s32 $0x258, s5  }
0xb: {  	s15 =	sadd.s32 $0x320, s5;
	s20 =	sadd.s32 $0x3E8, s5;
	s21 =	sor.u32 $0xC8, s5  }
0xc: {  	s22 =	sshrl.u32 s3, $0x3;
	s23 =	sadd.s32 $0x4B0, s5;
	[dreg:$0x5] =	wrdreg s8  }
0xd: {  	s24 =	sadd.s32 $0x578, s5;
	s0 =	smax.u32 s0, $0x1;
	[dreg:$0xc] =	wrdreg s20  }
0xe: {  	s3 =	simm.s32 $0x12F80;
	s9 =	sadd.s32 s6, s10;
	[dreg:$0xd] =	wrdreg s21  }
0xf: {  	s11 =	sshrl.u32 s8, $0x3;
	s18 =	smov.u32 s14;
	[dreg:$0xe] =	wrdreg s23  }
0x10: {  	s7 =	sshrl.u32 s14, $0x3;
	s19 =	smov.u32 s15;
	[dreg:$0xf] =	wrdreg s24  }
0x11: {  	s8 =	sshrl.u32 s15, $0x3;
	s20 =	sadd.s32 $0x640, s5;
	[dreg:$0x13] =	wrdreg s0  }
0x12: {  	s0 =	simm.s32 $0xB;
	s10 =	simm.s32 $0x1;
	s14 =	simm.s32 $0x19380  }
0x13: {  	s15 =	simm.s32 $0x2;
	[dreg:$0x6] =	wrdreg s9;
	s13 =	sadd.s32 $0x19, s9  }
0x14: {  	s21 =	simm.s32 $0x5;
	s2 =	sadd.s32 s6, s11;
	[dreg:$0x7] =	wrdreg s13  }
0x15: {  	s23 =	simm.s32 $0x6;
	s7 =	sadd.s32 s6, s7;
	[dreg:$0x8] =	wrdreg s2  }
0x16: {  	s24 =	simm.s32 $0x4;
	[dreg:$0x9] =	wrdreg s7;
	s2 =	sadd.s32 s4, s16  }
0x17: {  	s17 =	sadd.s32 s6, s8;
	[dreg:$0xb] =	wrdreg s2;
	s2 =	sadd.s32 s4, s22  }
0x18: {  	s8 =	simm.s32 $0x7;
	[dreg:$0xa] =	wrdreg s17;
	s25 =	sadd.s32 $0x16A80, s2  }
0x19: {  	s9 =	simm.s32 $0x8;
	s26 =	sadd.s32 $0x17700, s2;
	[dreg:$0x10] =	wrdreg s25  }
0x1a: {  	s13 =	simm.s32 $0xC;
	s2 =	sadd.s32 $0x18380, s2;
	[dreg:$0x11] =	wrdreg s26  }
0x1b: {  	s7 =	simm.s32 $0x0;
	s22 =	simm.s32 $0x3;
	[dreg:$0x12] =	wrdreg s2  }
0x1c: {  	s25 =	simm.s32 $0xC8;
	s26 =	simm.s32 $0x190;
	s2 =	simm.s32 $0xCB80  }
.LBB2_1:
0x1d: {  	[dreg:$0x14] =	wrdreg s7  }
0x1e: {  	s5 =	rddreg [dreg:$0x6]  }
0x1f: {  	[tilespmem:s12], [sflag:$0x9] =	stream.linear.gather [hbm4b:s5+s12], $0xC8, $0x38;
	[tilespmem:$0x1F780] =	vst v63  }
0x20: {  	s11 =	rddreg [dreg:$0x7]  }
0x21: {  	[tilespmem:s25], [sflag:$0xA] =	stream.linear.gather [hbm4b:s11+s12], $0xC8, $0x38;
	[tilespmem:$0x1F780] =	vst v63  }
0x22: {  	s16 =	rddreg [dreg:$0x8]  }
0x23: {  	[tilespmem:s26], [sflag:$0xB] =	stream.linear.gather [hbm4b:s16+s12], $0xC8, $0x38;
	[tilespmem:$0x1F780] =	vst v63  }
0x24: {  	s17 =	rddreg [dreg:$0x9]  }
0x25: {  	[tilespmem:s28], [sflag:$0xC] =	stream.linear.gather [hbm4b:s17+s12], $0xC8, $0x38;
	[tilespmem:$0x1F780] =	vst v63  }
0x26: {  	_ =	swait.ge [sflag:s29], $0xC8  }
0x27: {  	[sflag:s29] =	ssyncset.done $0x0  }
0x28: {  	[sflag:s29] =	ssyncadd.s32 $0xFFFFFF38  }
0x29: {  	[tilespmem:s30], [sflag:$0x1] =	stream.indirect.gather [hbm4b:s1+s25], $0x80, s12, s25, $0xb8;
	[tilespmem:$0x1F780] =	vst v63  }
0x2a: {  	_ =	swait.ge [sflag:s31], $0xC8  }
0x2b: {  	[sflag:s31] =	ssyncset.done $0x0  }
0x2c: {  	[sflag:s31] =	ssyncadd.s32 $0xFFFFFF38  }
0x2d: {  	[tilespmem:s2], [sflag:$0x2] =	stream.indirect.gather [hbm4b:s1+s25], $0x80, s25, s25, $0xb8;
	[tilespmem:$0x1F780] =	vst v63  }
0x2e: {  	_ =	swait.ge [sflag:s0], $0xC8  }
0x2f: {  	[sflag:s0] =	ssyncset.done $0x0  }
0x30: {  	[sflag:s0] =	ssyncadd.s32 $0xFFFFFF38  }
0x31: {  	[tilespmem:s3], [sflag:$0x3] =	stream.indirect.gather [hbm4b:s1+s25], $0x80, s26, s25, $0xb8;
	[tilespmem:$0x1F780] =	vst v63  }
0x32: {  	s11 =	simm.s32 $0x380;
	s16 =	simm.s32 $0xD;
	s7 =	rddreg [dreg:$0x2]  }
0x33: {  	[tilespmem:s11], [sflag:$0xD] =	stream.linear.gather [hbm4b:s7+s12], $0x6400, $0x38;
	[tilespmem:$0x1F780] =	vst v63  }
0x34: {  	_ =	swait.ge [sflag:s16], $0x6400  }
0x35: {  	[sflag:s16] =	ssyncset.done $0x0  }
0x36: {  	[sflag:s16] =	ssyncadd.s32 $0xFFFF9C00  }
0x37: {  	_ =	swait.ge [sflag:s10], $0x6400  }
0x38: {  	[sflag:s10] =	ssyncset.done $0x0  }
0x39: {  	s5 =	simm.s32 $0x0;
	s17 =	rddreg [dreg:$0xa];
	[sflag:s10] =	ssyncadd.s32 $0xFFFF9C00  }
0x3a: {  	[tilespmem:s12], [sflag:$0x9] =	stream.linear.gather [hbm4b:s17+s12], $0xC8, $0x38;
	[tilespmem:$0x1F780] =	vst v63  }
0x3b: {  	v0 =	vld [tilespmem:s5+$0x470]  }
0x3c: {  	v1 =	vld [tilespmem:s5+$0x380]  }
0x3d: {  	v2 =	vld [tilespmem:s5+$0x390]  }
0x3e: {  	v3 =	vld [tilespmem:s5+$0x3A0]  }
0x3f: {  	v4 =	vld [tilespmem:s5+$0x3B0]  }
0x40: {  	v5 =	vld [tilespmem:s5+$0x3C0]  }
0x41: {  	v6 =	vld [tilespmem:s5+$0x3D0]  }
0x42: {  	v7 =	vld [tilespmem:s5+$0x3E0]  }
0x43: {  	v8 =	vld [tilespmem:s5+$0x3F0]  }
0x44: {  	v9 =	vld [tilespmem:s5+$0x400]  }
0x45: {  	v10 =	vld [tilespmem:s5+$0x410]  }
0x46: {  	v11 =	vld [tilespmem:s5+$0x420]  }
0x47: {  	v12 =	vld [tilespmem:s5+$0x430]  }
0x48: {  	v13 =	vld [tilespmem:s5+$0x440]  }
0x49: {  	v14 =	vld [tilespmem:s5+$0x450]  }
0x4a: {  	[tilespmem:s5+$0x6870] =	vst.add.f32.msk $0xffff, v0  }
0x4b: {  	v0 =	vld [tilespmem:s5+$0x460]  }
0x4c: {  	[tilespmem:s5+$0x6780] =	vst.add.f32.msk $0xffff, v1  }
0x4d: {  	[tilespmem:s5+$0x6790] =	vst.add.f32.msk $0xffff, v2  }
0x4e: {  	[tilespmem:s5+$0x67A0] =	vst.add.f32.msk $0xffff, v3  }
0x4f: {  	[tilespmem:s5+$0x67B0] =	vst.add.f32.msk $0xffff, v4  }
0x50: {  	[tilespmem:s5+$0x67C0] =	vst.add.f32.msk $0xffff, v5  }
0x51: {  	[tilespmem:s5+$0x67D0] =	vst.add.f32.msk $0xffff, v6  }
0x52: {  	[tilespmem:s5+$0x67E0] =	vst.add.f32.msk $0xffff, v7  }
0x53: {  	[tilespmem:s5+$0x67F0] =	vst.add.f32.msk $0xffff, v8  }
0x54: {  	[tilespmem:s5+$0x6800] =	vst.add.f32.msk $0xffff, v9  }
0x55: {  	[tilespmem:s5+$0x6810] =	vst.add.f32.msk $0xffff, v10  }
0x56: {  	[tilespmem:s5+$0x6820] =	vst.add.f32.msk $0xffff, v11  }
0x57: {  	[tilespmem:s5+$0x6830] =	vst.add.f32.msk $0xffff, v12  }
0x58: {  	[tilespmem:s5+$0x6840] =	vst.add.f32.msk $0xffff, v13  }
0x59: {  	s7 =	simm.s32 $0x0;
	s11 =	simm.s32 $0x400;
	[tilespmem:s5+$0x6850] =	vst.add.f32.msk $0xffff, v14  }
.LBB2_2:
0x5a: {  	s7 =	sadd.s32 $0x2, s7;
	[tilespmem:s5+$0x6860] =	vst.add.f32.msk $0xffff, v0;
	s5 =	sshra.s32 s11, $0x2  }
0x5b: {  	v0 =	vld [tilespmem:s5+$0x470];
	p0 =	slt.u32 s7, $0xC6  }
0x5c: {  	v1 =	vld [tilespmem:s5+$0x380]  }
0x5d: {  	v2 =	vld [tilespmem:s5+$0x390]  }
0x5e: {  	v3 =	vld [tilespmem:s5+$0x3A0]  }
0x5f: {  	v4 =	vld [tilespmem:s5+$0x3B0]  }
0x60: {  	[tilespmem:s5+$0x6870] =	vst.add.f32.msk $0xffff, v0  }
0x61: {  	v5 =	vld [tilespmem:s5+$0x3C0]  }
0x62: {  	v6 =	vld [tilespmem:s5+$0x3D0]  }
0x63: {  	v7 =	vld [tilespmem:s5+$0x3E0]  }
0x64: {  	v8 =	vld [tilespmem:s5+$0x3F0]  }
0x65: {  	v9 =	vld [tilespmem:s5+$0x400]  }
0x66: {  	v10 =	vld [tilespmem:s5+$0x410]  }
0x67: {  	v11 =	vld [tilespmem:s5+$0x420]  }
0x68: {  	v12 =	vld [tilespmem:s5+$0x430]  }
0x69: {  	v13 =	vld [tilespmem:s5+$0x440]  }
0x6a: {  	v14 =	vld [tilespmem:s5+$0x450]  }
0x6b: {  	v0 =	vld [tilespmem:s5+$0x460]  }
0x6c: {  	[tilespmem:s5+$0x6780] =	vst.add.f32.msk $0xffff, v1  }
0x6d: {  	[tilespmem:s5+$0x6790] =	vst.add.f32.msk $0xffff, v2  }
0x6e: {  	[tilespmem:s5+$0x67A0] =	vst.add.f32.msk $0xffff, v3  }
0x6f: {  	[tilespmem:s5+$0x67B0] =	vst.add.f32.msk $0xffff, v4  }
0x70: {  	[tilespmem:s5+$0x67C0] =	vst.add.f32.msk $0xffff, v5  }
0x71: {  	[tilespmem:s5+$0x67D0] =	vst.add.f32.msk $0xffff, v6  }
0x72: {  	[tilespmem:s5+$0x67E0] =	vst.add.f32.msk $0xffff, v7  }
0x73: {  	[tilespmem:s5+$0x67F0] =	vst.add.f32.msk $0xffff, v8  }
0x74: {  	[tilespmem:s5+$0x6800] =	vst.add.f32.msk $0xffff, v9  }
.Ltmp0:
0x75: {  	[tilespmem:s5+$0x6810] =	vst.add.f32.msk $0xffff, v10;
	(pc) =	sbr.rel @p0 .LBB2_2-.Ltmp0, $4  }
0x76: {  	[tilespmem:s5+$0x6820] =	vst.add.f32.msk $0xffff, v11  }
0x77: {  	[tilespmem:s5+$0x6830] =	vst.add.f32.msk $0xffff, v12  }
0x78: {  	[tilespmem:s5+$0x6840] =	vst.add.f32.msk $0xffff, v13  }
0x79: {  	s11 =	sadd.s32 $0x400, s11;
	[tilespmem:s5+$0x6850] =	vst.add.f32.msk $0xffff, v14  }
0x7a: {  	[tilespmem:s5+$0x6860] =	vst.add.f32.msk $0xffff, v0  }
0x7b: {  	s5 =	simm.s32 $0x0;
	s7 =	rddreg [dreg:$0xb]  }
0x7c: {  	[hbm4b:s7+s5] =	stream.linear.scatter [tilespmem:s30], [sflag:$0x5], $0x6400, $0x38;
	[tilespmem:$0x1F780] =	vst v63  }
0x7d: {  	_ =	swait.ge [sflag:s13], $0xC8  }
0x7e: {  	[sflag:s13] =	ssyncset.done $0x0  }
0x7f: {  	s7 =	simm.s32 $0x0;
	[sflag:s13] =	ssyncadd.s32 $0xFFFFFF38  }
0x80: {  	[tilespmem:s14], [sflag:$0x4] =	stream.indirect.gather [hbm4b:s1+s25], $0x80, s28, s25, $0xb8;
	[tilespmem:$0x1F780] =	vst v63  }
.LBB2_4:
0x81: {  	s11 =	smul.u32 $0x320, s7;
	_ =	swait.ge [sflag:s15], $0x6400  }
0x82: {  	s12 =	rddreg [dreg:$0xc]  }
0x83: {  	s12 =	sadd.s32 s11, s12  }
0x84: {  	[sflag:s15] =	ssyncset.done $0x0;
	s12 =	sshrl.u32 s12, $0x3  }
0x85: {  	[sflag:s15] =	ssyncadd.s32 $0xFFFF9C00;
	s12 =	sadd.s32 s6, s12  }
0x86: {  	[tilespmem:s25], [sflag:$0xA] =	stream.linear.gather [hbm4b:s12+s5], $0xC8, $0x38;
	[tilespmem:$0x1F780] =	vst v63  }
0x87: {  	s12 =	simm.s32 $0x0  }
0x88: {  	v0 =	vld [tilespmem:s12+$0x470]  }
0x89: {  	v1 =	vld [tilespmem:s12+$0x380]  }
0x8a: {  	v2 =	vld [tilespmem:s12+$0x390]  }
0x8b: {  	v3 =	vld [tilespmem:s12+$0x3A0]  }
0x8c: {  	v4 =	vld [tilespmem:s12+$0x3B0]  }
0x8d: {  	v5 =	vld [tilespmem:s12+$0x3C0]  }
0x8e: {  	v6 =	vld [tilespmem:s12+$0x3D0]  }
0x8f: {  	v7 =	vld [tilespmem:s12+$0x3E0]  }
0x90: {  	v8 =	vld [tilespmem:s12+$0x3F0]  }
0x91: {  	v9 =	vld [tilespmem:s12+$0x400]  }
0x92: {  	v10 =	vld [tilespmem:s12+$0x410]  }
0x93: {  	v11 =	vld [tilespmem:s12+$0x420]  }
0x94: {  	v12 =	vld [tilespmem:s12+$0x430]  }
0x95: {  	v13 =	vld [tilespmem:s12+$0x440]  }
0x96: {  	v14 =	vld [tilespmem:s12+$0x450]  }
0x97: {  	[tilespmem:s12+$0xCC70] =	vst.add.f32.msk $0xffff, v0  }
0x98: {  	v0 =	vld [tilespmem:s12+$0x460]  }
0x99: {  	[tilespmem:s12+$0xCB80] =	vst.add.f32.msk $0xffff, v1  }
0x9a: {  	[tilespmem:s12+$0xCB90] =	vst.add.f32.msk $0xffff, v2  }
0x9b: {  	[tilespmem:s12+$0xCBA0] =	vst.add.f32.msk $0xffff, v3  }
0x9c: {  	[tilespmem:s12+$0xCBB0] =	vst.add.f32.msk $0xffff, v4  }
0x9d: {  	[tilespmem:s12+$0xCBC0] =	vst.add.f32.msk $0xffff, v5  }
0x9e: {  	[tilespmem:s12+$0xCBD0] =	vst.add.f32.msk $0xffff, v6  }
0x9f: {  	[tilespmem:s12+$0xCBE0] =	vst.add.f32.msk $0xffff, v7  }
0xa0: {  	[tilespmem:s12+$0xCBF0] =	vst.add.f32.msk $0xffff, v8  }
0xa1: {  	[tilespmem:s12+$0xCC00] =	vst.add.f32.msk $0xffff, v9  }
0xa2: {  	[tilespmem:s12+$0xCC10] =	vst.add.f32.msk $0xffff, v10  }
0xa3: {  	[tilespmem:s12+$0xCC20] =	vst.add.f32.msk $0xffff, v11  }
0xa4: {  	[tilespmem:s12+$0xCC30] =	vst.add.f32.msk $0xffff, v12  }
0xa5: {  	[tilespmem:s12+$0xCC40] =	vst.add.f32.msk $0xffff, v13  }
0xa6: {  	s16 =	simm.s32 $0x0;
	s17 =	simm.s32 $0x400;
	[tilespmem:s12+$0xCC50] =	vst.add.f32.msk $0xffff, v14  }
.LBB2_5:
0xa7: {  	s16 =	sadd.s32 $0x2, s16;
	[tilespmem:s12+$0xCC60] =	vst.add.f32.msk $0xffff, v0;
	s12 =	sshra.s32 s17, $0x2  }
0xa8: {  	v0 =	vld [tilespmem:s12+$0x470];
	p0 =	slt.u32 s16, $0xC6  }
0xa9: {  	v1 =	vld [tilespmem:s12+$0x380]  }
0xaa: {  	v2 =	vld [tilespmem:s12+$0x390]  }
0xab: {  	v3 =	vld [tilespmem:s12+$0x3A0]  }
0xac: {  	v4 =	vld [tilespmem:s12+$0x3B0]  }
0xad: {  	[tilespmem:s12+$0xCC70] =	vst.add.f32.msk $0xffff, v0  }
0xae: {  	v5 =	vld [tilespmem:s12+$0x3C0]  }
0xaf: {  	v6 =	vld [tilespmem:s12+$0x3D0]  }
0xb0: {  	v7 =	vld [tilespmem:s12+$0x3E0]  }
0xb1: {  	v8 =	vld [tilespmem:s12+$0x3F0]  }
0xb2: {  	v9 =	vld [tilespmem:s12+$0x400]  }
0xb3: {  	v10 =	vld [tilespmem:s12+$0x410]  }
0xb4: {  	v11 =	vld [tilespmem:s12+$0x420]  }
0xb5: {  	v12 =	vld [tilespmem:s12+$0x430]  }
0xb6: {  	v13 =	vld [tilespmem:s12+$0x440]  }
0xb7: {  	v14 =	vld [tilespmem:s12+$0x450]  }
0xb8: {  	v0 =	vld [tilespmem:s12+$0x460]  }
0xb9: {  	[tilespmem:s12+$0xCB80] =	vst.add.f32.msk $0xffff, v1  }
0xba: {  	[tilespmem:s12+$0xCB90] =	vst.add.f32.msk $0xffff, v2  }
0xbb: {  	[tilespmem:s12+$0xCBA0] =	vst.add.f32.msk $0xffff, v3  }
0xbc: {  	[tilespmem:s12+$0xCBB0] =	vst.add.f32.msk $0xffff, v4  }
0xbd: {  	[tilespmem:s12+$0xCBC0] =	vst.add.f32.msk $0xffff, v5  }
0xbe: {  	[tilespmem:s12+$0xCBD0] =	vst.add.f32.msk $0xffff, v6  }
0xbf: {  	[tilespmem:s12+$0xCBE0] =	vst.add.f32.msk $0xffff, v7  }
0xc0: {  	[tilespmem:s12+$0xCBF0] =	vst.add.f32.msk $0xffff, v8  }
0xc1: {  	[tilespmem:s12+$0xCC00] =	vst.add.f32.msk $0xffff, v9  }
.Ltmp1:
0xc2: {  	[tilespmem:s12+$0xCC10] =	vst.add.f32.msk $0xffff, v10;
	(pc) =	sbr.rel @p0 .LBB2_5-.Ltmp1, $4  }
0xc3: {  	[tilespmem:s12+$0xCC20] =	vst.add.f32.msk $0xffff, v11  }
0xc4: {  	[tilespmem:s12+$0xCC30] =	vst.add.f32.msk $0xffff, v12  }
0xc5: {  	[tilespmem:s12+$0xCC40] =	vst.add.f32.msk $0xffff, v13  }
0xc6: {  	s17 =	sadd.s32 $0x400, s17;
	[tilespmem:s12+$0xCC50] =	vst.add.f32.msk $0xffff, v14  }
0xc7: {  	s16 =	rddreg [dreg:$0xd]  }
0xc8: {  	s16 =	sadd.s32 s11, s16  }
0xc9: {  	s16 =	sshll.u32 s16, $0x4  }
0xca: {  	[tilespmem:s12+$0xCC60] =	vst.add.f32.msk $0xffff, v0;
	s17 =	sadd.s32 s4, s16;
	s16 =	simm.s32 $0x0  }
0xcb: {  	[hbm4b:s17+s16] =	stream.linear.scatter [tilespmem:s2], [sflag:$0x6], $0x6400, $0x38;
	[tilespmem:$0x1F780] =	vst v63  }
0xcc: {  	_ =	swait.ge [sflag:s21], $0x6400  }
0xcd: {  	[sflag:s21] =	ssyncset.done $0x0  }
0xce: {  	[sflag:s21] =	ssyncadd.s32 $0xFFFF9C00  }
0xcf: {  	_ =	swait.ge [sflag:s29], $0xC8  }
0xd0: {  	[sflag:s29] =	ssyncset.done $0x0  }
0xd1: {  	[sflag:s29] =	ssyncadd.s32 $0xFFFFFF38  }
0xd2: {  	[tilespmem:s30], [sflag:$0x1] =	stream.indirect.gather [hbm4b:s1+s25], $0x80, s16, s25, $0xb8;
	[tilespmem:$0x1F780] =	vst v63  }
0xd3: {  	_ =	swait.ge [sflag:s22], $0x6400  }
0xd4: {  	s17 =	rddreg [dreg:$0xe]  }
0xd5: {  	s12 =	sadd.s32 s11, s17  }
0xd6: {  	[sflag:s22] =	ssyncset.done $0x0;
	s12 =	sshrl.u32 s12, $0x3  }
0xd7: {  	[sflag:s22] =	ssyncadd.s32 $0xFFFF9C00;
	s12 =	sadd.s32 s6, s12  }
0xd8: {  	[tilespmem:s26], [sflag:$0xB] =	stream.linear.gather [hbm4b:s12+s16], $0xC8, $0x38;
	[tilespmem:$0x1F780] =	vst v63  }
0xd9: {  	s12 =	simm.s32 $0x0  }
0xda: {  	v0 =	vld [tilespmem:s12+$0x470]  }
0xdb: {  	v1 =	vld [tilespmem:s12+$0x380]  }
0xdc: {  	v2 =	vld [tilespmem:s12+$0x390]  }
0xdd: {  	v3 =	vld [tilespmem:s12+$0x3A0]  }
0xde: {  	v4 =	vld [tilespmem:s12+$0x3B0]  }
0xdf: {  	v5 =	vld [tilespmem:s12+$0x3C0]  }
0xe0: {  	v6 =	vld [tilespmem:s12+$0x3D0]  }
0xe1: {  	v7 =	vld [tilespmem:s12+$0x3E0]  }
0xe2: {  	v8 =	vld [tilespmem:s12+$0x3F0]  }
0xe3: {  	v9 =	vld [tilespmem:s12+$0x400]  }
0xe4: {  	v10 =	vld [tilespmem:s12+$0x410]  }
0xe5: {  	v11 =	vld [tilespmem:s12+$0x420]  }
0xe6: {  	v12 =	vld [tilespmem:s12+$0x430]  }
0xe7: {  	v13 =	vld [tilespmem:s12+$0x440]  }
0xe8: {  	v14 =	vld [tilespmem:s12+$0x450]  }
0xe9: {  	[tilespmem:s12+$0x13070] =	vst.add.f32.msk $0xffff, v0  }
0xea: {  	v0 =	vld [tilespmem:s12+$0x460]  }
0xeb: {  	[tilespmem:s12+$0x12F80] =	vst.add.f32.msk $0xffff, v1  }
0xec: {  	[tilespmem:s12+$0x12F90] =	vst.add.f32.msk $0xffff, v2  }
0xed: {  	[tilespmem:s12+$0x12FA0] =	vst.add.f32.msk $0xffff, v3  }
0xee: {  	[tilespmem:s12+$0x12FB0] =	vst.add.f32.msk $0xffff, v4  }
0xef: {  	[tilespmem:s12+$0x12FC0] =	vst.add.f32.msk $0xffff, v5  }
0xf0: {  	[tilespmem:s12+$0x12FD0] =	vst.add.f32.msk $0xffff, v6  }
0xf1: {  	[tilespmem:s12+$0x12FE0] =	vst.add.f32.msk $0xffff, v7  }
0xf2: {  	[tilespmem:s12+$0x12FF0] =	vst.add.f32.msk $0xffff, v8  }
0xf3: {  	[tilespmem:s12+$0x13000] =	vst.add.f32.msk $0xffff, v9  }
0xf4: {  	[tilespmem:s12+$0x13010] =	vst.add.f32.msk $0xffff, v10  }
0xf5: {  	[tilespmem:s12+$0x13020] =	vst.add.f32.msk $0xffff, v11  }
0xf6: {  	[tilespmem:s12+$0x13030] =	vst.add.f32.msk $0xffff, v12  }
0xf7: {  	[tilespmem:s12+$0x13040] =	vst.add.f32.msk $0xffff, v13  }
0xf8: {  	s17 =	simm.s32 $0x400;
	s16 =	simm.s32 $0x0;
	[tilespmem:s12+$0x13050] =	vst.add.f32.msk $0xffff, v14  }
.LBB2_7:
0xf9: {  	s16 =	sadd.s32 $0x2, s16;
	[tilespmem:s12+$0x13060] =	vst.add.f32.msk $0xffff, v0;
	s12 =	sshra.s32 s17, $0x2  }
0xfa: {  	v0 =	vld [tilespmem:s12+$0x470];
	p0 =	slt.u32 s16, $0xC6  }
0xfb: {  	v1 =	vld [tilespmem:s12+$0x380]  }
0xfc: {  	v2 =	vld [tilespmem:s12+$0x390]  }
0xfd: {  	v3 =	vld [tilespmem:s12+$0x3A0]  }
0xfe: {  	v4 =	vld [tilespmem:s12+$0x3B0]  }
0xff: {  	[tilespmem:s12+$0x13070] =	vst.add.f32.msk $0xffff, v0  }
0x100: {  	v5 =	vld [tilespmem:s12+$0x3C0]  }
0x101: {  	v6 =	vld [tilespmem:s12+$0x3D0]  }
0x102: {  	v7 =	vld [tilespmem:s12+$0x3E0]  }
0x103: {  	v8 =	vld [tilespmem:s12+$0x3F0]  }
0x104: {  	v9 =	vld [tilespmem:s12+$0x400]  }
0x105: {  	v10 =	vld [tilespmem:s12+$0x410]  }
0x106: {  	v11 =	vld [tilespmem:s12+$0x420]  }
0x107: {  	v12 =	vld [tilespmem:s12+$0x430]  }
0x108: {  	v13 =	vld [tilespmem:s12+$0x440]  }
0x109: {  	v14 =	vld [tilespmem:s12+$0x450]  }
0x10a: {  	v0 =	vld [tilespmem:s12+$0x460]  }
0x10b: {  	[tilespmem:s12+$0x12F80] =	vst.add.f32.msk $0xffff, v1  }
0x10c: {  	[tilespmem:s12+$0x12F90] =	vst.add.f32.msk $0xffff, v2  }
0x10d: {  	[tilespmem:s12+$0x12FA0] =	vst.add.f32.msk $0xffff, v3  }
0x10e: {  	[tilespmem:s12+$0x12FB0] =	vst.add.f32.msk $0xffff, v4  }
0x10f: {  	[tilespmem:s12+$0x12FC0] =	vst.add.f32.msk $0xffff, v5  }
0x110: {  	[tilespmem:s12+$0x12FD0] =	vst.add.f32.msk $0xffff, v6  }
0x111: {  	[tilespmem:s12+$0x12FE0] =	vst.add.f32.msk $0xffff, v7  }
0x112: {  	[tilespmem:s12+$0x12FF0] =	vst.add.f32.msk $0xffff, v8  }
0x113: {  	[tilespmem:s12+$0x13000] =	vst.add.f32.msk $0xffff, v9  }
.Ltmp2:
0x114: {  	[tilespmem:s12+$0x13010] =	vst.add.f32.msk $0xffff, v10;
	(pc) =	sbr.rel @p0 .LBB2_7-.Ltmp2, $4  }
0x115: {  	[tilespmem:s12+$0x13020] =	vst.add.f32.msk $0xffff, v11  }
0x116: {  	[tilespmem:s12+$0x13030] =	vst.add.f32.msk $0xffff, v12  }
0x117: {  	[tilespmem:s12+$0x13040] =	vst.add.f32.msk $0xffff, v13  }
0x118: {  	s17 =	sadd.s32 $0x400, s17;
	[tilespmem:s12+$0x13050] =	vst.add.f32.msk $0xffff, v14  }
0x119: {  	s16 =	rddreg [dreg:$0x5]  }
0x11a: {  	s16 =	sadd.s32 s11, s16  }
0x11b: {  	s16 =	sshll.u32 s16, $0x4  }
0x11c: {  	[tilespmem:s12+$0x13060] =	vst.add.f32.msk $0xffff, v0;
	s17 =	sadd.s32 s4, s16;
	s16 =	simm.s32 $0x0  }
0x11d: {  	[hbm4b:s17+s16] =	stream.linear.scatter [tilespmem:s3], [sflag:$0x7], $0x6400, $0x38;
	[tilespmem:$0x1F780] =	vst v63  }
0x11e: {  	_ =	swait.ge [sflag:s23], $0x6400  }
0x11f: {  	[sflag:s23] =	ssyncset.done $0x0  }
0x120: {  	[sflag:s23] =	ssyncadd.s32 $0xFFFF9C00  }
0x121: {  	_ =	swait.ge [sflag:s31], $0xC8  }
0x122: {  	[sflag:s31] =	ssyncset.done $0x0  }
0x123: {  	[sflag:s31] =	ssyncadd.s32 $0xFFFFFF38  }
0x124: {  	[tilespmem:s2], [sflag:$0x2] =	stream.indirect.gather [hbm4b:s1+s25], $0x80, s25, s25, $0xb8;
	[tilespmem:$0x1F780] =	vst v63  }
0x125: {  	_ =	swait.ge [sflag:s24], $0x6400  }
0x126: {  	s17 =	rddreg [dreg:$0xf]  }
0x127: {  	s12 =	sadd.s32 s11, s17  }
0x128: {  	[sflag:s24] =	ssyncset.done $0x0;
	s12 =	sshrl.u32 s12, $0x3  }
0x129: {  	[sflag:s24] =	ssyncadd.s32 $0xFFFF9C00;
	s12 =	sadd.s32 s6, s12  }
0x12a: {  	[tilespmem:s28], [sflag:$0xC] =	stream.linear.gather [hbm4b:s12+s16], $0xC8, $0x38;
	[tilespmem:$0x1F780] =	vst v63  }
0x12b: {  	s12 =	simm.s32 $0x0  }
0x12c: {  	v0 =	vld [tilespmem:s12+$0x470]  }
0x12d: {  	v1 =	vld [tilespmem:s12+$0x380]  }
0x12e: {  	v2 =	vld [tilespmem:s12+$0x390]  }
0x12f: {  	v3 =	vld [tilespmem:s12+$0x3A0]  }
0x130: {  	v4 =	vld [tilespmem:s12+$0x3B0]  }
0x131: {  	v5 =	vld [tilespmem:s12+$0x3C0]  }
0x132: {  	v6 =	vld [tilespmem:s12+$0x3D0]  }
0x133: {  	v7 =	vld [tilespmem:s12+$0x3E0]  }
0x134: {  	v8 =	vld [tilespmem:s12+$0x3F0]  }
0x135: {  	v9 =	vld [tilespmem:s12+$0x400]  }
0x136: {  	v10 =	vld [tilespmem:s12+$0x410]  }
0x137: {  	v11 =	vld [tilespmem:s12+$0x420]  }
0x138: {  	v12 =	vld [tilespmem:s12+$0x430]  }
0x139: {  	v13 =	vld [tilespmem:s12+$0x440]  }
0x13a: {  	v14 =	vld [tilespmem:s12+$0x450]  }
0x13b: {  	[tilespmem:s12+$0x19470] =	vst.add.f32.msk $0xffff, v0  }
0x13c: {  	v0 =	vld [tilespmem:s12+$0x460]  }
0x13d: {  	[tilespmem:s12+$0x19380] =	vst.add.f32.msk $0xffff, v1  }
0x13e: {  	[tilespmem:s12+$0x19390] =	vst.add.f32.msk $0xffff, v2  }
0x13f: {  	[tilespmem:s12+$0x193A0] =	vst.add.f32.msk $0xffff, v3  }
0x140: {  	[tilespmem:s12+$0x193B0] =	vst.add.f32.msk $0xffff, v4  }
0x141: {  	[tilespmem:s12+$0x193C0] =	vst.add.f32.msk $0xffff, v5  }
0x142: {  	[tilespmem:s12+$0x193D0] =	vst.add.f32.msk $0xffff, v6  }
0x143: {  	[tilespmem:s12+$0x193E0] =	vst.add.f32.msk $0xffff, v7  }
0x144: {  	[tilespmem:s12+$0x193F0] =	vst.add.f32.msk $0xffff, v8  }
0x145: {  	[tilespmem:s12+$0x19400] =	vst.add.f32.msk $0xffff, v9  }
0x146: {  	[tilespmem:s12+$0x19410] =	vst.add.f32.msk $0xffff, v10  }
0x147: {  	[tilespmem:s12+$0x19420] =	vst.add.f32.msk $0xffff, v11  }
0x148: {  	[tilespmem:s12+$0x19430] =	vst.add.f32.msk $0xffff, v12  }
0x149: {  	[tilespmem:s12+$0x19440] =	vst.add.f32.msk $0xffff, v13  }
0x14a: {  	s17 =	simm.s32 $0x400;
	s16 =	simm.s32 $0x0;
	[tilespmem:s12+$0x19450] =	vst.add.f32.msk $0xffff, v14  }
.LBB2_9:
0x14b: {  	s16 =	sadd.s32 $0x2, s16;
	[tilespmem:s12+$0x19460] =	vst.add.f32.msk $0xffff, v0;
	s12 =	sshra.s32 s17, $0x2  }
0x14c: {  	v0 =	vld [tilespmem:s12+$0x470];
	p0 =	slt.u32 s16, $0xC6  }
0x14d: {  	v1 =	vld [tilespmem:s12+$0x380]  }
0x14e: {  	v2 =	vld [tilespmem:s12+$0x390]  }
0x14f: {  	v3 =	vld [tilespmem:s12+$0x3A0]  }
0x150: {  	v4 =	vld [tilespmem:s12+$0x3B0]  }
0x151: {  	[tilespmem:s12+$0x19470] =	vst.add.f32.msk $0xffff, v0  }
0x152: {  	v5 =	vld [tilespmem:s12+$0x3C0]  }
0x153: {  	v6 =	vld [tilespmem:s12+$0x3D0]  }
0x154: {  	v7 =	vld [tilespmem:s12+$0x3E0]  }
0x155: {  	v8 =	vld [tilespmem:s12+$0x3F0]  }
0x156: {  	v9 =	vld [tilespmem:s12+$0x400]  }
0x157: {  	v10 =	vld [tilespmem:s12+$0x410]  }
0x158: {  	v11 =	vld [tilespmem:s12+$0x420]  }
0x159: {  	v12 =	vld [tilespmem:s12+$0x430]  }
0x15a: {  	v13 =	vld [tilespmem:s12+$0x440]  }
0x15b: {  	v14 =	vld [tilespmem:s12+$0x450]  }
0x15c: {  	v0 =	vld [tilespmem:s12+$0x460]  }
0x15d: {  	[tilespmem:s12+$0x19380] =	vst.add.f32.msk $0xffff, v1  }
0x15e: {  	[tilespmem:s12+$0x19390] =	vst.add.f32.msk $0xffff, v2  }
0x15f: {  	[tilespmem:s12+$0x193A0] =	vst.add.f32.msk $0xffff, v3  }
0x160: {  	[tilespmem:s12+$0x193B0] =	vst.add.f32.msk $0xffff, v4  }
0x161: {  	[tilespmem:s12+$0x193C0] =	vst.add.f32.msk $0xffff, v5  }
0x162: {  	[tilespmem:s12+$0x193D0] =	vst.add.f32.msk $0xffff, v6  }
0x163: {  	[tilespmem:s12+$0x193E0] =	vst.add.f32.msk $0xffff, v7  }
0x164: {  	[tilespmem:s12+$0x193F0] =	vst.add.f32.msk $0xffff, v8  }
0x165: {  	[tilespmem:s12+$0x19400] =	vst.add.f32.msk $0xffff, v9  }
.Ltmp3:
0x166: {  	[tilespmem:s12+$0x19410] =	vst.add.f32.msk $0xffff, v10;
	(pc) =	sbr.rel @p0 .LBB2_9-.Ltmp3, $4  }
0x167: {  	[tilespmem:s12+$0x19420] =	vst.add.f32.msk $0xffff, v11  }
0x168: {  	[tilespmem:s12+$0x19430] =	vst.add.f32.msk $0xffff, v12  }
0x169: {  	[tilespmem:s12+$0x19440] =	vst.add.f32.msk $0xffff, v13  }
0x16a: {  	s17 =	sadd.s32 $0x400, s17;
	[tilespmem:s12+$0x19450] =	vst.add.f32.msk $0xffff, v14  }
0x16b: {  	s16 =	sadd.s32 s11, s18  }
0x16c: {  	s16 =	sshll.u32 s16, $0x4  }
0x16d: {  	[tilespmem:s12+$0x19460] =	vst.add.f32.msk $0xffff, v0;
	s17 =	sadd.s32 s4, s16;
	s16 =	simm.s32 $0x0  }
0x16e: {  	[hbm4b:s17+s16] =	stream.linear.scatter [tilespmem:s14], [sflag:$0x8], $0x6400, $0x38;
	[tilespmem:$0x1F780] =	vst v63  }
0x16f: {  	_ =	swait.ge [sflag:s8], $0x6400  }
0x170: {  	[sflag:s8] =	ssyncset.done $0x0  }
0x171: {  	[sflag:s8] =	ssyncadd.s32 $0xFFFF9C00  }
0x172: {  	s17 =	sshll.u32 s7, $0x2;
	_ =	swait.ge [sflag:s0], $0xC8  }
0x173: {  	s12 =	smin.u32 s17, $0x17;
	[sflag:s0] =	ssyncset.done $0x0  }
0x174: {  	s12 =	smul.u32 $0xC8, s12;
	[sflag:s0] =	ssyncadd.s32 $0xFFFFFF38  }
0x175: {  	[tilespmem:s3], [sflag:$0x3] =	stream.indirect.gather [hbm4b:s1+s25], $0x80, s26, s25, $0xb8;
	[tilespmem:$0x1F780] =	vst v63  }
0x176: {  	s12 =	sadd.s32 s12, s20;
	_ =	swait.ge [sflag:s10], $0x6400  }
0x177: {  	s12 =	sshrl.u32 s12, $0x3;
	[sflag:s10] =	ssyncset.done $0x0  }
0x178: {  	s12 =	sadd.s32 s6, s12;
	[sflag:s10] =	ssyncadd.s32 $0xFFFF9C00  }
0x179: {  	[tilespmem:s16], [sflag:$0x9] =	stream.linear.gather [hbm4b:s12+s16], $0xC8, $0x38;
	[tilespmem:$0x1F780] =	vst v63  }
0x17a: {  	s12 =	simm.s32 $0x0  }
0x17b: {  	v0 =	vld [tilespmem:s12+$0x470]  }
0x17c: {  	v1 =	vld [tilespmem:s12+$0x380]  }
0x17d: {  	v2 =	vld [tilespmem:s12+$0x390]  }
0x17e: {  	v3 =	vld [tilespmem:s12+$0x3A0]  }
0x17f: {  	v4 =	vld [tilespmem:s12+$0x3B0]  }
0x180: {  	v5 =	vld [tilespmem:s12+$0x3C0]  }
0x181: {  	v6 =	vld [tilespmem:s12+$0x3D0]  }
0x182: {  	v7 =	vld [tilespmem:s12+$0x3E0]  }
0x183: {  	v8 =	vld [tilespmem:s12+$0x3F0]  }
0x184: {  	v9 =	vld [tilespmem:s12+$0x400]  }
0x185: {  	v10 =	vld [tilespmem:s12+$0x410]  }
0x186: {  	v11 =	vld [tilespmem:s12+$0x420]  }
0x187: {  	v12 =	vld [tilespmem:s12+$0x430]  }
0x188: {  	v13 =	vld [tilespmem:s12+$0x440]  }
0x189: {  	v14 =	vld [tilespmem:s12+$0x450]  }
0x18a: {  	[tilespmem:s12+$0x6870] =	vst.add.f32.msk $0xffff, v0  }
0x18b: {  	v0 =	vld [tilespmem:s12+$0x460]  }
0x18c: {  	[tilespmem:s12+$0x6780] =	vst.add.f32.msk $0xffff, v1  }
0x18d: {  	[tilespmem:s12+$0x6790] =	vst.add.f32.msk $0xffff, v2  }
0x18e: {  	[tilespmem:s12+$0x67A0] =	vst.add.f32.msk $0xffff, v3  }
0x18f: {  	[tilespmem:s12+$0x67B0] =	vst.add.f32.msk $0xffff, v4  }
0x190: {  	[tilespmem:s12+$0x67C0] =	vst.add.f32.msk $0xffff, v5  }
0x191: {  	[tilespmem:s12+$0x67D0] =	vst.add.f32.msk $0xffff, v6  }
0x192: {  	[tilespmem:s12+$0x67E0] =	vst.add.f32.msk $0xffff, v7  }
0x193: {  	[tilespmem:s12+$0x67F0] =	vst.add.f32.msk $0xffff, v8  }
0x194: {  	[tilespmem:s12+$0x6800] =	vst.add.f32.msk $0xffff, v9  }
0x195: {  	[tilespmem:s12+$0x6810] =	vst.add.f32.msk $0xffff, v10  }
0x196: {  	[tilespmem:s12+$0x6820] =	vst.add.f32.msk $0xffff, v11  }
0x197: {  	[tilespmem:s12+$0x6830] =	vst.add.f32.msk $0xffff, v12  }
0x198: {  	[tilespmem:s12+$0x6840] =	vst.add.f32.msk $0xffff, v13  }
0x199: {  	s17 =	simm.s32 $0x400;
	s16 =	simm.s32 $0x0;
	[tilespmem:s12+$0x6850] =	vst.add.f32.msk $0xffff, v14  }
.LBB2_11:
0x19a: {  	s16 =	sadd.s32 $0x2, s16;
	[tilespmem:s12+$0x6860] =	vst.add.f32.msk $0xffff, v0;
	s12 =	sshra.s32 s17, $0x2  }
0x19b: {  	v0 =	vld [tilespmem:s12+$0x470];
	p0 =	slt.u32 s16, $0xC6  }
0x19c: {  	v1 =	vld [tilespmem:s12+$0x380]  }
0x19d: {  	v2 =	vld [tilespmem:s12+$0x390]  }
0x19e: {  	v3 =	vld [tilespmem:s12+$0x3A0]  }
0x19f: {  	v4 =	vld [tilespmem:s12+$0x3B0]  }
0x1a0: {  	[tilespmem:s12+$0x6870] =	vst.add.f32.msk $0xffff, v0  }
0x1a1: {  	v5 =	vld [tilespmem:s12+$0x3C0]  }
0x1a2: {  	v6 =	vld [tilespmem:s12+$0x3D0]  }
0x1a3: {  	v7 =	vld [tilespmem:s12+$0x3E0]  }
0x1a4: {  	v8 =	vld [tilespmem:s12+$0x3F0]  }
0x1a5: {  	v9 =	vld [tilespmem:s12+$0x400]  }
0x1a6: {  	v10 =	vld [tilespmem:s12+$0x410]  }
0x1a7: {  	v11 =	vld [tilespmem:s12+$0x420]  }
0x1a8: {  	v12 =	vld [tilespmem:s12+$0x430]  }
0x1a9: {  	v13 =	vld [tilespmem:s12+$0x440]  }
0x1aa: {  	v14 =	vld [tilespmem:s12+$0x450]  }
0x1ab: {  	v0 =	vld [tilespmem:s12+$0x460]  }
0x1ac: {  	[tilespmem:s12+$0x6780] =	vst.add.f32.msk $0xffff, v1  }
0x1ad: {  	[tilespmem:s12+$0x6790] =	vst.add.f32.msk $0xffff, v2  }
0x1ae: {  	[tilespmem:s12+$0x67A0] =	vst.add.f32.msk $0xffff, v3  }
0x1af: {  	[tilespmem:s12+$0x67B0] =	vst.add.f32.msk $0xffff, v4  }
0x1b0: {  	[tilespmem:s12+$0x67C0] =	vst.add.f32.msk $0xffff, v5  }
0x1b1: {  	[tilespmem:s12+$0x67D0] =	vst.add.f32.msk $0xffff, v6  }
0x1b2: {  	[tilespmem:s12+$0x67E0] =	vst.add.f32.msk $0xffff, v7  }
0x1b3: {  	[tilespmem:s12+$0x67F0] =	vst.add.f32.msk $0xffff, v8  }
0x1b4: {  	[tilespmem:s12+$0x6800] =	vst.add.f32.msk $0xffff, v9  }
.Ltmp4:
0x1b5: {  	[tilespmem:s12+$0x6810] =	vst.add.f32.msk $0xffff, v10;
	(pc) =	sbr.rel @p0 .LBB2_11-.Ltmp4, $4  }
0x1b6: {  	[tilespmem:s12+$0x6820] =	vst.add.f32.msk $0xffff, v11  }
0x1b7: {  	[tilespmem:s12+$0x6830] =	vst.add.f32.msk $0xffff, v12  }
0x1b8: {  	[tilespmem:s12+$0x6840] =	vst.add.f32.msk $0xffff, v13  }
0x1b9: {  	s17 =	sadd.s32 $0x400, s17;
	[tilespmem:s12+$0x6850] =	vst.add.f32.msk $0xffff, v14  }
0x1ba: {  	s11 =	sadd.s32 s11, s19  }
0x1bb: {  	s11 =	sshll.u32 s11, $0x4  }
0x1bc: {  	[tilespmem:s12+$0x6860] =	vst.add.f32.msk $0xffff, v0;
	s12 =	simm.s32 $0x0;
	s11 =	sadd.s32 s4, s11  }
0x1bd: {  	[hbm4b:s11+s12] =	stream.linear.scatter [tilespmem:s30], [sflag:$0x5], $0x6400, $0x38;
	[tilespmem:$0x1F780] =	vst v63  }
0x1be: {  	s7 =	sadd.s32 $0x1, s7;
	_ =	swait.ge [sflag:s9], $0x6400  }
0x1bf: {  	p0 =	sne.s32 s7, $0x7;
	[sflag:s9] =	ssyncset.done $0x0  }
.Ltmp5:
0x1c0: {  	[sflag:s9] =	ssyncadd.s32 $0xFFFF9C00;
	(pc) =	sbr.rel @p0 .LBB2_4-.Ltmp5, $4  }
0x1c1: {  	_ =	swait.ge [sflag:s13], $0xC8  }
0x1c2: {  	[sflag:s13] =	ssyncset.done $0x0  }
0x1c3: {  	[sflag:s13] =	ssyncadd.s32 $0xFFFFFF38  }
0x1c4: {  	[tilespmem:s14], [sflag:$0x4] =	stream.indirect.gather [hbm4b:s1+s25], $0x80, s28, s25, $0xb8;
	[tilespmem:$0x1F780] =	vst v63  }
0x1c5: {  	_ =	swait.ge [sflag:s15], $0x6400  }
0x1c6: {  	[sflag:s15] =	ssyncset.done $0x0  }
0x1c7: {  	s5 =	simm.s32 $0x0;
	[sflag:s15] =	ssyncadd.s32 $0xFFFF9C00  }
0x1c8: {  	v0 =	vld [tilespmem:s5+$0x470]  }
0x1c9: {  	v1 =	vld [tilespmem:s5+$0x380]  }
0x1ca: {  	v2 =	vld [tilespmem:s5+$0x390]  }
0x1cb: {  	v3 =	vld [tilespmem:s5+$0x3A0]  }
0x1cc: {  	v4 =	vld [tilespmem:s5+$0x3B0]  }
0x1cd: {  	v5 =	vld [tilespmem:s5+$0x3C0]  }
0x1ce: {  	v6 =	vld [tilespmem:s5+$0x3D0]  }
0x1cf: {  	v7 =	vld [tilespmem:s5+$0x3E0]  }
0x1d0: {  	v8 =	vld [tilespmem:s5+$0x3F0]  }
0x1d1: {  	v9 =	vld [tilespmem:s5+$0x400]  }
0x1d2: {  	v10 =	vld [tilespmem:s5+$0x410]  }
0x1d3: {  	v11 =	vld [tilespmem:s5+$0x420]  }
0x1d4: {  	v12 =	vld [tilespmem:s5+$0x430]  }
0x1d5: {  	v13 =	vld [tilespmem:s5+$0x440]  }
0x1d6: {  	v14 =	vld [tilespmem:s5+$0x450]  }
0x1d7: {  	[tilespmem:s5+$0xCC70] =	vst.add.f32.msk $0xffff, v0  }
0x1d8: {  	v0 =	vld [tilespmem:s5+$0x460]  }
0x1d9: {  	[tilespmem:s5+$0xCB80] =	vst.add.f32.msk $0xffff, v1  }
0x1da: {  	[tilespmem:s5+$0xCB90] =	vst.add.f32.msk $0xffff, v2  }
0x1db: {  	[tilespmem:s5+$0xCBA0] =	vst.add.f32.msk $0xffff, v3  }
0x1dc: {  	[tilespmem:s5+$0xCBB0] =	vst.add.f32.msk $0xffff, v4  }
0x1dd: {  	[tilespmem:s5+$0xCBC0] =	vst.add.f32.msk $0xffff, v5  }
0x1de: {  	[tilespmem:s5+$0xCBD0] =	vst.add.f32.msk $0xffff, v6  }
0x1df: {  	[tilespmem:s5+$0xCBE0] =	vst.add.f32.msk $0xffff, v7  }
0x1e0: {  	[tilespmem:s5+$0xCBF0] =	vst.add.f32.msk $0xffff, v8  }
0x1e1: {  	[tilespmem:s5+$0xCC00] =	vst.add.f32.msk $0xffff, v9  }
0x1e2: {  	[tilespmem:s5+$0xCC10] =	vst.add.f32.msk $0xffff, v10  }
0x1e3: {  	[tilespmem:s5+$0xCC20] =	vst.add.f32.msk $0xffff, v11  }
0x1e4: {  	[tilespmem:s5+$0xCC30] =	vst.add.f32.msk $0xffff, v12  }
0x1e5: {  	[tilespmem:s5+$0xCC40] =	vst.add.f32.msk $0xffff, v13  }
0x1e6: {  	s7 =	simm.s32 $0x0;
	s11 =	simm.s32 $0x400;
	[tilespmem:s5+$0xCC50] =	vst.add.f32.msk $0xffff, v14  }
.LBB2_14:
0x1e7: {  	s7 =	sadd.s32 $0x2, s7;
	[tilespmem:s5+$0xCC60] =	vst.add.f32.msk $0xffff, v0;
	s5 =	sshra.s32 s11, $0x2  }
0x1e8: {  	v0 =	vld [tilespmem:s5+$0x470];
	p0 =	slt.u32 s7, $0xC6  }
0x1e9: {  	v1 =	vld [tilespmem:s5+$0x380]  }
0x1ea: {  	v2 =	vld [tilespmem:s5+$0x390]  }
0x1eb: {  	v3 =	vld [tilespmem:s5+$0x3A0]  }
0x1ec: {  	v4 =	vld [tilespmem:s5+$0x3B0]  }
0x1ed: {  	[tilespmem:s5+$0xCC70] =	vst.add.f32.msk $0xffff, v0  }
0x1ee: {  	v5 =	vld [tilespmem:s5+$0x3C0]  }
0x1ef: {  	v6 =	vld [tilespmem:s5+$0x3D0]  }
0x1f0: {  	v7 =	vld [tilespmem:s5+$0x3E0]  }
0x1f1: {  	v8 =	vld [tilespmem:s5+$0x3F0]  }
0x1f2: {  	v9 =	vld [tilespmem:s5+$0x400]  }
0x1f3: {  	v10 =	vld [tilespmem:s5+$0x410]  }
0x1f4: {  	v11 =	vld [tilespmem:s5+$0x420]  }
0x1f5: {  	v12 =	vld [tilespmem:s5+$0x430]  }
0x1f6: {  	v13 =	vld [tilespmem:s5+$0x440]  }
0x1f7: {  	v14 =	vld [tilespmem:s5+$0x450]  }
0x1f8: {  	v0 =	vld [tilespmem:s5+$0x460]  }
0x1f9: {  	[tilespmem:s5+$0xCB80] =	vst.add.f32.msk $0xffff, v1  }
0x1fa: {  	[tilespmem:s5+$0xCB90] =	vst.add.f32.msk $0xffff, v2  }
0x1fb: {  	[tilespmem:s5+$0xCBA0] =	vst.add.f32.msk $0xffff, v3  }
0x1fc: {  	[tilespmem:s5+$0xCBB0] =	vst.add.f32.msk $0xffff, v4  }
0x1fd: {  	[tilespmem:s5+$0xCBC0] =	vst.add.f32.msk $0xffff, v5  }
0x1fe: {  	[tilespmem:s5+$0xCBD0] =	vst.add.f32.msk $0xffff, v6  }
0x1ff: {  	[tilespmem:s5+$0xCBE0] =	vst.add.f32.msk $0xffff, v7  }
0x200: {  	[tilespmem:s5+$0xCBF0] =	vst.add.f32.msk $0xffff, v8  }
0x201: {  	[tilespmem:s5+$0xCC00] =	vst.add.f32.msk $0xffff, v9  }
.Ltmp6:
0x202: {  	[tilespmem:s5+$0xCC10] =	vst.add.f32.msk $0xffff, v10;
	(pc) =	sbr.rel @p0 .LBB2_14-.Ltmp6, $4  }
0x203: {  	[tilespmem:s5+$0xCC20] =	vst.add.f32.msk $0xffff, v11  }
0x204: {  	[tilespmem:s5+$0xCC30] =	vst.add.f32.msk $0xffff, v12  }
0x205: {  	[tilespmem:s5+$0xCC40] =	vst.add.f32.msk $0xffff, v13  }
0x206: {  	s11 =	sadd.s32 $0x400, s11;
	[tilespmem:s5+$0xCC50] =	vst.add.f32.msk $0xffff, v14  }
0x207: {  	[tilespmem:s5+$0xCC60] =	vst.add.f32.msk $0xffff, v0  }
0x208: {  	s17 =	simm.s32 $0x0;
	s7 =	rddreg [dreg:$0x10]  }
0x209: {  	[hbm4b:s7+s17] =	stream.linear.scatter [tilespmem:s2], [sflag:$0x6], $0x6400, $0x38;
	[tilespmem:$0x1F780] =	vst v63  }
0x20a: {  	_ =	swait.ge [sflag:s22], $0x6400  }
0x20b: {  	[sflag:s22] =	ssyncset.done $0x0  }
0x20c: {  	s5 =	simm.s32 $0x0;
	[sflag:s22] =	ssyncadd.s32 $0xFFFF9C00  }
0x20d: {  	v0 =	vld [tilespmem:s5+$0x470]  }
0x20e: {  	v1 =	vld [tilespmem:s5+$0x380]  }
0x20f: {  	v2 =	vld [tilespmem:s5+$0x390]  }
0x210: {  	v3 =	vld [tilespmem:s5+$0x3A0]  }
0x211: {  	v4 =	vld [tilespmem:s5+$0x3B0]  }
0x212: {  	v5 =	vld [tilespmem:s5+$0x3C0]  }
0x213: {  	v6 =	vld [tilespmem:s5+$0x3D0]  }
0x214: {  	v7 =	vld [tilespmem:s5+$0x3E0]  }
0x215: {  	v8 =	vld [tilespmem:s5+$0x3F0]  }
0x216: {  	v9 =	vld [tilespmem:s5+$0x400]  }
0x217: {  	v10 =	vld [tilespmem:s5+$0x410]  }
0x218: {  	v11 =	vld [tilespmem:s5+$0x420]  }
0x219: {  	v12 =	vld [tilespmem:s5+$0x430]  }
0x21a: {  	v13 =	vld [tilespmem:s5+$0x440]  }
0x21b: {  	v14 =	vld [tilespmem:s5+$0x450]  }
0x21c: {  	[tilespmem:s5+$0x13070] =	vst.add.f32.msk $0xffff, v0  }
0x21d: {  	v0 =	vld [tilespmem:s5+$0x460]  }
0x21e: {  	[tilespmem:s5+$0x12F80] =	vst.add.f32.msk $0xffff, v1  }
0x21f: {  	[tilespmem:s5+$0x12F90] =	vst.add.f32.msk $0xffff, v2  }
0x220: {  	[tilespmem:s5+$0x12FA0] =	vst.add.f32.msk $0xffff, v3  }
0x221: {  	[tilespmem:s5+$0x12FB0] =	vst.add.f32.msk $0xffff, v4  }
0x222: {  	[tilespmem:s5+$0x12FC0] =	vst.add.f32.msk $0xffff, v5  }
0x223: {  	[tilespmem:s5+$0x12FD0] =	vst.add.f32.msk $0xffff, v6  }
0x224: {  	[tilespmem:s5+$0x12FE0] =	vst.add.f32.msk $0xffff, v7  }
0x225: {  	[tilespmem:s5+$0x12FF0] =	vst.add.f32.msk $0xffff, v8  }
0x226: {  	[tilespmem:s5+$0x13000] =	vst.add.f32.msk $0xffff, v9  }
0x227: {  	[tilespmem:s5+$0x13010] =	vst.add.f32.msk $0xffff, v10  }
0x228: {  	[tilespmem:s5+$0x13020] =	vst.add.f32.msk $0xffff, v11  }
0x229: {  	[tilespmem:s5+$0x13030] =	vst.add.f32.msk $0xffff, v12  }
0x22a: {  	[tilespmem:s5+$0x13040] =	vst.add.f32.msk $0xffff, v13  }
0x22b: {  	s11 =	simm.s32 $0x400;
	s7 =	simm.s32 $0x0;
	[tilespmem:s5+$0x13050] =	vst.add.f32.msk $0xffff, v14  }
.LBB2_16:
0x22c: {  	s7 =	sadd.s32 $0x2, s7;
	[tilespmem:s5+$0x13060] =	vst.add.f32.msk $0xffff, v0;
	s5 =	sshra.s32 s11, $0x2  }
0x22d: {  	v0 =	vld [tilespmem:s5+$0x470];
	p0 =	slt.u32 s7, $0xC6  }
0x22e: {  	v1 =	vld [tilespmem:s5+$0x380]  }
0x22f: {  	v2 =	vld [tilespmem:s5+$0x390]  }
0x230: {  	v3 =	vld [tilespmem:s5+$0x3A0]  }
0x231: {  	v4 =	vld [tilespmem:s5+$0x3B0]  }
0x232: {  	[tilespmem:s5+$0x13070] =	vst.add.f32.msk $0xffff, v0  }
0x233: {  	v5 =	vld [tilespmem:s5+$0x3C0]  }
0x234: {  	v6 =	vld [tilespmem:s5+$0x3D0]  }
0x235: {  	v7 =	vld [tilespmem:s5+$0x3E0]  }
0x236: {  	v8 =	vld [tilespmem:s5+$0x3F0]  }
0x237: {  	v9 =	vld [tilespmem:s5+$0x400]  }
0x238: {  	v10 =	vld [tilespmem:s5+$0x410]  }
0x239: {  	v11 =	vld [tilespmem:s5+$0x420]  }
0x23a: {  	v12 =	vld [tilespmem:s5+$0x430]  }
0x23b: {  	v13 =	vld [tilespmem:s5+$0x440]  }
0x23c: {  	v14 =	vld [tilespmem:s5+$0x450]  }
0x23d: {  	v0 =	vld [tilespmem:s5+$0x460]  }
0x23e: {  	[tilespmem:s5+$0x12F80] =	vst.add.f32.msk $0xffff, v1  }
0x23f: {  	[tilespmem:s5+$0x12F90] =	vst.add.f32.msk $0xffff, v2  }
0x240: {  	[tilespmem:s5+$0x12FA0] =	vst.add.f32.msk $0xffff, v3  }
0x241: {  	[tilespmem:s5+$0x12FB0] =	vst.add.f32.msk $0xffff, v4  }
0x242: {  	[tilespmem:s5+$0x12FC0] =	vst.add.f32.msk $0xffff, v5  }
0x243: {  	[tilespmem:s5+$0x12FD0] =	vst.add.f32.msk $0xffff, v6  }
0x244: {  	[tilespmem:s5+$0x12FE0] =	vst.add.f32.msk $0xffff, v7  }
0x245: {  	[tilespmem:s5+$0x12FF0] =	vst.add.f32.msk $0xffff, v8  }
0x246: {  	[tilespmem:s5+$0x13000] =	vst.add.f32.msk $0xffff, v9  }
.Ltmp7:
0x247: {  	[tilespmem:s5+$0x13010] =	vst.add.f32.msk $0xffff, v10;
	(pc) =	sbr.rel @p0 .LBB2_16-.Ltmp7, $4  }
0x248: {  	[tilespmem:s5+$0x13020] =	vst.add.f32.msk $0xffff, v11  }
0x249: {  	[tilespmem:s5+$0x13030] =	vst.add.f32.msk $0xffff, v12  }
0x24a: {  	[tilespmem:s5+$0x13040] =	vst.add.f32.msk $0xffff, v13  }
0x24b: {  	s11 =	sadd.s32 $0x400, s11;
	[tilespmem:s5+$0x13050] =	vst.add.f32.msk $0xffff, v14  }
0x24c: {  	[tilespmem:s5+$0x13060] =	vst.add.f32.msk $0xffff, v0  }
0x24d: {  	s17 =	simm.s32 $0x0;
	s7 =	rddreg [dreg:$0x11]  }
0x24e: {  	[hbm4b:s7+s17] =	stream.linear.scatter [tilespmem:s3], [sflag:$0x7], $0x6400, $0x38;
	[tilespmem:$0x1F780] =	vst v63  }
0x24f: {  	_ =	swait.ge [sflag:s24], $0x6400  }
0x250: {  	[sflag:s24] =	ssyncset.done $0x0  }
0x251: {  	s5 =	simm.s32 $0x0;
	[sflag:s24] =	ssyncadd.s32 $0xFFFF9C00  }
0x252: {  	v0 =	vld [tilespmem:s5+$0x470]  }
0x253: {  	v1 =	vld [tilespmem:s5+$0x380]  }
0x254: {  	v2 =	vld [tilespmem:s5+$0x390]  }
0x255: {  	v3 =	vld [tilespmem:s5+$0x3A0]  }
0x256: {  	v4 =	vld [tilespmem:s5+$0x3B0]  }
0x257: {  	v5 =	vld [tilespmem:s5+$0x3C0]  }
0x258: {  	v6 =	vld [tilespmem:s5+$0x3D0]  }
0x259: {  	v7 =	vld [tilespmem:s5+$0x3E0]  }
0x25a: {  	v8 =	vld [tilespmem:s5+$0x3F0]  }
0x25b: {  	v9 =	vld [tilespmem:s5+$0x400]  }
0x25c: {  	v10 =	vld [tilespmem:s5+$0x410]  }
0x25d: {  	v11 =	vld [tilespmem:s5+$0x420]  }
0x25e: {  	v12 =	vld [tilespmem:s5+$0x430]  }
0x25f: {  	v13 =	vld [tilespmem:s5+$0x440]  }
0x260: {  	v14 =	vld [tilespmem:s5+$0x450]  }
0x261: {  	[tilespmem:s5+$0x19470] =	vst.add.f32.msk $0xffff, v0  }
0x262: {  	v0 =	vld [tilespmem:s5+$0x460]  }
0x263: {  	[tilespmem:s5+$0x19380] =	vst.add.f32.msk $0xffff, v1  }
0x264: {  	[tilespmem:s5+$0x19390] =	vst.add.f32.msk $0xffff, v2  }
0x265: {  	[tilespmem:s5+$0x193A0] =	vst.add.f32.msk $0xffff, v3  }
0x266: {  	[tilespmem:s5+$0x193B0] =	vst.add.f32.msk $0xffff, v4  }
0x267: {  	[tilespmem:s5+$0x193C0] =	vst.add.f32.msk $0xffff, v5  }
0x268: {  	[tilespmem:s5+$0x193D0] =	vst.add.f32.msk $0xffff, v6  }
0x269: {  	[tilespmem:s5+$0x193E0] =	vst.add.f32.msk $0xffff, v7  }
0x26a: {  	[tilespmem:s5+$0x193F0] =	vst.add.f32.msk $0xffff, v8  }
0x26b: {  	[tilespmem:s5+$0x19400] =	vst.add.f32.msk $0xffff, v9  }
0x26c: {  	[tilespmem:s5+$0x19410] =	vst.add.f32.msk $0xffff, v10  }
0x26d: {  	[tilespmem:s5+$0x19420] =	vst.add.f32.msk $0xffff, v11  }
0x26e: {  	[tilespmem:s5+$0x19430] =	vst.add.f32.msk $0xffff, v12  }
0x26f: {  	[tilespmem:s5+$0x19440] =	vst.add.f32.msk $0xffff, v13  }
0x270: {  	s11 =	simm.s32 $0x400;
	s7 =	simm.s32 $0x0;
	[tilespmem:s5+$0x19450] =	vst.add.f32.msk $0xffff, v14  }
.LBB2_18:
0x271: {  	s7 =	sadd.s32 $0x2, s7;
	[tilespmem:s5+$0x19460] =	vst.add.f32.msk $0xffff, v0;
	s5 =	sshra.s32 s11, $0x2  }
0x272: {  	v0 =	vld [tilespmem:s5+$0x470];
	p0 =	slt.u32 s7, $0xC6  }
0x273: {  	v1 =	vld [tilespmem:s5+$0x380]  }
0x274: {  	v2 =	vld [tilespmem:s5+$0x390]  }
0x275: {  	v3 =	vld [tilespmem:s5+$0x3A0]  }
0x276: {  	v4 =	vld [tilespmem:s5+$0x3B0]  }
0x277: {  	[tilespmem:s5+$0x19470] =	vst.add.f32.msk $0xffff, v0  }
0x278: {  	v5 =	vld [tilespmem:s5+$0x3C0]  }
0x279: {  	v6 =	vld [tilespmem:s5+$0x3D0]  }
0x27a: {  	v7 =	vld [tilespmem:s5+$0x3E0]  }
0x27b: {  	v8 =	vld [tilespmem:s5+$0x3F0]  }
0x27c: {  	v9 =	vld [tilespmem:s5+$0x400]  }
0x27d: {  	v10 =	vld [tilespmem:s5+$0x410]  }
0x27e: {  	v11 =	vld [tilespmem:s5+$0x420]  }
0x27f: {  	v12 =	vld [tilespmem:s5+$0x430]  }
0x280: {  	v13 =	vld [tilespmem:s5+$0x440]  }
0x281: {  	v14 =	vld [tilespmem:s5+$0x450]  }
0x282: {  	v0 =	vld [tilespmem:s5+$0x460]  }
0x283: {  	[tilespmem:s5+$0x19380] =	vst.add.f32.msk $0xffff, v1  }
0x284: {  	[tilespmem:s5+$0x19390] =	vst.add.f32.msk $0xffff, v2  }
0x285: {  	[tilespmem:s5+$0x193A0] =	vst.add.f32.msk $0xffff, v3  }
0x286: {  	[tilespmem:s5+$0x193B0] =	vst.add.f32.msk $0xffff, v4  }
0x287: {  	[tilespmem:s5+$0x193C0] =	vst.add.f32.msk $0xffff, v5  }
0x288: {  	[tilespmem:s5+$0x193D0] =	vst.add.f32.msk $0xffff, v6  }
0x289: {  	[tilespmem:s5+$0x193E0] =	vst.add.f32.msk $0xffff, v7  }
0x28a: {  	[tilespmem:s5+$0x193F0] =	vst.add.f32.msk $0xffff, v8  }
0x28b: {  	[tilespmem:s5+$0x19400] =	vst.add.f32.msk $0xffff, v9  }
.Ltmp8:
0x28c: {  	[tilespmem:s5+$0x19410] =	vst.add.f32.msk $0xffff, v10;
	(pc) =	sbr.rel @p0 .LBB2_18-.Ltmp8, $4  }
0x28d: {  	[tilespmem:s5+$0x19420] =	vst.add.f32.msk $0xffff, v11  }
0x28e: {  	[tilespmem:s5+$0x19430] =	vst.add.f32.msk $0xffff, v12  }
0x28f: {  	[tilespmem:s5+$0x19440] =	vst.add.f32.msk $0xffff, v13  }
0x290: {  	s11 =	sadd.s32 $0x400, s11;
	[tilespmem:s5+$0x19450] =	vst.add.f32.msk $0xffff, v14  }
0x291: {  	[tilespmem:s5+$0x19460] =	vst.add.f32.msk $0xffff, v0  }
0x292: {  	s5 =	rddreg [dreg:$0x12]  }
0x293: {  	[hbm4b:s5+s12] =	stream.linear.scatter [tilespmem:s14], [sflag:$0x8], $0x6400, $0x38;
	[tilespmem:$0x1F780] =	vst v63  }
0x294: {  	_ =	swait.ge [sflag:s21], $0x6400  }
0x295: {  	[sflag:s21] =	ssyncset.done $0x0  }
0x296: {  	[sflag:s21] =	ssyncadd.s32 $0xFFFF9C00  }
0x297: {  	_ =	swait.ge [sflag:s23], $0x6400  }
0x298: {  	[sflag:s23] =	ssyncset.done $0x0  }
0x299: {  	[sflag:s23] =	ssyncadd.s32 $0xFFFF9C00  }
0x29a: {  	_ =	swait.ge [sflag:s8], $0x6400  }
0x29b: {  	[sflag:s8] =	ssyncset.done $0x0  }
0x29c: {  	[sflag:s8] =	ssyncadd.s32 $0xFFFF9C00  }
0x29d: {  	_ =	swait.ge [sflag:s9], $0x6400  }
0x29e: {  	[sflag:s9] =	ssyncset.done $0x0  }
0x29f: {  	[sflag:s9] =	ssyncadd.s32 $0xFFFF9C00  }
0x2a0: {  	_ =	swait.ge [sflag:s29], $0xC8  }
0x2a1: {  	s7 =	rddreg [dreg:$0x14]  }
0x2a2: {  	s17 =	rddreg [dreg:$0x13];
	s7 =	sadd.s32 $0x1, s7  }
0x2a3: {  	p0 =	sne.s32 s7, s17  }
.Ltmp9:
0x2a4: {  	_ = 	snop;
	(pc) =	sbr.rel @p0 .LBB2_1-.Ltmp9, $3  }
0x2a5: {  	_ =	sdelay $0x1  }
0x2a6: {  	[sflag:s29] =	ssyncset.done $0x0  }
0x2a7: {  	[sflag:s29] =	ssyncadd.s32 $0xFFFFFF38  }
0x2a8: {  	_ =	sfence.sel $0x180000  }
0x2a9: {  	[bflag:$0x0] =	sbarrier.arrive $0xFFFF  }
0x2aa: {  	_ =	strace $0x90000047  }
0x2ab: {  	s0 =	stileid.u32;
	[bflag:$0x2] =	sbarrier.arrive $0xFFFF  }
0x2ac: {  	p0 =	sne.s32 s0, $0x0;
	s0 =	rddreg [dreg:$0x4]  }
0x2ad: {  	s0 =	sadd.s32 @!p0 $0x100000, s0  }
0x2ae: {  	[sflag:s0] =	ssyncadd.tile.s32 @!p0 $0x1;
	_ =	shalt  }
.Lfunc_end2:
_tile_overlayer_lowered:
.L_overlay_start_2:
0x2af: {  	(tag) =	ssettag $0x2  }
0x2b0: {  	s0 =	rddreg [dreg:$0x0];
	s2 =	stileid.u32  }
0x2b1: {  	s1 =	rddreg [dreg:$0x1];
	p0 =	sne.s32 s2, $0x0  }
0x2b2: {  	s3 =	rddreg [dreg:$0x2];
	[bflag:$0x3] =	sbarrier.arrive $0xFFFF;
	s2 =	simm.s32 @!p0 $0x1C0D  }
0x2b3: {  	[timem:s3], [sflag:s2] =	dma.local @!p0 [hbm:s0], s1  }
0x2b4: {  	s0 =	simm.s32 @!p0 $0xD  }
0x2b5: {  	_ =	swait.ge @!p0 [sflag:s0], s1  }
0x2b6: {  	s1 =	ssub.s32 @!p0 $0x0, s1;
	[sflag:s0] =	ssyncset.done @!p0 $0x0  }
0x2b7: {  	[sflag:s0] =	ssyncadd.s32 @!p0 s1  }
0x2b8: {  	[bflag:$0x3] =	sbarrier.arrive $0xFFFF  }
0x2b9: {  	_ =	shalt  }

</sc_bundles>
